<compile_context>
chip_gen: v7x
topology: tpu7x:2x2x1
jax: 0.10.2.dev20260603
libtpu: 0.0.44.dev20260713+nightly
codegen_flags: <defaults>
</compile_context>

<pallas_src>
import functools

import jax
import jax.numpy as jnp
from jax import lax
from jax.experimental import pallas as pl
from jax.experimental.pallas import tpu as pltpu
from jax.experimental.pallas import tpu_sc as plsc

NN = 50000
EE = 800000
GG = 64
DD = 64
HD = 32
NP = 50176
NTS = 16
BLK = 512
NBLK = NP // BLK
ROWS_PT = NP // NTS
CHUNK = 128


def _sc_scatter_body(table_hbm, src_hbm, dst_hbm, zero_hbm, out_hbm,
                     shared, idxs, idxs2, idxd, rows, sem):
    c = lax.axis_index("c")
    s = lax.axis_index("s")
    nchunks = src_hbm.shape[1]

    @pl.when(s == 0)
    def _init():
        pltpu.sync_copy(zero_hbm, shared)

    plsc.subcore_barrier()

    off = c * NP

    def chunk(j, _):
        pltpu.sync_copy(src_hbm.at[s, j], idxs)
        pltpu.sync_copy(dst_hbm.at[s, j], idxd)
        for k in range(CHUNK // 16):
            sl = pl.ds(k * 16, 16)
            idxs2[sl] = idxs[sl] + off
        pltpu.async_copy(table_hbm.at[idxs2], rows, sem).wait()
        pltpu.sync_copy(rows, shared.at[idxd], add=True)
        return _

    lax.fori_loop(0, nchunks, chunk, None)
    plsc.subcore_barrier()
    pltpu.sync_copy(shared.at[pl.ds(s * ROWS_PT, ROWS_PT), :],
                    out_hbm.at[pl.ds(c * NP + s * ROWS_PT, ROWS_PT), :])


def _sc_count_body(ones_hbm, dst_hbm, zero_hbm, out_hbm,
                   shared, idxd, rows, sem):
    c = lax.axis_index("c")
    s = lax.axis_index("s")
    nchunks = dst_hbm.shape[1]

    @pl.when(s == 0)
    def _init():
        pltpu.sync_copy(zero_hbm, shared)

    pltpu.sync_copy(ones_hbm, rows)
    plsc.subcore_barrier()

    def chunk(j, _):
        pltpu.sync_copy(dst_hbm.at[s, j], idxd)
        pltpu.sync_copy(rows, shared.at[idxd], add=True)
        return _

    lax.fori_loop(0, nchunks, chunk, None)
    plsc.subcore_barrier()
    pltpu.sync_copy(shared.at[pl.ds(s * ROWS_PT, ROWS_PT), :],
                    out_hbm.at[pl.ds(c * NP + s * ROWS_PT, ROWS_PT), :])


def _make_sc_count():
    mesh = plsc.VectorSubcoreMesh(core_axis_name="c", subcore_axis_name="s")
    return functools.partial(
        pl.kernel, mesh=mesh,
        compiler_params=pltpu.CompilerParams(use_tc_tiling_on_sc=False),
        out_type=jax.ShapeDtypeStruct((2 * NP, HD), jnp.float32),
        scratch_types=[
            pltpu.VMEM_SHARED((NP, HD), jnp.float32),
            pltpu.VMEM((CHUNK,), jnp.int32),
            pltpu.VMEM((CHUNK, HD), jnp.float32),
            pltpu.SemaphoreType.DMA,
        ],
    )(_sc_count_body)


def _make_sc_scatter(nchunks):
    mesh = plsc.VectorSubcoreMesh(core_axis_name="c", subcore_axis_name="s")
    return functools.partial(
        pl.kernel, mesh=mesh,
        compiler_params=pltpu.CompilerParams(use_tc_tiling_on_sc=False),
        out_type=jax.ShapeDtypeStruct((2 * NP, HD), jnp.float32),
        scratch_types=[
            pltpu.VMEM_SHARED((NP, HD), jnp.float32),
            pltpu.VMEM((CHUNK,), jnp.int32),
            pltpu.VMEM((CHUNK,), jnp.int32),
            pltpu.VMEM((CHUNK,), jnp.int32),
            pltpu.VMEM((CHUNK, HD), jnp.float32),
            pltpu.SemaphoreType.DMA,
        ],
    )(_sc_scatter_body)


_DOT = dict(preferred_element_type=jnp.float32)
_DOTX = dict(preferred_element_type=jnp.float32,
             precision=lax.Precision.HIGHEST)


def _tc_first_body(h0, h1, deg, w, o0, o1, d8):
    hh = jnp.concatenate([h0[...], h1[...]], axis=1)
    dinv = lax.rsqrt(deg[:, :1] + 1.0)
    mp = dinv * jnp.dot(hh, w[...], **_DOT)
    o0[...] = mp[:, :HD]
    o1[...] = mp[:, HD:]
    d8[...] = jnp.broadcast_to(dinv, (BLK, 8))


def _tc_mid_body(s0, s1, m0, m1, d8, b, w, o0, o1):
    sc = jnp.concatenate([s0[...], s1[...]], axis=1)
    mp = jnp.concatenate([m0[...], m1[...]], axis=1)
    dinv = d8[:, :1]
    h = jnp.maximum(dinv * (sc + mp) + b[...], 0.0)
    mn = dinv * jnp.dot(h, w[...], **_DOT)
    o0[...] = mn[:, :HD]
    o1[...] = mn[:, HD:]


def _tc_pool_body(s0, s1, m0, m1, d8, b, bat, wc1, bc1, wc2, bc2, out,
                  sums, cnts, maxs):
    i = pl.program_id(0)

    @pl.when(i == 0)
    def _init():
        sums[...] = jnp.zeros((GG, DD), jnp.float32)
        cnts[...] = jnp.zeros((GG, DD), jnp.float32)
        maxs[...] = jnp.full((GG, DD), -1e30, jnp.float32)

    sc = jnp.concatenate([s0[...], s1[...]], axis=1)
    mp = jnp.concatenate([m0[...], m1[...]], axis=1)
    dinv = d8[:, :1]
    h = jnp.maximum(dinv * (sc + mp) + b[...], 0.0)

    gids = lax.broadcasted_iota(jnp.int32, (BLK, GG), 1).astype(jnp.float32)
    oh = (bat[...] == gids).astype(jnp.float32)
    dn = (((0,), (0,)), ((), ()))
    sums[...] += lax.dot_general(oh, h, dn, **_DOTX)
    cnts[...] += lax.dot_general(oh, jnp.ones_like(h), dn, **_DOTX)

    def upd(g, _):
        mm = jnp.where(bat[...] == g.astype(jnp.float32), h, -1e30)
        bm = jnp.max(mm, axis=0, keepdims=True)
        maxs[pl.ds(g, 1), :] = jnp.maximum(maxs[pl.ds(g, 1), :], bm)
        return _

    lax.fori_loop(0, GG, upd, None)

    @pl.when(i == NBLK - 1)
    def _fin():
        cnt = cnts[...]
        mean = sums[...] / jnp.maximum(cnt, 1.0)
        mx = jnp.where(cnt > 0.0, maxs[...], 0.0)
        hg = jnp.concatenate([mean, mx], axis=1)
        hid = jnp.maximum(jnp.dot(hg, wc1[...], **_DOT) + bc1[...], 0.0)
        out[...] = jnp.dot(hid, wc2[...], **_DOT) + bc2[...]


def _half_spec():
    return pl.BlockSpec((BLK, HD), lambda i: (i, 0))


def _full_spec(shape):
    return pl.BlockSpec(shape, lambda i: tuple(0 for _ in shape))


def _tc_first(h0, h1, deg, w):
    return pl.pallas_call(
        _tc_first_body,
        grid=(NBLK,),
        in_specs=[_half_spec(), _half_spec(),
                  pl.BlockSpec((BLK, HD), lambda i: (i, 0)),
                  _full_spec((DD, DD))],
        out_specs=[_half_spec(), _half_spec(),
                   pl.BlockSpec((BLK, 8), lambda i: (i, 0))],
        out_shape=[jax.ShapeDtypeStruct((NP, HD), jnp.float32),
                   jax.ShapeDtypeStruct((NP, HD), jnp.float32),
                   jax.ShapeDtypeStruct((NP, 8), jnp.float32)],
    )(h0, h1, deg, w)


def _tc_mid(s0, s1, m0, m1, d8, b, w):
    return pl.pallas_call(
        _tc_mid_body,
        grid=(NBLK,),
        in_specs=[_half_spec(), _half_spec(), _half_spec(), _half_spec(),
                  pl.BlockSpec((BLK, 8), lambda i: (i, 0)),
                  _full_spec((1, DD)), _full_spec((DD, DD))],
        out_specs=[_half_spec(), _half_spec()],
        out_shape=[jax.ShapeDtypeStruct((NP, HD), jnp.float32),
                   jax.ShapeDtypeStruct((NP, HD), jnp.float32)],
    )(s0, s1, m0, m1, d8, b, w)


def _tc_pool(s0, s1, m0, m1, d8, b, bat3, wc1, bc1, wc2p, bc2p):
    return pl.pallas_call(
        _tc_pool_body,
        grid=(NBLK,),
        in_specs=[_half_spec(), _half_spec(), _half_spec(), _half_spec(),
                  pl.BlockSpec((BLK, 8), lambda i: (i, 0)),
                  _full_spec((1, DD)),
                  pl.BlockSpec((BLK, GG), lambda i: (i, 0)),
                  _full_spec((2 * DD, DD)), _full_spec((1, DD)),
                  _full_spec((DD, 128)), _full_spec((1, 128))],
        out_specs=pl.BlockSpec((GG, 128), lambda i: (0, 0)),
        out_shape=jax.ShapeDtypeStruct((GG, 128), jnp.float32),
        scratch_shapes=[pltpu.VMEM((GG, DD), jnp.float32),
                        pltpu.VMEM((GG, DD), jnp.float32),
                        pltpu.VMEM((GG, DD), jnp.float32)],
    )(s0, s1, m0, m1, d8, b, bat3, wc1, bc1, wc2p, bc2p)


def _pad_idx(a, total, fill):
    a = a.astype(jnp.int32)
    a = jnp.concatenate(
        [a, jnp.full((total - a.shape[0],), fill, jnp.int32)])
    return a.reshape(NTS, -1, CHUNK)


def _flat_table(m):
    return jnp.concatenate([m[:, :HD], m[:, HD:]], axis=0)


def kernel(x, edge_index, batch, emb, W1, b1, W2, b2, W3, b3,
           Wc1, bc1, Wc2, bc2):
    f32 = jnp.float32
    tok = x[:, 0].astype(jnp.int32)

    ep_emb = NTS * 25 * 128
    src_emb = _pad_idx(tok, ep_emb, 0)
    dst_emb = _pad_idx(jnp.arange(NN, dtype=jnp.int32), ep_emb, NN)
    ep_edge = NTS * 391 * 128
    src_e = _pad_idx(edge_index[0], ep_edge, 0)
    dst_e = _pad_idx(edge_index[1], ep_edge, NN)

    zero = jnp.zeros((NP, HD), f32)
    scat_small = _make_sc_scatter(25)
    scat_big = _make_sc_scatter(391)

    embp = jnp.zeros((NP, DD), f32).at[:emb.shape[0], :].set(emb)
    hflat = scat_small(_flat_table(embp), src_emb, dst_emb, zero)
    h0, h1 = hflat[:NP], hflat[NP:]

    degflat = _make_sc_count()(jnp.ones((CHUNK, HD), f32), dst_e, zero)
    deg = degflat[:NP]

    m0, m1, d8 = _tc_first(h0, h1, deg, W1)

    b1r = b1.reshape(1, DD)
    b2r = b2.reshape(1, DD)
    b3r = b3.reshape(1, DD)

    sflat = scat_big(jnp.concatenate([m0, m1], axis=0), src_e, dst_e, zero)
    m0, m1 = _tc_mid(sflat[:NP], sflat[NP:], m0, m1, d8, b1r, W2)

    sflat = scat_big(jnp.concatenate([m0, m1], axis=0), src_e, dst_e, zero)
    m0, m1 = _tc_mid(sflat[:NP], sflat[NP:], m0, m1, d8, b2r, W3)

    sflat = scat_big(jnp.concatenate([m0, m1], axis=0), src_e, dst_e, zero)

    batv = jnp.concatenate(
        [batch.astype(f32), jnp.full((NP - NN,), GG, f32)])
    batp = jnp.broadcast_to(batv[:, None], (NP, GG))
    wc2p = jnp.zeros((DD, 128), f32).at[:, :2].set(Wc2)
    bc2p = jnp.zeros((1, 128), f32).at[0, :2].set(bc2)
    out = _tc_pool(sflat[:NP], sflat[NP:], m0, m1, d8, b3r,
                   batp, Wc1, bc1.reshape(1, DD), wc2p, bc2p)
    return out[:, :2]

# --- scband reference (transcript-rebuilt; emitter-appended) ---
"""Pipeline reference for scband-devign-lite-62577673503033 (READ-ONLY COPY).

The authoritative reference and input builder live on the scoring server;
editing this copy changes nothing except your own understanding.
"""

import jax, jax.numpy as jnp
import numpy as np

N = 50000
E = 800000
VOCAB = 50000
NUM_GRAPHS = 64
DIM = 64


def setup_inputs(seed: int = 0) -> dict:
    key = jax.random.key(seed)
    ks = jax.random.split(key, 16)
    s = 0.05
    x = jax.random.randint(ks[0], (N, 1), 0, VOCAB)
    edge_index = jax.random.randint(ks[1], (2, E), 0, N)
    batch = jnp.sort(jax.random.randint(ks[2], (N,), 0, NUM_GRAPHS))
    emb = jax.random.normal(ks[3], (VOCAB, DIM), dtype=jnp.float32) * s
    W1 = jax.random.normal(ks[4], (DIM, DIM), dtype=jnp.float32) * s
    b1 = jnp.zeros((DIM,), dtype=jnp.float32)
    W2 = jax.random.normal(ks[5], (DIM, DIM), dtype=jnp.float32) * s
    b2 = jnp.zeros((DIM,), dtype=jnp.float32)
    W3 = jax.random.normal(ks[6], (DIM, DIM), dtype=jnp.float32) * s
    b3 = jnp.zeros((DIM,), dtype=jnp.float32)
    Wc1 = jax.random.normal(ks[7], (2 * DIM, DIM), dtype=jnp.float32) * s
    bc1 = jnp.zeros((DIM,), dtype=jnp.float32)
    Wc2 = jax.random.normal(ks[8], (DIM, 2), dtype=jnp.float32) * s
    bc2 = jnp.zeros((2,), dtype=jnp.float32)
    return {"x": x, "edge_index": edge_index, "batch": batch, "emb": emb,
            "W1": W1, "b1": b1, "W2": W2, "b2": b2, "W3": W3, "b3": b3,
            "Wc1": Wc1, "bc1": bc1, "Wc2": Wc2, "bc2": bc2}


def _gcn_layer(h, src, dst, norm, W, b, n):
    m = h @ W
    agg = jnp.zeros((n, W.shape[1]), dtype=h.dtype).at[dst].add(m[src] * norm[:, None])
    return agg + b


def reference(x, edge_index, batch, emb, W1, b1, W2, b2, W3, b3, Wc1, bc1, Wc2, bc2):
    tok = x[:, 0]
    h = jnp.take(emb, tok, axis=0)
    n = h.shape[0]
    # GCN normalization with self-loops (symmetric deg^-1/2 norm, as in PyG GCNConv)
    sl = jnp.arange(n)
    src = jnp.concatenate([edge_index[0], sl])
    dst = jnp.concatenate([edge_index[1], sl])
    deg = jnp.zeros((n,), dtype=h.dtype).at[dst].add(1.0)
    dinv = jax.lax.rsqrt(deg)
    norm = dinv[src] * dinv[dst]
    for (W, b) in ((W1, b1), (W2, b2), (W3, b3)):
        h = jax.nn.relu(_gcn_layer(h, src, dst, norm, W, b, n))
    # dropout p=0.0 -> identity
    counts = jnp.zeros((NUM_GRAPHS,), dtype=h.dtype).at[batch].add(1.0)
    sums = jax.ops.segment_sum(h, batch, num_segments=NUM_GRAPHS)
    h_mean = sums / jnp.clip(counts, 1.0)[:, None]
    h_max = jax.ops.segment_max(h, batch, num_segments=NUM_GRAPHS)
    h_max = jnp.where(counts[:, None] > 0, h_max, 0.0)
    hg = jnp.concatenate([h_mean, h_max], axis=-1)
    hid = jax.nn.relu(hg @ Wc1 + bc1)
    logits = hid @ Wc2 + bc2
    return logits

if __name__ == "__main__":
    import jax
    _d = setup_inputs()
    print(jax.jit(kernel)(*tuple(_d.values())))

</pallas_src>

<mosaic_0001>
#map = affine_map<(d0, d1) -> (0, 0)>
#map1 = affine_map<(d0, d1) -> (0, 0, 0)>
module attributes {stable_mosaic.version = 14 : i64} {
  func.func @_sc_scatter_body(%arg0: i32, %arg1: i32, %arg2: memref<100352x32xf32, #tpu.memory_space<hbm>>, %arg3: memref<16x25x128xi32, #tpu.memory_space<hbm>>, %arg4: memref<16x25x128xi32, #tpu.memory_space<hbm>>, %arg5: memref<50176x32xf32, #tpu.memory_space<hbm>>, %arg6: memref<100352x32xf32, #tpu.memory_space<hbm>>, %arg7: memref<50176x32xf32, #tpu.memory_space<vmem_shared>>, %arg8: memref<128xi32, #tpu.memory_space<vmem>>, %arg9: memref<128xi32, #tpu.memory_space<vmem>>, %arg10: memref<128xi32, #tpu.memory_space<vmem>>, %arg11: memref<128x32xf32, #tpu.memory_space<vmem>>, %arg12: memref<!tpu.dma_semaphore, #tpu.memory_space<semaphore_mem>>) attributes {dimension_semantics = [#tpu.dimension_semantics<core_parallel>, #tpu.dimension_semantics<subcore_parallel>], iteration_bounds = array<i64: 2, 16>, scalar_prefetch = 0 : i64, scratch_operands = 6 : i64, tpu.core_type = #tpu.core_type<sc_vector_subcore>, window_params = [{transform_indices = #map}, {transform_indices = #map1}, {transform_indices = #map1}, {transform_indices = #map}, {transform_indices = #map}]} {
    %eq3A = arith.constant 0 : i32
    %eq3A_0 = arith.cmpi eq, %arg1, %eq3A : i32
    %convert_element_type3A = arith.extui %eq3A_0 : i1 to i32
    %cond3A = arith.constant 0 : i32
    %cond3A_1 = arith.cmpi ne, %convert_element_type3A, %cond3A : i32
    scf.if %cond3A_1 {
      "tpu.region"() ({
        %run_scoped3A = tpu.sem_alloc : memref<!tpu.dma_semaphore, #tpu.memory_space<semaphore_mem>>
        tpu.enqueue_dma source(%arg5 : memref<50176x32xf32, #tpu.memory_space<hbm>>) target(%arg7 : memref<50176x32xf32, #tpu.memory_space<vmem_shared>>) target_semaphore(%run_scoped3A : memref<!tpu.dma_semaphore, #tpu.memory_space<semaphore_mem>>)
        tpu.wait_dma2 semaphore(%run_scoped3A : memref<!tpu.dma_semaphore, #tpu.memory_space<semaphore_mem>>) src(%arg5 : memref<50176x32xf32, #tpu.memory_space<hbm>>) dst(%arg7 : memref<50176x32xf32, #tpu.memory_space<vmem_shared>>)
        tpu.yield
      }) : () -> ()
    } else {
    }
    %barrier3A = arith.constant 0 : index
    tpu.barrier barrier_id(%barrier3A)
    %mul3A = arith.constant 50176 : i32
    %mul3A_2 = arith.muli %arg0, %mul3A : i32
    %scan3A = arith.constant 0 : i32
    %scan3A_3 = arith.constant 25 : i32
    %scan3A_4 = arith.addi %scan3A, %scan3A_3 : i32
    %scan3A_5 = arith.constant 1 : i32
    scf.for %scan3A_14 = %scan3A to %scan3A_4 step %scan3A_5  : i32 {
      "tpu.region"() ({
        %run_scoped3A = tpu.sem_alloc : memref<!tpu.dma_semaphore, #tpu.memory_space<semaphore_mem>>
        %dma_start3A_89 = arith.constant 0 : i32
        %dma_start3A_90 = tpu.memref_slice %arg3[%arg1, %scan3A_14, %dma_start3A_89] : memref<16x25x128xi32, #tpu.memory_space<hbm>> -> memref<1x1x128xi32, #tpu.memory_space<hbm>>
        %dma_start3A_91 = tpu.memref_squeeze %dma_start3A_90 : memref<1x1x128xi32, #tpu.memory_space<hbm>> -> memref<128xi32, #tpu.memory_space<hbm>>
        %dma_start3A_92 = arith.constant 0 : i32
        %dma_start3A_93 = tpu.memref_slice %arg3[%arg1, %scan3A_14, %dma_start3A_92] : memref<16x25x128xi32, #tpu.memory_space<hbm>> -> memref<1x1x128xi32, #tpu.memory_space<hbm>>
        %dma_start3A_94 = tpu.memref_squeeze %dma_start3A_93 : memref<1x1x128xi32, #tpu.memory_space<hbm>> -> memref<128xi32, #tpu.memory_space<hbm>>
        tpu.enqueue_dma source(%dma_start3A_94 : memref<128xi32, #tpu.memory_space<hbm>>) target(%arg8 : memref<128xi32, #tpu.memory_space<vmem>>) target_semaphore(%run_scoped3A : memref<!tpu.dma_semaphore, #tpu.memory_space<semaphore_mem>>)
        %dma_wait3A_95 = arith.constant 0 : i32
        %dma_wait3A_96 = tpu.memref_slice %arg3[%arg1, %scan3A_14, %dma_wait3A_95] : memref<16x25x128xi32, #tpu.memory_space<hbm>> -> memref<1x1x128xi32, #tpu.memory_space<hbm>>
        %dma_wait3A_97 = tpu.memref_squeeze %dma_wait3A_96 : memref<1x1x128xi32, #tpu.memory_space<hbm>> -> memref<128xi32, #tpu.memory_space<hbm>>
        %dma_wait3A_98 = arith.constant 0 : i32
        %dma_wait3A_99 = tpu.memref_slice %arg3[%arg1, %scan3A_14, %dma_wait3A_98] : memref<16x25x128xi32, #tpu.memory_space<hbm>> -> memref<1x1x128xi32, #tpu.memory_space<hbm>>
        %dma_wait3A_100 = tpu.memref_squeeze %dma_wait3A_99 : memref<1x1x128xi32, #tpu.memory_space<hbm>> -> memref<128xi32, #tpu.memory_space<hbm>>
        tpu.wait_dma2 semaphore(%run_scoped3A : memref<!tpu.dma_semaphore, #tpu.memory_space<semaphore_mem>>) src(%dma_wait3A_100 : memref<128xi32, #tpu.memory_space<hbm>>) dst(%arg8 : memref<128xi32, #tpu.memory_space<vmem>>)
        tpu.yield
      }) : () -> ()
      "tpu.region"() ({
        %run_scoped3A = tpu.sem_alloc : memref<!tpu.dma_semaphore, #tpu.memory_space<semaphore_mem>>
        %dma_start3A_89 = arith.constant 0 : i32
        %dma_start3A_90 = tpu.memref_slice %arg4[%arg1, %scan3A_14, %dma_start3A_89] : memref<16x25x128xi32, #tpu.memory_space<hbm>> -> memref<1x1x128xi32, #tpu.memory_space<hbm>>
        %dma_start3A_91 = tpu.memref_squeeze %dma_start3A_90 : memref<1x1x128xi32, #tpu.memory_space<hbm>> -> memref<128xi32, #tpu.memory_space<hbm>>
        %dma_start3A_92 = arith.constant 0 : i32
        %dma_start3A_93 = tpu.memref_slice %arg4[%arg1, %scan3A_14, %dma_start3A_92] : memref<16x25x128xi32, #tpu.memory_space<hbm>> -> memref<1x1x128xi32, #tpu.memory_space<hbm>>
        %dma_start3A_94 = tpu.memref_squeeze %dma_start3A_93 : memref<1x1x128xi32, #tpu.memory_space<hbm>> -> memref<128xi32, #tpu.memory_space<hbm>>
        tpu.enqueue_dma source(%dma_start3A_94 : memref<128xi32, #tpu.memory_space<hbm>>) target(%arg10 : memref<128xi32, #tpu.memory_space<vmem>>) target_semaphore(%run_scoped3A : memref<!tpu.dma_semaphore, #tpu.memory_space<semaphore_mem>>)
        %dma_wait3A_95 = arith.constant 0 : i32
        %dma_wait3A_96 = tpu.memref_slice %arg4[%arg1, %scan3A_14, %dma_wait3A_95] : memref<16x25x128xi32, #tpu.memory_space<hbm>> -> memref<1x1x128xi32, #tpu.memory_space<hbm>>
        %dma_wait3A_97 = tpu.memref_squeeze %dma_wait3A_96 : memref<1x1x128xi32, #tpu.memory_space<hbm>> -> memref<128xi32, #tpu.memory_space<hbm>>
        %dma_wait3A_98 = arith.constant 0 : i32
        %dma_wait3A_99 = tpu.memref_slice %arg4[%arg1, %scan3A_14, %dma_wait3A_98] : memref<16x25x128xi32, #tpu.memory_space<hbm>> -> memref<1x1x128xi32, #tpu.memory_space<hbm>>
        %dma_wait3A_100 = tpu.memref_squeeze %dma_wait3A_99 : memref<1x1x128xi32, #tpu.memory_space<hbm>> -> memref<128xi32, #tpu.memory_space<hbm>>
        tpu.wait_dma2 semaphore(%run_scoped3A : memref<!tpu.dma_semaphore, #tpu.memory_space<semaphore_mem>>) src(%dma_wait3A_100 : memref<128xi32, #tpu.memory_space<hbm>>) dst(%arg10 : memref<128xi32, #tpu.memory_space<vmem>>)
        tpu.yield
      }) : () -> ()
      %get3A = arith.constant 0 : index
      %get3A_15 = tpu.vector_load %arg8[%get3A] {strides = array<i32>} : memref<128xi32, #tpu.memory_space<vmem>>, vector<16xi32>,
      %get3A_16 = vector.shape_cast %get3A_15 : vector<16xi32> to vector<16xi32>
      %add3A_17 = vector.broadcast %mul3A_2 : i32 to vector<16xi32>
      %add3A_18 = arith.addi %get3A_16, %add3A_17 : vector<16xi32>
      %swap3A = arith.constant 0 : index
      %swap3A_19 = tpu.vector_load %arg9[%swap3A] {strides = array<i32>} : memref<128xi32, #tpu.memory_space<vmem>>, vector<16xi32>,
      %swap3A_20 = vector.shape_cast %swap3A_19 : vector<16xi32> to vector<16xi32>
      %swap3A_21 = vector.shape_cast %add3A_18 : vector<16xi32> to vector<16xi32>
      tpu.vector_store %arg9[%swap3A], %swap3A_21 {strides = array<i32>} : memref<128xi32, #tpu.memory_space<vmem>>, vector<16xi32>,
      %get3A_22 = arith.constant 16 : index
      %get3A_23 = tpu.vector_load %arg8[%get3A_22] {strides = array<i32>} : memref<128xi32, #tpu.memory_space<vmem>>, vector<16xi32>,
      %get3A_24 = vector.shape_cast %get3A_23 : vector<16xi32> to vector<16xi32>
      %add3A_25 = vector.broadcast %mul3A_2 : i32 to vector<16xi32>
      %add3A_26 = arith.addi %get3A_24, %add3A_25 : vector<16xi32>
      %swap3A_27 = arith.constant 16 : index
      %swap3A_28 = tpu.vector_load %arg9[%swap3A_27] {strides = array<i32>} : memref<128xi32, #tpu.memory_space<vmem>>, vector<16xi32>,
      %swap3A_29 = vector.shape_cast %swap3A_28 : vector<16xi32> to vector<16xi32>
      %swap3A_30 = vector.shape_cast %add3A_26 : vector<16xi32> to vector<16xi32>
      tpu.vector_store %arg9[%swap3A_27], %swap3A_30 {strides = array<i32>} : memref<128xi32, #tpu.memory_space<vmem>>, vector<16xi32>,
      %get3A_31 = arith.constant 32 : index
      %get3A_32 = tpu.vector_load %arg8[%get3A_31] {strides = array<i32>} : memref<128xi32, #tpu.memory_space<vmem>>, vector<16xi32>,
      %get3A_33 = vector.shape_cast %get3A_32 : vector<16xi32> to vector<16xi32>
      %add3A_34 = vector.broadcast %mul3A_2 : i32 to vector<16xi32>
      %add3A_35 = arith.addi %get3A_33, %add3A_34 : vector<16xi32>
      %swap3A_36 = arith.constant 32 : index
      %swap3A_37 = tpu.vector_load %arg9[%swap3A_36] {strides = array<i32>} : memref<128xi32, #tpu.memory_space<vmem>>, vector<16xi32>,
      %swap3A_38 = vector.shape_cast %swap3A_37 : vector<16xi32> to vector<16xi32>
      %swap3A_39 = vector.shape_cast %add3A_35 : vector<16xi32> to vector<16xi32>
      tpu.vector_store %arg9[%swap3A_36], %swap3A_39 {strides = array<i32>} : memref<128xi32, #tpu.memory_space<vmem>>, vector<16xi32>,
      %get3A_40 = arith.constant 48 : index
      %get3A_41 = tpu.vector_load %arg8[%get3A_40] {strides = array<i32>} : memref<128xi32, #tpu.memory_space<vmem>>, vector<16xi32>,
      %get3A_42 = vector.shape_cast %get3A_41 : vector<16xi32> to vector<16xi32>
      %add3A_43 = vector.broadcast %mul3A_2 : i32 to vector<16xi32>
      %add3A_44 = arith.addi %get3A_42, %add3A_43 : vector<16xi32>
      %swap3A_45 = arith.constant 48 : index
      %swap3A_46 = tpu.vector_load %arg9[%swap3A_45] {strides = array<i32>} : memref<128xi32, #tpu.memory_space<vmem>>, vector<16xi32>,
      %swap3A_47 = vector.shape_cast %swap3A_46 : vector<16xi32> to vector<16xi32>
      %swap3A_48 = vector.shape_cast %add3A_44 : vector<16xi32> to vector<16xi32>
      tpu.vector_store %arg9[%swap3A_45], %swap3A_48 {strides = array<i32>} : memref<128xi32, #tpu.memory_space<vmem>>, vector<16xi32>,
      %get3A_49 = arith.constant 64 : index
      %get3A_50 = tpu.vector_load %arg8[%get3A_49] {strides = array<i32>} : memref<128xi32, #tpu.memory_space<vmem>>, vector<16xi32>,
      %get3A_51 = vector.shape_cast %get3A_50 : vector<16xi32> to vector<16xi32>
      %add3A_52 = vector.broadcast %mul3A_2 : i32 to vector<16xi32>
      %add3A_53 = arith.addi %get3A_51, %add3A_52 : vector<16xi32>
      %swap3A_54 = arith.constant 64 : index
      %swap3A_55 = tpu.vector_load %arg9[%swap3A_54] {strides = array<i32>} : memref<128xi32, #tpu.memory_space<vmem>>, vector<16xi32>,
      %swap3A_56 = vector.shape_cast %swap3A_55 : vector<16xi32> to vector<16xi32>
      %swap3A_57 = vector.shape_cast %add3A_53 : vector<16xi32> to vector<16xi32>
      tpu.vector_store %arg9[%swap3A_54], %swap3A_57 {strides = array<i32>} : memref<128xi32, #tpu.memory_space<vmem>>, vector<16xi32>,
      %get3A_58 = arith.constant 80 : index
      %get3A_59 = tpu.vector_load %arg8[%get3A_58] {strides = array<i32>} : memref<128xi32, #tpu.memory_space<vmem>>, vector<16xi32>,
      %get3A_60 = vector.shape_cast %get3A_59 : vector<16xi32> to vector<16xi32>
      %add3A_61 = vector.broadcast %mul3A_2 : i32 to vector<16xi32>
      %add3A_62 = arith.addi %get3A_60, %add3A_61 : vector<16xi32>
      %swap3A_63 = arith.constant 80 : index
      %swap3A_64 = tpu.vector_load %arg9[%swap3A_63] {strides = array<i32>} : memref<128xi32, #tpu.memory_space<vmem>>, vector<16xi32>,
      %swap3A_65 = vector.shape_cast %swap3A_64 : vector<16xi32> to vector<16xi32>
      %swap3A_66 = vector.shape_cast %add3A_62 : vector<16xi32> to vector<16xi32>
      tpu.vector_store %arg9[%swap3A_63], %swap3A_66 {strides = array<i32>} : memref<128xi32, #tpu.memory_space<vmem>>, vector<16xi32>,
      %get3A_67 = arith.constant 96 : index
      %get3A_68 = tpu.vector_load %arg8[%get3A_67] {strides = array<i32>} : memref<128xi32, #tpu.memory_space<vmem>>, vector<16xi32>,
      %get3A_69 = vector.shape_cast %get3A_68 : vector<16xi32> to vector<16xi32>
      %add3A_70 = vector.broadcast %mul3A_2 : i32 to vector<16xi32>
      %add3A_71 = arith.addi %get3A_69, %add3A_70 : vector<16xi32>
      %swap3A_72 = arith.constant 96 : index
      %swap3A_73 = tpu.vector_load %arg9[%swap3A_72] {strides = array<i32>} : memref<128xi32, #tpu.memory_space<vmem>>, vector<16xi32>,
      %swap3A_74 = vector.shape_cast %swap3A_73 : vector<16xi32> to vector<16xi32>
      %swap3A_75 = vector.shape_cast %add3A_71 : vector<16xi32> to vector<16xi32>
      tpu.vector_store %arg9[%swap3A_72], %swap3A_75 {strides = array<i32>} : memref<128xi32, #tpu.memory_space<vmem>>, vector<16xi32>,
      %get3A_76 = arith.constant 112 : index
      %get3A_77 = tpu.vector_load %arg8[%get3A_76] {strides = array<i32>} : memref<128xi32, #tpu.memory_space<vmem>>, vector<16xi32>,
      %get3A_78 = vector.shape_cast %get3A_77 : vector<16xi32> to vector<16xi32>
      %add3A_79 = vector.broadcast %mul3A_2 : i32 to vector<16xi32>
      %add3A_80 = arith.addi %get3A_78, %add3A_79 : vector<16xi32>
      %swap3A_81 = arith.constant 112 : index
      %swap3A_82 = tpu.vector_load %arg9[%swap3A_81] {strides = array<i32>} : memref<128xi32, #tpu.memory_space<vmem>>, vector<16xi32>,
      %swap3A_83 = vector.shape_cast %swap3A_82 : vector<16xi32> to vector<16xi32>
      %swap3A_84 = vector.shape_cast %add3A_80 : vector<16xi32> to vector<16xi32>
      tpu.vector_store %arg9[%swap3A_81], %swap3A_84 {strides = array<i32>} : memref<128xi32, #tpu.memory_space<vmem>>, vector<16xi32>,
      %dma_start3A = arith.constant 0 : i32
      %dma_start3A_85 = arith.constant 0 : i32
      %dma_start3A_86 = tpu.memref_slice %arg2[%dma_start3A, %dma_start3A_85] : memref<100352x32xf32, #tpu.memory_space<hbm>> -> memref<100352x32xf32, #tpu.memory_space<hbm>>
      tpu.enqueue_indirect_dma source(%dma_start3A_86 : memref<100352x32xf32, #tpu.memory_space<hbm>>) target(%arg11 : memref<128x32xf32, #tpu.memory_space<vmem>>) offsets(%arg9 : memref<128xi32, #tpu.memory_space<vmem>>) semaphore(%arg12 : memref<!tpu.dma_semaphore, #tpu.memory_space<semaphore_mem>>)
      %dma_wait3A = arith.constant 0 : i32
      %dma_wait3A_87 = arith.constant 0 : i32
      %dma_wait3A_88 = tpu.memref_slice %arg2[%dma_wait3A, %dma_wait3A_87] : memref<100352x32xf32, #tpu.memory_space<hbm>> -> memref<100352x32xf32, #tpu.memory_space<hbm>>
      tpu.wait_indirect_dma semaphore(%arg12 : memref<!tpu.dma_semaphore, #tpu.memory_space<semaphore_mem>>) src(%dma_wait3A_88 : memref<100352x32xf32, #tpu.memory_space<hbm>>) dst(%arg11 : memref<128x32xf32, #tpu.memory_space<vmem>>)
      "tpu.region"() ({
        %run_scoped3A = tpu.sem_alloc : memref<!tpu.dma_semaphore, #tpu.memory_space<semaphore_mem>>
        %dma_start3A_89 = arith.constant 0 : i32
        %dma_start3A_90 = arith.constant 0 : i32
        %dma_start3A_91 = tpu.memref_slice %arg7[%dma_start3A_89, %dma_start3A_90] : memref<50176x32xf32, #tpu.memory_space<vmem_shared>> -> memref<50176x32xf32, #tpu.memory_space<vmem_shared>>
        tpu.enqueue_indirect_dma source(%arg11 : memref<128x32xf32, #tpu.memory_space<vmem>>) target(%dma_start3A_91 : memref<50176x32xf32, #tpu.memory_space<vmem_shared>>) offsets(%arg10 : memref<128xi32, #tpu.memory_space<vmem>>) semaphore(%run_scoped3A : memref<!tpu.dma_semaphore, #tpu.memory_space<semaphore_mem>>) {add = true}
        %dma_wait3A_92 = arith.constant 0 : i32
        %dma_wait3A_93 = arith.constant 0 : i32
        %dma_wait3A_94 = tpu.memref_slice %arg7[%dma_wait3A_92, %dma_wait3A_93] : memref<50176x32xf32, #tpu.memory_space<vmem_shared>> -> memref<50176x32xf32, #tpu.memory_space<vmem_shared>>
        tpu.wait_indirect_dma semaphore(%run_scoped3A : memref<!tpu.dma_semaphore, #tpu.memory_space<semaphore_mem>>) src(%arg11 : memref<128x32xf32, #tpu.memory_space<vmem>>) dst(%dma_wait3A_94 : memref<50176x32xf32, #tpu.memory_space<vmem_shared>>)
        tpu.yield
      }) : () -> ()
    }
    %scan3A_6 = arith.constant 25 : i32
    %barrier3A_7 = arith.constant 0 : index
    tpu.barrier barrier_id(%barrier3A_7)
    %mul3A_8 = arith.constant 3136 : i32
    %mul3A_9 = arith.muli %arg1, %mul3A_8 : i32
    %mul3A_10 = arith.constant 50176 : i32
    %mul3A_11 = arith.muli %arg0, %mul3A_10 : i32
    %mul3A_12 = arith.constant 3136 : i32
    %mul3A_13 = arith.muli %arg1, %mul3A_12 : i32
    %add3A = arith.addi %mul3A_11, %mul3A_13 : i32
    "tpu.region"() ({
      %run_scoped3A = tpu.sem_alloc : memref<!tpu.dma_semaphore, #tpu.memory_space<semaphore_mem>>
      %dma_start3A = arith.constant 0 : i32
      %dma_start3A_14 = tpu.memref_slice %arg6[%add3A, %dma_start3A] : memref<100352x32xf32, #tpu.memory_space<hbm>> -> memref<3136x32xf32, #tpu.memory_space<hbm>>
      %dma_start3A_15 = arith.constant 0 : i32
      %dma_start3A_16 = tpu.memref_slice %arg7[%mul3A_9, %dma_start3A_15] : memref<50176x32xf32, #tpu.memory_space<vmem_shared>> -> memref<3136x32xf32, #tpu.memory_space<vmem_shared>>
      tpu.enqueue_dma source(%dma_start3A_16 : memref<3136x32xf32, #tpu.memory_space<vmem_shared>>) target(%dma_start3A_14 : memref<3136x32xf32, #tpu.memory_space<hbm>>) target_semaphore(%run_scoped3A : memref<!tpu.dma_semaphore, #tpu.memory_space<semaphore_mem>>)
      %dma_wait3A = arith.constant 0 : i32
      %dma_wait3A_17 = tpu.memref_slice %arg6[%add3A, %dma_wait3A] : memref<100352x32xf32, #tpu.memory_space<hbm>> -> memref<3136x32xf32, #tpu.memory_space<hbm>>
      %dma_wait3A_18 = arith.constant 0 : i32
      %dma_wait3A_19 = tpu.memref_slice %arg7[%mul3A_9, %dma_wait3A_18] : memref<50176x32xf32, #tpu.memory_space<vmem_shared>> -> memref<3136x32xf32, #tpu.memory_space<vmem_shared>>
      tpu.wait_dma2 semaphore(%run_scoped3A : memref<!tpu.dma_semaphore, #tpu.memory_space<semaphore_mem>>) src(%dma_wait3A_19 : memref<3136x32xf32, #tpu.memory_space<vmem_shared>>) dst(%dma_wait3A_17 : memref<3136x32xf32, #tpu.memory_space<hbm>>)
      tpu.yield
    }) : () -> ()
    return
  }
}

#map = affine_map<(d0, d1) -> (0, 0)>
#map1 = affine_map<(d0, d1) -> (0, 0, 0)>
module attributes {stable_mosaic.version = 14 : i64} {
  func.func @_sc_count_body(%arg0: i32, %arg1: i32, %arg2: memref<128x32xf32, #tpu.memory_space<hbm>>, %arg3: memref<16x391x128xi32, #tpu.memory_space<hbm>>, %arg4: memref<50176x32xf32, #tpu.memory_space<hbm>>, %arg5: memref<100352x32xf32, #tpu.memory_space<hbm>>, %arg6: memref<50176x32xf32, #tpu.memory_space<vmem_shared>>, %arg7: memref<128xi32, #tpu.memory_space<vmem>>, %arg8: memref<128x32xf32, #tpu.memory_space<vmem>>, %arg9: memref<!tpu.dma_semaphore, #tpu.memory_space<semaphore_mem>>) attributes {dimension_semantics = [#tpu.dimension_semantics<core_parallel>, #tpu.dimension_semantics<subcore_parallel>], iteration_bounds = array<i64: 2, 16>, scalar_prefetch = 0 : i64, scratch_operands = 4 : i64, tpu.core_type = #tpu.core_type<sc_vector_subcore>, window_params = [{transform_indices = #map}, {transform_indices = #map1}, {transform_indices = #map}, {transform_indices = #map}]} {
    %eq3A = arith.constant 0 : i32
    %eq3A_0 = arith.cmpi eq, %arg1, %eq3A : i32
    %convert_element_type3A = arith.extui %eq3A_0 : i1 to i32
    %cond3A = arith.constant 0 : i32
    %cond3A_1 = arith.cmpi ne, %convert_element_type3A, %cond3A : i32
    scf.if %cond3A_1 {
      "tpu.region"() ({
        %run_scoped3A = tpu.sem_alloc : memref<!tpu.dma_semaphore, #tpu.memory_space<semaphore_mem>>
        tpu.enqueue_dma source(%arg4 : memref<50176x32xf32, #tpu.memory_space<hbm>>) target(%arg6 : memref<50176x32xf32, #tpu.memory_space<vmem_shared>>) target_semaphore(%run_scoped3A : memref<!tpu.dma_semaphore, #tpu.memory_space<semaphore_mem>>)
        tpu.wait_dma2 semaphore(%run_scoped3A : memref<!tpu.dma_semaphore, #tpu.memory_space<semaphore_mem>>) src(%arg4 : memref<50176x32xf32, #tpu.memory_space<hbm>>) dst(%arg6 : memref<50176x32xf32, #tpu.memory_space<vmem_shared>>)
        tpu.yield
      }) : () -> ()
    } else {
    }
    "tpu.region"() ({
      %run_scoped3A = tpu.sem_alloc : memref<!tpu.dma_semaphore, #tpu.memory_space<semaphore_mem>>
      tpu.enqueue_dma source(%arg2 : memref<128x32xf32, #tpu.memory_space<hbm>>) target(%arg8 : memref<128x32xf32, #tpu.memory_space<vmem>>) target_semaphore(%run_scoped3A : memref<!tpu.dma_semaphore, #tpu.memory_space<semaphore_mem>>)
      tpu.wait_dma2 semaphore(%run_scoped3A : memref<!tpu.dma_semaphore, #tpu.memory_space<semaphore_mem>>) src(%arg2 : memref<128x32xf32, #tpu.memory_space<hbm>>) dst(%arg8 : memref<128x32xf32, #tpu.memory_space<vmem>>)
      tpu.yield
    }) : () -> ()
    %barrier3A = arith.constant 0 : index
    tpu.barrier barrier_id(%barrier3A)
    %scan3A = arith.constant 0 : i32
    %scan3A_2 = arith.constant 391 : i32
    %scan3A_3 = arith.addi %scan3A, %scan3A_2 : i32
    %scan3A_4 = arith.constant 1 : i32
    scf.for %scan3A_12 = %scan3A to %scan3A_3 step %scan3A_4  : i32 {
      "tpu.region"() ({
        %run_scoped3A = tpu.sem_alloc : memref<!tpu.dma_semaphore, #tpu.memory_space<semaphore_mem>>
        %dma_start3A = arith.constant 0 : i32
        %dma_start3A_13 = tpu.memref_slice %arg3[%arg1, %scan3A_12, %dma_start3A] : memref<16x391x128xi32, #tpu.memory_space<hbm>> -> memref<1x1x128xi32, #tpu.memory_space<hbm>>
        %dma_start3A_14 = tpu.memref_squeeze %dma_start3A_13 : memref<1x1x128xi32, #tpu.memory_space<hbm>> -> memref<128xi32, #tpu.memory_space<hbm>>
        %dma_start3A_15 = arith.constant 0 : i32
        %dma_start3A_16 = tpu.memref_slice %arg3[%arg1, %scan3A_12, %dma_start3A_15] : memref<16x391x128xi32, #tpu.memory_space<hbm>> -> memref<1x1x128xi32, #tpu.memory_space<hbm>>
        %dma_start3A_17 = tpu.memref_squeeze %dma_start3A_16 : memref<1x1x128xi32, #tpu.memory_space<hbm>> -> memref<128xi32, #tpu.memory_space<hbm>>
        tpu.enqueue_dma source(%dma_start3A_17 : memref<128xi32, #tpu.memory_space<hbm>>) target(%arg7 : memref<128xi32, #tpu.memory_space<vmem>>) target_semaphore(%run_scoped3A : memref<!tpu.dma_semaphore, #tpu.memory_space<semaphore_mem>>)
        %dma_wait3A = arith.constant 0 : i32
        %dma_wait3A_18 = tpu.memref_slice %arg3[%arg1, %scan3A_12, %dma_wait3A] : memref<16x391x128xi32, #tpu.memory_space<hbm>> -> memref<1x1x128xi32, #tpu.memory_space<hbm>>
        %dma_wait3A_19 = tpu.memref_squeeze %dma_wait3A_18 : memref<1x1x128xi32, #tpu.memory_space<hbm>> -> memref<128xi32, #tpu.memory_space<hbm>>
        %dma_wait3A_20 = arith.constant 0 : i32
        %dma_wait3A_21 = tpu.memref_slice %arg3[%arg1, %scan3A_12, %dma_wait3A_20] : memref<16x391x128xi32, #tpu.memory_space<hbm>> -> memref<1x1x128xi32, #tpu.memory_space<hbm>>
        %dma_wait3A_22 = tpu.memref_squeeze %dma_wait3A_21 : memref<1x1x128xi32, #tpu.memory_space<hbm>> -> memref<128xi32, #tpu.memory_space<hbm>>
        tpu.wait_dma2 semaphore(%run_scoped3A : memref<!tpu.dma_semaphore, #tpu.memory_space<semaphore_mem>>) src(%dma_wait3A_22 : memref<128xi32, #tpu.memory_space<hbm>>) dst(%arg7 : memref<128xi32, #tpu.memory_space<vmem>>)
        tpu.yield
      }) : () -> ()
      "tpu.region"() ({
        %run_scoped3A = tpu.sem_alloc : memref<!tpu.dma_semaphore, #tpu.memory_space<semaphore_mem>>
        %dma_start3A = arith.constant 0 : i32
        %dma_start3A_13 = arith.constant 0 : i32
        %dma_start3A_14 = tpu.memref_slice %arg6[%dma_start3A, %dma_start3A_13] : memref<50176x32xf32, #tpu.memory_space<vmem_shared>> -> memref<50176x32xf32, #tpu.memory_space<vmem_shared>>
        tpu.enqueue_indirect_dma source(%arg8 : memref<128x32xf32, #tpu.memory_space<vmem>>) target(%dma_start3A_14 : memref<50176x32xf32, #tpu.memory_space<vmem_shared>>) offsets(%arg7 : memref<128xi32, #tpu.memory_space<vmem>>) semaphore(%run_scoped3A : memref<!tpu.dma_semaphore, #tpu.memory_space<semaphore_mem>>) {add = true}
        %dma_wait3A = arith.constant 0 : i32
        %dma_wait3A_15 = arith.constant 0 : i32
        %dma_wait3A_16 = tpu.memref_slice %arg6[%dma_wait3A, %dma_wait3A_15] : memref<50176x32xf32, #tpu.memory_space<vmem_shared>> -> memref<50176x32xf32, #tpu.memory_space<vmem_shared>>
        tpu.wait_indirect_dma semaphore(%run_scoped3A : memref<!tpu.dma_semaphore, #tpu.memory_space<semaphore_mem>>) src(%arg8 : memref<128x32xf32, #tpu.memory_space<vmem>>) dst(%dma_wait3A_16 : memref<50176x32xf32, #tpu.memory_space<vmem_shared>>)
        tpu.yield
      }) : () -> ()
    }
    %scan3A_5 = arith.constant 391 : i32
    %barrier3A_6 = arith.constant 0 : index
    tpu.barrier barrier_id(%barrier3A_6)
    %mul3A = arith.constant 3136 : i32
    %mul3A_7 = arith.muli %arg1, %mul3A : i32
    %mul3A_8 = arith.constant 50176 : i32
    %mul3A_9 = arith.muli %arg0, %mul3A_8 : i32
    %mul3A_10 = arith.constant 3136 : i32
    %mul3A_11 = arith.muli %arg1, %mul3A_10 : i32
    %add3A = arith.addi %mul3A_9, %mul3A_11 : i32
    "tpu.region"() ({
      %run_scoped3A = tpu.sem_alloc : memref<!tpu.dma_semaphore, #tpu.memory_space<semaphore_mem>>
      %dma_start3A = arith.constant 0 : i32
      %dma_start3A_12 = tpu.memref_slice %arg5[%add3A, %dma_start3A] : memref<100352x32xf32, #tpu.memory_space<hbm>> -> memref<3136x32xf32, #tpu.memory_space<hbm>>
      %dma_start3A_13 = arith.constant 0 : i32
      %dma_start3A_14 = tpu.memref_slice %arg6[%mul3A_7, %dma_start3A_13] : memref<50176x32xf32, #tpu.memory_space<vmem_shared>> -> memref<3136x32xf32, #tpu.memory_space<vmem_shared>>
      tpu.enqueue_dma source(%dma_start3A_14 : memref<3136x32xf32, #tpu.memory_space<vmem_shared>>) target(%dma_start3A_12 : memref<3136x32xf32, #tpu.memory_space<hbm>>) target_semaphore(%run_scoped3A : memref<!tpu.dma_semaphore, #tpu.memory_space<semaphore_mem>>)
      %dma_wait3A = arith.constant 0 : i32
      %dma_wait3A_15 = tpu.memref_slice %arg5[%add3A, %dma_wait3A] : memref<100352x32xf32, #tpu.memory_space<hbm>> -> memref<3136x32xf32, #tpu.memory_space<hbm>>
      %dma_wait3A_16 = arith.constant 0 : i32
      %dma_wait3A_17 = tpu.memref_slice %arg6[%mul3A_7, %dma_wait3A_16] : memref<50176x32xf32, #tpu.memory_space<vmem_shared>> -> memref<3136x32xf32, #tpu.memory_space<vmem_shared>>
      tpu.wait_dma2 semaphore(%run_scoped3A : memref<!tpu.dma_semaphore, #tpu.memory_space<semaphore_mem>>) src(%dma_wait3A_17 : memref<3136x32xf32, #tpu.memory_space<vmem_shared>>) dst(%dma_wait3A_15 : memref<3136x32xf32, #tpu.memory_space<hbm>>)
      tpu.yield
    }) : () -> ()
    return
  }
}

#map = affine_map<(d0, d1) -> (0, 0)>
#map1 = affine_map<(d0, d1) -> (0, 0, 0)>
module attributes {stable_mosaic.version = 14 : i64} {
  func.func @_sc_scatter_body(%arg0: i32, %arg1: i32, %arg2: memref<100352x32xf32, #tpu.memory_space<hbm>>, %arg3: memref<16x391x128xi32, #tpu.memory_space<hbm>>, %arg4: memref<16x391x128xi32, #tpu.memory_space<hbm>>, %arg5: memref<50176x32xf32, #tpu.memory_space<hbm>>, %arg6: memref<100352x32xf32, #tpu.memory_space<hbm>>, %arg7: memref<50176x32xf32, #tpu.memory_space<vmem_shared>>, %arg8: memref<128xi32, #tpu.memory_space<vmem>>, %arg9: memref<128xi32, #tpu.memory_space<vmem>>, %arg10: memref<128xi32, #tpu.memory_space<vmem>>, %arg11: memref<128x32xf32, #tpu.memory_space<vmem>>, %arg12: memref<!tpu.dma_semaphore, #tpu.memory_space<semaphore_mem>>) attributes {dimension_semantics = [#tpu.dimension_semantics<core_parallel>, #tpu.dimension_semantics<subcore_parallel>], iteration_bounds = array<i64: 2, 16>, scalar_prefetch = 0 : i64, scratch_operands = 6 : i64, tpu.core_type = #tpu.core_type<sc_vector_subcore>, window_params = [{transform_indices = #map}, {transform_indices = #map1}, {transform_indices = #map1}, {transform_indices = #map}, {transform_indices = #map}]} {
    %eq3A = arith.constant 0 : i32
    %eq3A_0 = arith.cmpi eq, %arg1, %eq3A : i32
    %convert_element_type3A = arith.extui %eq3A_0 : i1 to i32
    %cond3A = arith.constant 0 : i32
    %cond3A_1 = arith.cmpi ne, %convert_element_type3A, %cond3A : i32
    scf.if %cond3A_1 {
      "tpu.region"() ({
        %run_scoped3A = tpu.sem_alloc : memref<!tpu.dma_semaphore, #tpu.memory_space<semaphore_mem>>
        tpu.enqueue_dma source(%arg5 : memref<50176x32xf32, #tpu.memory_space<hbm>>) target(%arg7 : memref<50176x32xf32, #tpu.memory_space<vmem_shared>>) target_semaphore(%run_scoped3A : memref<!tpu.dma_semaphore, #tpu.memory_space<semaphore_mem>>)
        tpu.wait_dma2 semaphore(%run_scoped3A : memref<!tpu.dma_semaphore, #tpu.memory_space<semaphore_mem>>) src(%arg5 : memref<50176x32xf32, #tpu.memory_space<hbm>>) dst(%arg7 : memref<50176x32xf32, #tpu.memory_space<vmem_shared>>)
        tpu.yield
      }) : () -> ()
    } else {
    }
    %barrier3A = arith.constant 0 : index
    tpu.barrier barrier_id(%barrier3A)
    %mul3A = arith.constant 50176 : i32
    %mul3A_2 = arith.muli %arg0, %mul3A : i32
    %scan3A = arith.constant 0 : i32
    %scan3A_3 = arith.constant 391 : i32
    %scan3A_4 = arith.addi %scan3A, %scan3A_3 : i32
    %scan3A_5 = arith.constant 1 : i32
    scf.for %scan3A_14 = %scan3A to %scan3A_4 step %scan3A_5  : i32 {
      "tpu.region"() ({
        %run_scoped3A = tpu.sem_alloc : memref<!tpu.dma_semaphore, #tpu.memory_space<semaphore_mem>>
        %dma_start3A_89 = arith.constant 0 : i32
        %dma_start3A_90 = tpu.memref_slice %arg3[%arg1, %scan3A_14, %dma_start3A_89] : memref<16x391x128xi32, #tpu.memory_space<hbm>> -> memref<1x1x128xi32, #tpu.memory_space<hbm>>
        %dma_start3A_91 = tpu.memref_squeeze %dma_start3A_90 : memref<1x1x128xi32, #tpu.memory_space<hbm>> -> memref<128xi32, #tpu.memory_space<hbm>>
        %dma_start3A_92 = arith.constant 0 : i32
        %dma_start3A_93 = tpu.memref_slice %arg3[%arg1, %scan3A_14, %dma_start3A_92] : memref<16x391x128xi32, #tpu.memory_space<hbm>> -> memref<1x1x128xi32, #tpu.memory_space<hbm>>
        %dma_start3A_94 = tpu.memref_squeeze %dma_start3A_93 : memref<1x1x128xi32, #tpu.memory_space<hbm>> -> memref<128xi32, #tpu.memory_space<hbm>>
        tpu.enqueue_dma source(%dma_start3A_94 : memref<128xi32, #tpu.memory_space<hbm>>) target(%arg8 : memref<128xi32, #tpu.memory_space<vmem>>) target_semaphore(%run_scoped3A : memref<!tpu.dma_semaphore, #tpu.memory_space<semaphore_mem>>)
        %dma_wait3A_95 = arith.constant 0 : i32
        %dma_wait3A_96 = tpu.memref_slice %arg3[%arg1, %scan3A_14, %dma_wait3A_95] : memref<16x391x128xi32, #tpu.memory_space<hbm>> -> memref<1x1x128xi32, #tpu.memory_space<hbm>>
        %dma_wait3A_97 = tpu.memref_squeeze %dma_wait3A_96 : memref<1x1x128xi32, #tpu.memory_space<hbm>> -> memref<128xi32, #tpu.memory_space<hbm>>
        %dma_wait3A_98 = arith.constant 0 : i32
        %dma_wait3A_99 = tpu.memref_slice %arg3[%arg1, %scan3A_14, %dma_wait3A_98] : memref<16x391x128xi32, #tpu.memory_space<hbm>> -> memref<1x1x128xi32, #tpu.memory_space<hbm>>
        %dma_wait3A_100 = tpu.memref_squeeze %dma_wait3A_99 : memref<1x1x128xi32, #tpu.memory_space<hbm>> -> memref<128xi32, #tpu.memory_space<hbm>>
        tpu.wait_dma2 semaphore(%run_scoped3A : memref<!tpu.dma_semaphore, #tpu.memory_space<semaphore_mem>>) src(%dma_wait3A_100 : memref<128xi32, #tpu.memory_space<hbm>>) dst(%arg8 : memref<128xi32, #tpu.memory_space<vmem>>)
        tpu.yield
      }) : () -> ()
      "tpu.region"() ({
        %run_scoped3A = tpu.sem_alloc : memref<!tpu.dma_semaphore, #tpu.memory_space<semaphore_mem>>
        %dma_start3A_89 = arith.constant 0 : i32
        %dma_start3A_90 = tpu.memref_slice %arg4[%arg1, %scan3A_14, %dma_start3A_89] : memref<16x391x128xi32, #tpu.memory_space<hbm>> -> memref<1x1x128xi32, #tpu.memory_space<hbm>>
        %dma_start3A_91 = tpu.memref_squeeze %dma_start3A_90 : memref<1x1x128xi32, #tpu.memory_space<hbm>> -> memref<128xi32, #tpu.memory_space<hbm>>
        %dma_start3A_92 = arith.constant 0 : i32
        %dma_start3A_93 = tpu.memref_slice %arg4[%arg1, %scan3A_14, %dma_start3A_92] : memref<16x391x128xi32, #tpu.memory_space<hbm>> -> memref<1x1x128xi32, #tpu.memory_space<hbm>>
        %dma_start3A_94 = tpu.memref_squeeze %dma_start3A_93 : memref<1x1x128xi32, #tpu.memory_space<hbm>> -> memref<128xi32, #tpu.memory_space<hbm>>
        tpu.enqueue_dma source(%dma_start3A_94 : memref<128xi32, #tpu.memory_space<hbm>>) target(%arg10 : memref<128xi32, #tpu.memory_space<vmem>>) target_semaphore(%run_scoped3A : memref<!tpu.dma_semaphore, #tpu.memory_space<semaphore_mem>>)
        %dma_wait3A_95 = arith.constant 0 : i32
        %dma_wait3A_96 = tpu.memref_slice %arg4[%arg1, %scan3A_14, %dma_wait3A_95] : memref<16x391x128xi32, #tpu.memory_space<hbm>> -> memref<1x1x128xi32, #tpu.memory_space<hbm>>
        %dma_wait3A_97 = tpu.memref_squeeze %dma_wait3A_96 : memref<1x1x128xi32, #tpu.memory_space<hbm>> -> memref<128xi32, #tpu.memory_space<hbm>>
        %dma_wait3A_98 = arith.constant 0 : i32
        %dma_wait3A_99 = tpu.memref_slice %arg4[%arg1, %scan3A_14, %dma_wait3A_98] : memref<16x391x128xi32, #tpu.memory_space<hbm>> -> memref<1x1x128xi32, #tpu.memory_space<hbm>>
        %dma_wait3A_100 = tpu.memref_squeeze %dma_wait3A_99 : memref<1x1x128xi32, #tpu.memory_space<hbm>> -> memref<128xi32, #tpu.memory_space<hbm>>
        tpu.wait_dma2 semaphore(%run_scoped3A : memref<!tpu.dma_semaphore, #tpu.memory_space<semaphore_mem>>) src(%dma_wait3A_100 : memref<128xi32, #tpu.memory_space<hbm>>) dst(%arg10 : memref<128xi32, #tpu.memory_space<vmem>>)
        tpu.yield
      }) : () -> ()
      %get3A = arith.constant 0 : index
      %get3A_15 = tpu.vector_load %arg8[%get3A] {strides = array<i32>} : memref<128xi32, #tpu.memory_space<vmem>>, vector<16xi32>,
      %get3A_16 = vector.shape_cast %get3A_15 : vector<16xi32> to vector<16xi32>
      %add3A_17 = vector.broadcast %mul3A_2 : i32 to vector<16xi32>
      %add3A_18 = arith.addi %get3A_16, %add3A_17 : vector<16xi32>
      %swap3A = arith.constant 0 : index
      %swap3A_19 = tpu.vector_load %arg9[%swap3A] {strides = array<i32>} : memref<128xi32, #tpu.memory_space<vmem>>, vector<16xi32>,
      %swap3A_20 = vector.shape_cast %swap3A_19 : vector<16xi32> to vector<16xi32>
      %swap3A_21 = vector.shape_cast %add3A_18 : vector<16xi32> to vector<16xi32>
      tpu.vector_store %arg9[%swap3A], %swap3A_21 {strides = array<i32>} : memref<128xi32, #tpu.memory_space<vmem>>, vector<16xi32>,
      %get3A_22 = arith.constant 16 : index
      %get3A_23 = tpu.vector_load %arg8[%get3A_22] {strides = array<i32>} : memref<128xi32, #tpu.memory_space<vmem>>, vector<16xi32>,
      %get3A_24 = vector.shape_cast %get3A_23 : vector<16xi32> to vector<16xi32>
      %add3A_25 = vector.broadcast %mul3A_2 : i32 to vector<16xi32>
      %add3A_26 = arith.addi %get3A_24, %add3A_25 : vector<16xi32>
      %swap3A_27 = arith.constant 16 : index
      %swap3A_28 = tpu.vector_load %arg9[%swap3A_27] {strides = array<i32>} : memref<128xi32, #tpu.memory_space<vmem>>, vector<16xi32>,
      %swap3A_29 = vector.shape_cast %swap3A_28 : vector<16xi32> to vector<16xi32>
      %swap3A_30 = vector.shape_cast %add3A_26 : vector<16xi32> to vector<16xi32>
      tpu.vector_store %arg9[%swap3A_27], %swap3A_30 {strides = array<i32>} : memref<128xi32, #tpu.memory_space<vmem>>, vector<16xi32>,
      %get3A_31 = arith.constant 32 : index
      %get3A_32 = tpu.vector_load %arg8[%get3A_31] {strides = array<i32>} : memref<128xi32, #tpu.memory_space<vmem>>, vector<16xi32>,
      %get3A_33 = vector.shape_cast %get3A_32 : vector<16xi32> to vector<16xi32>
      %add3A_34 = vector.broadcast %mul3A_2 : i32 to vector<16xi32>
      %add3A_35 = arith.addi %get3A_33, %add3A_34 : vector<16xi32>
      %swap3A_36 = arith.constant 32 : index
      %swap3A_37 = tpu.vector_load %arg9[%swap3A_36] {strides = array<i32>} : memref<128xi32, #tpu.memory_space<vmem>>, vector<16xi32>,
      %swap3A_38 = vector.shape_cast %swap3A_37 : vector<16xi32> to vector<16xi32>
      %swap3A_39 = vector.shape_cast %add3A_35 : vector<16xi32> to vector<16xi32>
      tpu.vector_store %arg9[%swap3A_36], %swap3A_39 {strides = array<i32>} : memref<128xi32, #tpu.memory_space<vmem>>, vector<16xi32>,
      %get3A_40 = arith.constant 48 : index
      %get3A_41 = tpu.vector_load %arg8[%get3A_40] {strides = array<i32>} : memref<128xi32, #tpu.memory_space<vmem>>, vector<16xi32>,
      %get3A_42 = vector.shape_cast %get3A_41 : vector<16xi32> to vector<16xi32>
      %add3A_43 = vector.broadcast %mul3A_2 : i32 to vector<16xi32>
      %add3A_44 = arith.addi %get3A_42, %add3A_43 : vector<16xi32>
      %swap3A_45 = arith.constant 48 : index
      %swap3A_46 = tpu.vector_load %arg9[%swap3A_45] {strides = array<i32>} : memref<128xi32, #tpu.memory_space<vmem>>, vector<16xi32>,
      %swap3A_47 = vector.shape_cast %swap3A_46 : vector<16xi32> to vector<16xi32>
      %swap3A_48 = vector.shape_cast %add3A_44 : vector<16xi32> to vector<16xi32>
      tpu.vector_store %arg9[%swap3A_45], %swap3A_48 {strides = array<i32>} : memref<128xi32, #tpu.memory_space<vmem>>, vector<16xi32>,
      %get3A_49 = arith.constant 64 : index
      %get3A_50 = tpu.vector_load %arg8[%get3A_49] {strides = array<i32>} : memref<128xi32, #tpu.memory_space<vmem>>, vector<16xi32>,
      %get3A_51 = vector.shape_cast %get3A_50 : vector<16xi32> to vector<16xi32>
      %add3A_52 = vector.broadcast %mul3A_2 : i32 to vector<16xi32>
      %add3A_53 = arith.addi %get3A_51, %add3A_52 : vector<16xi32>
      %swap3A_54 = arith.constant 64 : index
      %swap3A_55 = tpu.vector_load %arg9[%swap3A_54] {strides = array<i32>} : memref<128xi32, #tpu.memory_space<vmem>>, vector<16xi32>,
      %swap3A_56 = vector.shape_cast %swap3A_55 : vector<16xi32> to vector<16xi32>
      %swap3A_57 = vector.shape_cast %add3A_53 : vector<16xi32> to vector<16xi32>
      tpu.vector_store %arg9[%swap3A_54], %swap3A_57 {strides = array<i32>} : memref<128xi32, #tpu.memory_space<vmem>>, vector<16xi32>,
      %get3A_58 = arith.constant 80 : index
      %get3A_59 = tpu.vector_load %arg8[%get3A_58] {strides = array<i32>} : memref<128xi32, #tpu.memory_space<vmem>>, vector<16xi32>,
      %get3A_60 = vector.shape_cast %get3A_59 : vector<16xi32> to vector<16xi32>
      %add3A_61 = vector.broadcast %mul3A_2 : i32 to vector<16xi32>
      %add3A_62 = arith.addi %get3A_60, %add3A_61 : vector<16xi32>
      %swap3A_63 = arith.constant 80 : index
      %swap3A_64 = tpu.vector_load %arg9[%swap3A_63] {strides = array<i32>} : memref<128xi32, #tpu.memory_space<vmem>>, vector<16xi32>,
      %swap3A_65 = vector.shape_cast %swap3A_64 : vector<16xi32> to vector<16xi32>
      %swap3A_66 = vector.shape_cast %add3A_62 : vector<16xi32> to vector<16xi32>
      tpu.vector_store %arg9[%swap3A_63], %swap3A_66 {strides = array<i32>} : memref<128xi32, #tpu.memory_space<vmem>>, vector<16xi32>,
      %get3A_67 = arith.constant 96 : index
      %get3A_68 = tpu.vector_load %arg8[%get3A_67] {strides = array<i32>} : memref<128xi32, #tpu.memory_space<vmem>>, vector<16xi32>,
      %get3A_69 = vector.shape_cast %get3A_68 : vector<16xi32> to vector<16xi32>
      %add3A_70 = vector.broadcast %mul3A_2 : i32 to vector<16xi32>
      %add3A_71 = arith.addi %get3A_69, %add3A_70 : vector<16xi32>
      %swap3A_72 = arith.constant 96 : index
      %swap3A_73 = tpu.vector_load %arg9[%swap3A_72] {strides = array<i32>} : memref<128xi32, #tpu.memory_space<vmem>>, vector<16xi32>,
      %swap3A_74 = vector.shape_cast %swap3A_73 : vector<16xi32> to vector<16xi32>
      %swap3A_75 = vector.shape_cast %add3A_71 : vector<16xi32> to vector<16xi32>
      tpu.vector_store %arg9[%swap3A_72], %swap3A_75 {strides = array<i32>} : memref<128xi32, #tpu.memory_space<vmem>>, vector<16xi32>,
      %get3A_76 = arith.constant 112 : index
      %get3A_77 = tpu.vector_load %arg8[%get3A_76] {strides = array<i32>} : memref<128xi32, #tpu.memory_space<vmem>>, vector<16xi32>,
      %get3A_78 = vector.shape_cast %get3A_77 : vector<16xi32> to vector<16xi32>
      %add3A_79 = vector.broadcast %mul3A_2 : i32 to vector<16xi32>
      %add3A_80 = arith.addi %get3A_78, %add3A_79 : vector<16xi32>
      %swap3A_81 = arith.constant 112 : index
      %swap3A_82 = tpu.vector_load %arg9[%swap3A_81] {strides = array<i32>} : memref<128xi32, #tpu.memory_space<vmem>>, vector<16xi32>,
      %swap3A_83 = vector.shape_cast %swap3A_82 : vector<16xi32> to vector<16xi32>
      %swap3A_84 = vector.shape_cast %add3A_80 : vector<16xi32> to vector<16xi32>
      tpu.vector_store %arg9[%swap3A_81], %swap3A_84 {strides = array<i32>} : memref<128xi32, #tpu.memory_space<vmem>>, vector<16xi32>,
      %dma_start3A = arith.constant 0 : i32
      %dma_start3A_85 = arith.constant 0 : i32
      %dma_start3A_86 = tpu.memref_slice %arg2[%dma_start3A, %dma_start3A_85] : memref<100352x32xf32, #tpu.memory_space<hbm>> -> memref<100352x32xf32, #tpu.memory_space<hbm>>
      tpu.enqueue_indirect_dma source(%dma_start3A_86 : memref<100352x32xf32, #tpu.memory_space<hbm>>) target(%arg11 : memref<128x32xf32, #tpu.memory_space<vmem>>) offsets(%arg9 : memref<128xi32, #tpu.memory_space<vmem>>) semaphore(%arg12 : memref<!tpu.dma_semaphore, #tpu.memory_space<semaphore_mem>>)
      %dma_wait3A = arith.constant 0 : i32
      %dma_wait3A_87 = arith.constant 0 : i32
      %dma_wait3A_88 = tpu.memref_slice %arg2[%dma_wait3A, %dma_wait3A_87] : memref<100352x32xf32, #tpu.memory_space<hbm>> -> memref<100352x32xf32, #tpu.memory_space<hbm>>
      tpu.wait_indirect_dma semaphore(%arg12 : memref<!tpu.dma_semaphore, #tpu.memory_space<semaphore_mem>>) src(%dma_wait3A_88 : memref<100352x32xf32, #tpu.memory_space<hbm>>) dst(%arg11 : memref<128x32xf32, #tpu.memory_space<vmem>>)
      "tpu.region"() ({
        %run_scoped3A = tpu.sem_alloc : memref<!tpu.dma_semaphore, #tpu.memory_space<semaphore_mem>>
        %dma_start3A_89 = arith.constant 0 : i32
        %dma_start3A_90 = arith.constant 0 : i32
        %dma_start3A_91 = tpu.memref_slice %arg7[%dma_start3A_89, %dma_start3A_90] : memref<50176x32xf32, #tpu.memory_space<vmem_shared>> -> memref<50176x32xf32, #tpu.memory_space<vmem_shared>>
        tpu.enqueue_indirect_dma source(%arg11 : memref<128x32xf32, #tpu.memory_space<vmem>>) target(%dma_start3A_91 : memref<50176x32xf32, #tpu.memory_space<vmem_shared>>) offsets(%arg10 : memref<128xi32, #tpu.memory_space<vmem>>) semaphore(%run_scoped3A : memref<!tpu.dma_semaphore, #tpu.memory_space<semaphore_mem>>) {add = true}
        %dma_wait3A_92 = arith.constant 0 : i32
        %dma_wait3A_93 = arith.constant 0 : i32
        %dma_wait3A_94 = tpu.memref_slice %arg7[%dma_wait3A_92, %dma_wait3A_93] : memref<50176x32xf32, #tpu.memory_space<vmem_shared>> -> memref<50176x32xf32, #tpu.memory_space<vmem_shared>>
        tpu.wait_indirect_dma semaphore(%run_scoped3A : memref<!tpu.dma_semaphore, #tpu.memory_space<semaphore_mem>>) src(%arg11 : memref<128x32xf32, #tpu.memory_space<vmem>>) dst(%dma_wait3A_94 : memref<50176x32xf32, #tpu.memory_space<vmem_shared>>)
        tpu.yield
      }) : () -> ()
    }
    %scan3A_6 = arith.constant 391 : i32
    %barrier3A_7 = arith.constant 0 : index
    tpu.barrier barrier_id(%barrier3A_7)
    %mul3A_8 = arith.constant 3136 : i32
    %mul3A_9 = arith.muli %arg1, %mul3A_8 : i32
    %mul3A_10 = arith.constant 50176 : i32
    %mul3A_11 = arith.muli %arg0, %mul3A_10 : i32
    %mul3A_12 = arith.constant 3136 : i32
    %mul3A_13 = arith.muli %arg1, %mul3A_12 : i32
    %add3A = arith.addi %mul3A_11, %mul3A_13 : i32
    "tpu.region"() ({
      %run_scoped3A = tpu.sem_alloc : memref<!tpu.dma_semaphore, #tpu.memory_space<semaphore_mem>>
      %dma_start3A = arith.constant 0 : i32
      %dma_start3A_14 = tpu.memref_slice %arg6[%add3A, %dma_start3A] : memref<100352x32xf32, #tpu.memory_space<hbm>> -> memref<3136x32xf32, #tpu.memory_space<hbm>>
      %dma_start3A_15 = arith.constant 0 : i32
      %dma_start3A_16 = tpu.memref_slice %arg7[%mul3A_9, %dma_start3A_15] : memref<50176x32xf32, #tpu.memory_space<vmem_shared>> -> memref<3136x32xf32, #tpu.memory_space<vmem_shared>>
      tpu.enqueue_dma source(%dma_start3A_16 : memref<3136x32xf32, #tpu.memory_space<vmem_shared>>) target(%dma_start3A_14 : memref<3136x32xf32, #tpu.memory_space<hbm>>) target_semaphore(%run_scoped3A : memref<!tpu.dma_semaphore, #tpu.memory_space<semaphore_mem>>)
      %dma_wait3A = arith.constant 0 : i32
      %dma_wait3A_17 = tpu.memref_slice %arg6[%add3A, %dma_wait3A] : memref<100352x32xf32, #tpu.memory_space<hbm>> -> memref<3136x32xf32, #tpu.memory_space<hbm>>
      %dma_wait3A_18 = arith.constant 0 : i32
      %dma_wait3A_19 = tpu.memref_slice %arg7[%mul3A_9, %dma_wait3A_18] : memref<50176x32xf32, #tpu.memory_space<vmem_shared>> -> memref<3136x32xf32, #tpu.memory_space<vmem_shared>>
      tpu.wait_dma2 semaphore(%run_scoped3A : memref<!tpu.dma_semaphore, #tpu.memory_space<semaphore_mem>>) src(%dma_wait3A_19 : memref<3136x32xf32, #tpu.memory_space<vmem_shared>>) dst(%dma_wait3A_17 : memref<3136x32xf32, #tpu.memory_space<hbm>>)
      tpu.yield
    }) : () -> ()
    return
  }
}

#map = affine_map<(d0, d1) -> (0, 0)>
#map1 = affine_map<(d0, d1) -> (0, 0, 0)>
module attributes {stable_mosaic.version = 14 : i64} {
  func.func @_sc_scatter_body(%arg0: i32, %arg1: i32, %arg2: memref<100352x32xf32, #tpu.memory_space<hbm>>, %arg3: memref<16x391x128xi32, #tpu.memory_space<hbm>>, %arg4: memref<16x391x128xi32, #tpu.memory_space<hbm>>, %arg5: memref<50176x32xf32, #tpu.memory_space<hbm>>, %arg6: memref<100352x32xf32, #tpu.memory_space<hbm>>, %arg7: memref<50176x32xf32, #tpu.memory_space<vmem_shared>>, %arg8: memref<128xi32, #tpu.memory_space<vmem>>, %arg9: memref<128xi32, #tpu.memory_space<vmem>>, %arg10: memref<128xi32, #tpu.memory_space<vmem>>, %arg11: memref<128x32xf32, #tpu.memory_space<vmem>>, %arg12: memref<!tpu.dma_semaphore, #tpu.memory_space<semaphore_mem>>) attributes {dimension_semantics = [#tpu.dimension_semantics<core_parallel>, #tpu.dimension_semantics<subcore_parallel>], iteration_bounds = array<i64: 2, 16>, scalar_prefetch = 0 : i64, scratch_operands = 6 : i64, tpu.core_type = #tpu.core_type<sc_vector_subcore>, window_params = [{transform_indices = #map}, {transform_indices = #map1}, {transform_indices = #map1}, {transform_indices = #map}, {transform_indices = #map}]} {
    %eq3A = arith.constant 0 : i32
    %eq3A_0 = arith.cmpi eq, %arg1, %eq3A : i32
    %convert_element_type3A = arith.extui %eq3A_0 : i1 to i32
    %cond3A = arith.constant 0 : i32
    %cond3A_1 = arith.cmpi ne, %convert_element_type3A, %cond3A : i32
    scf.if %cond3A_1 {
      "tpu.region"() ({
        %run_scoped3A = tpu.sem_alloc : memref<!tpu.dma_semaphore, #tpu.memory_space<semaphore_mem>>
        tpu.enqueue_dma source(%arg5 : memref<50176x32xf32, #tpu.memory_space<hbm>>) target(%arg7 : memref<50176x32xf32, #tpu.memory_space<vmem_shared>>) target_semaphore(%run_scoped3A : memref<!tpu.dma_semaphore, #tpu.memory_space<semaphore_mem>>)
        tpu.wait_dma2 semaphore(%run_scoped3A : memref<!tpu.dma_semaphore, #tpu.memory_space<semaphore_mem>>) src(%arg5 : memref<50176x32xf32, #tpu.memory_space<hbm>>) dst(%arg7 : memref<50176x32xf32, #tpu.memory_space<vmem_shared>>)
        tpu.yield
      }) : () -> ()
    } else {
    }
    %barrier3A = arith.constant 0 : index
    tpu.barrier barrier_id(%barrier3A)
    %mul3A = arith.constant 50176 : i32
    %mul3A_2 = arith.muli %arg0, %mul3A : i32
    %scan3A = arith.constant 0 : i32
    %scan3A_3 = arith.constant 391 : i32
    %scan3A_4 = arith.addi %scan3A, %scan3A_3 : i32
    %scan3A_5 = arith.constant 1 : i32
    scf.for %scan3A_14 = %scan3A to %scan3A_4 step %scan3A_5  : i32 {
      "tpu.region"() ({
        %run_scoped3A = tpu.sem_alloc : memref<!tpu.dma_semaphore, #tpu.memory_space<semaphore_mem>>
        %dma_start3A_89 = arith.constant 0 : i32
        %dma_start3A_90 = tpu.memref_slice %arg3[%arg1, %scan3A_14, %dma_start3A_89] : memref<16x391x128xi32, #tpu.memory_space<hbm>> -> memref<1x1x128xi32, #tpu.memory_space<hbm>>
        %dma_start3A_91 = tpu.memref_squeeze %dma_start3A_90 : memref<1x1x128xi32, #tpu.memory_space<hbm>> -> memref<128xi32, #tpu.memory_space<hbm>>
        %dma_start3A_92 = arith.constant 0 : i32
        %dma_start3A_93 = tpu.memref_slice %arg3[%arg1, %scan3A_14, %dma_start3A_92] : memref<16x391x128xi32, #tpu.memory_space<hbm>> -> memref<1x1x128xi32, #tpu.memory_space<hbm>>
        %dma_start3A_94 = tpu.memref_squeeze %dma_start3A_93 : memref<1x1x128xi32, #tpu.memory_space<hbm>> -> memref<128xi32, #tpu.memory_space<hbm>>
        tpu.enqueue_dma source(%dma_start3A_94 : memref<128xi32, #tpu.memory_space<hbm>>) target(%arg8 : memref<128xi32, #tpu.memory_space<vmem>>) target_semaphore(%run_scoped3A : memref<!tpu.dma_semaphore, #tpu.memory_space<semaphore_mem>>)
        %dma_wait3A_95 = arith.constant 0 : i32
        %dma_wait3A_96 = tpu.memref_slice %arg3[%arg1, %scan3A_14, %dma_wait3A_95] : memref<16x391x128xi32, #tpu.memory_space<hbm>> -> memref<1x1x128xi32, #tpu.memory_space<hbm>>
        %dma_wait3A_97 = tpu.memref_squeeze %dma_wait3A_96 : memref<1x1x128xi32, #tpu.memory_space<hbm>> -> memref<128xi32, #tpu.memory_space<hbm>>
        %dma_wait3A_98 = arith.constant 0 : i32
        %dma_wait3A_99 = tpu.memref_slice %arg3[%arg1, %scan3A_14, %dma_wait3A_98] : memref<16x391x128xi32, #tpu.memory_space<hbm>> -> memref<1x1x128xi32, #tpu.memory_space<hbm>>
        %dma_wait3A_100 = tpu.memref_squeeze %dma_wait3A_99 : memref<1x1x128xi32, #tpu.memory_space<hbm>> -> memref<128xi32, #tpu.memory_space<hbm>>
        tpu.wait_dma2 semaphore(%run_scoped3A : memref<!tpu.dma_semaphore, #tpu.memory_space<semaphore_mem>>) src(%dma_wait3A_100 : memref<128xi32, #tpu.memory_space<hbm>>) dst(%arg8 : memref<128xi32, #tpu.memory_space<vmem>>)
        tpu.yield
      }) : () -> ()
      "tpu.region"() ({
        %run_scoped3A = tpu.sem_alloc : memref<!tpu.dma_semaphore, #tpu.memory_space<semaphore_mem>>
        %dma_start3A_89 = arith.constant 0 : i32
        %dma_start3A_90 = tpu.memref_slice %arg4[%arg1, %scan3A_14, %dma_start3A_89] : memref<16x391x128xi32, #tpu.memory_space<hbm>> -> memref<1x1x128xi32, #tpu.memory_space<hbm>>
        %dma_start3A_91 = tpu.memref_squeeze %dma_start3A_90 : memref<1x1x128xi32, #tpu.memory_space<hbm>> -> memref<128xi32, #tpu.memory_space<hbm>>
        %dma_start3A_92 = arith.constant 0 : i32
        %dma_start3A_93 = tpu.memref_slice %arg4[%arg1, %scan3A_14, %dma_start3A_92] : memref<16x391x128xi32, #tpu.memory_space<hbm>> -> memref<1x1x128xi32, #tpu.memory_space<hbm>>
        %dma_start3A_94 = tpu.memref_squeeze %dma_start3A_93 : memref<1x1x128xi32, #tpu.memory_space<hbm>> -> memref<128xi32, #tpu.memory_space<hbm>>
        tpu.enqueue_dma source(%dma_start3A_94 : memref<128xi32, #tpu.memory_space<hbm>>) target(%arg10 : memref<128xi32, #tpu.memory_space<vmem>>) target_semaphore(%run_scoped3A : memref<!tpu.dma_semaphore, #tpu.memory_space<semaphore_mem>>)
        %dma_wait3A_95 = arith.constant 0 : i32
        %dma_wait3A_96 = tpu.memref_slice %arg4[%arg1, %scan3A_14, %dma_wait3A_95] : memref<16x391x128xi32, #tpu.memory_space<hbm>> -> memref<1x1x128xi32, #tpu.memory_space<hbm>>
        %dma_wait3A_97 = tpu.memref_squeeze %dma_wait3A_96 : memref<1x1x128xi32, #tpu.memory_space<hbm>> -> memref<128xi32, #tpu.memory_space<hbm>>
        %dma_wait3A_98 = arith.constant 0 : i32
        %dma_wait3A_99 = tpu.memref_slice %arg4[%arg1, %scan3A_14, %dma_wait3A_98] : memref<16x391x128xi32, #tpu.memory_space<hbm>> -> memref<1x1x128xi32, #tpu.memory_space<hbm>>
        %dma_wait3A_100 = tpu.memref_squeeze %dma_wait3A_99 : memref<1x1x128xi32, #tpu.memory_space<hbm>> -> memref<128xi32, #tpu.memory_space<hbm>>
        tpu.wait_dma2 semaphore(%run_scoped3A : memref<!tpu.dma_semaphore, #tpu.memory_space<semaphore_mem>>) src(%dma_wait3A_100 : memref<128xi32, #tpu.memory_space<hbm>>) dst(%arg10 : memref<128xi32, #tpu.memory_space<vmem>>)
        tpu.yield
      }) : () -> ()
      %get3A = arith.constant 0 : index
      %get3A_15 = tpu.vector_load %arg8[%get3A] {strides = array<i32>} : memref<128xi32, #tpu.memory_space<vmem>>, vector<16xi32>,
      %get3A_16 = vector.shape_cast %get3A_15 : vector<16xi32> to vector<16xi32>
      %add3A_17 = vector.broadcast %mul3A_2 : i32 to vector<16xi32>
      %add3A_18 = arith.addi %get3A_16, %add3A_17 : vector<16xi32>
      %swap3A = arith.constant 0 : index
      %swap3A_19 = tpu.vector_load %arg9[%swap3A] {strides = array<i32>} : memref<128xi32, #tpu.memory_space<vmem>>, vector<16xi32>,
      %swap3A_20 = vector.shape_cast %swap3A_19 : vector<16xi32> to vector<16xi32>
      %swap3A_21 = vector.shape_cast %add3A_18 : vector<16xi32> to vector<16xi32>
      tpu.vector_store %arg9[%swap3A], %swap3A_21 {strides = array<i32>} : memref<128xi32, #tpu.memory_space<vmem>>, vector<16xi32>,
      %get3A_22 = arith.constant 16 : index
      %get3A_23 = tpu.vector_load %arg8[%get3A_22] {strides = array<i32>} : memref<128xi32, #tpu.memory_space<vmem>>, vector<16xi32>,
      %get3A_24 = vector.shape_cast %get3A_23 : vector<16xi32> to vector<16xi32>
      %add3A_25 = vector.broadcast %mul3A_2 : i32 to vector<16xi32>
      %add3A_26 = arith.addi %get3A_24, %add3A_25 : vector<16xi32>
      %swap3A_27 = arith.constant 16 : index
      %swap3A_28 = tpu.vector_load %arg9[%swap3A_27] {strides = array<i32>} : memref<128xi32, #tpu.memory_space<vmem>>, vector<16xi32>,
      %swap3A_29 = vector.shape_cast %swap3A_28 : vector<16xi32> to vector<16xi32>
      %swap3A_30 = vector.shape_cast %add3A_26 : vector<16xi32> to vector<16xi32>
      tpu.vector_store %arg9[%swap3A_27], %swap3A_30 {strides = array<i32>} : memref<128xi32, #tpu.memory_space<vmem>>, vector<16xi32>,
      %get3A_31 = arith.constant 32 : index
      %get3A_32 = tpu.vector_load %arg8[%get3A_31] {strides = array<i32>} : memref<128xi32, #tpu.memory_space<vmem>>, vector<16xi32>,
      %get3A_33 = vector.shape_cast %get3A_32 : vector<16xi32> to vector<16xi32>
      %add3A_34 = vector.broadcast %mul3A_2 : i32 to vector<16xi32>
      %add3A_35 = arith.addi %get3A_33, %add3A_34 : vector<16xi32>
      %swap3A_36 = arith.constant 32 : index
      %swap3A_37 = tpu.vector_load %arg9[%swap3A_36] {strides = array<i32>} : memref<128xi32, #tpu.memory_space<vmem>>, vector<16xi32>,
      %swap3A_38 = vector.shape_cast %swap3A_37 : vector<16xi32> to vector<16xi32>
      %swap3A_39 = vector.shape_cast %add3A_35 : vector<16xi32> to vector<16xi32>
      tpu.vector_store %arg9[%swap3A_36], %swap3A_39 {strides = array<i32>} : memref<128xi32, #tpu.memory_space<vmem>>, vector<16xi32>,
      %get3A_40 = arith.constant 48 : index
      %get3A_41 = tpu.vector_load %arg8[%get3A_40] {strides = array<i32>} : memref<128xi32, #tpu.memory_space<vmem>>, vector<16xi32>,
      %get3A_42 = vector.shape_cast %get3A_41 : vector<16xi32> to vector<16xi32>
      %add3A_43 = vector.broadcast %mul3A_2 : i32 to vector<16xi32>
      %add3A_44 = arith.addi %get3A_42, %add3A_43 : vector<16xi32>
      %swap3A_45 = arith.constant 48 : index
      %swap3A_46 = tpu.vector_load %arg9[%swap3A_45] {strides = array<i32>} : memref<128xi32, #tpu.memory_space<vmem>>, vector<16xi32>,
      %swap3A_47 = vector.shape_cast %swap3A_46 : vector<16xi32> to vector<16xi32>
      %swap3A_48 = vector.shape_cast %add3A_44 : vector<16xi32> to vector<16xi32>
      tpu.vector_store %arg9[%swap3A_45], %swap3A_48 {strides = array<i32>} : memref<128xi32, #tpu.memory_space<vmem>>, vector<16xi32>,
      %get3A_49 = arith.constant 64 : index
      %get3A_50 = tpu.vector_load %arg8[%get3A_49] {strides = array<i32>} : memref<128xi32, #tpu.memory_space<vmem>>, vector<16xi32>,
      %get3A_51 = vector.shape_cast %get3A_50 : vector<16xi32> to vector<16xi32>
      %add3A_52 = vector.broadcast %mul3A_2 : i32 to vector<16xi32>
      %add3A_53 = arith.addi %get3A_51, %add3A_52 : vector<16xi32>
      %swap3A_54 = arith.constant 64 : index
      %swap3A_55 = tpu.vector_load %arg9[%swap3A_54] {strides = array<i32>} : memref<128xi32, #tpu.memory_space<vmem>>, vector<16xi32>,
      %swap3A_56 = vector.shape_cast %swap3A_55 : vector<16xi32> to vector<16xi32>
      %swap3A_57 = vector.shape_cast %add3A_53 : vector<16xi32> to vector<16xi32>
      tpu.vector_store %arg9[%swap3A_54], %swap3A_57 {strides = array<i32>} : memref<128xi32, #tpu.memory_space<vmem>>, vector<16xi32>,
      %get3A_58 = arith.constant 80 : index
      %get3A_59 = tpu.vector_load %arg8[%get3A_58] {strides = array<i32>} : memref<128xi32, #tpu.memory_space<vmem>>, vector<16xi32>,
      %get3A_60 = vector.shape_cast %get3A_59 : vector<16xi32> to vector<16xi32>
      %add3A_61 = vector.broadcast %mul3A_2 : i32 to vector<16xi32>
      %add3A_62 = arith.addi %get3A_60, %add3A_61 : vector<16xi32>
      %swap3A_63 = arith.constant 80 : index
      %swap3A_64 = tpu.vector_load %arg9[%swap3A_63] {strides = array<i32>} : memref<128xi32, #tpu.memory_space<vmem>>, vector<16xi32>,
      %swap3A_65 = vector.shape_cast %swap3A_64 : vector<16xi32> to vector<16xi32>
      %swap3A_66 = vector.shape_cast %add3A_62 : vector<16xi32> to vector<16xi32>
      tpu.vector_store %arg9[%swap3A_63], %swap3A_66 {strides = array<i32>} : memref<128xi32, #tpu.memory_space<vmem>>, vector<16xi32>,
      %get3A_67 = arith.constant 96 : index
      %get3A_68 = tpu.vector_load %arg8[%get3A_67] {strides = array<i32>} : memref<128xi32, #tpu.memory_space<vmem>>, vector<16xi32>,
      %get3A_69 = vector.shape_cast %get3A_68 : vector<16xi32> to vector<16xi32>
      %add3A_70 = vector.broadcast %mul3A_2 : i32 to vector<16xi32>
      %add3A_71 = arith.addi %get3A_69, %add3A_70 : vector<16xi32>
      %swap3A_72 = arith.constant 96 : index
      %swap3A_73 = tpu.vector_load %arg9[%swap3A_72] {strides = array<i32>} : memref<128xi32, #tpu.memory_space<vmem>>, vector<16xi32>,
      %swap3A_74 = vector.shape_cast %swap3A_73 : vector<16xi32> to vector<16xi32>
      %swap3A_75 = vector.shape_cast %add3A_71 : vector<16xi32> to vector<16xi32>
      tpu.vector_store %arg9[%swap3A_72], %swap3A_75 {strides = array<i32>} : memref<128xi32, #tpu.memory_space<vmem>>, vector<16xi32>,
      %get3A_76 = arith.constant 112 : index
      %get3A_77 = tpu.vector_load %arg8[%get3A_76] {strides = array<i32>} : memref<128xi32, #tpu.memory_space<vmem>>, vector<16xi32>,
      %get3A_78 = vector.shape_cast %get3A_77 : vector<16xi32> to vector<16xi32>
      %add3A_79 = vector.broadcast %mul3A_2 : i32 to vector<16xi32>
      %add3A_80 = arith.addi %get3A_78, %add3A_79 : vector<16xi32>
      %swap3A_81 = arith.constant 112 : index
      %swap3A_82 = tpu.vector_load %arg9[%swap3A_81] {strides = array<i32>} : memref<128xi32, #tpu.memory_space<vmem>>, vector<16xi32>,
      %swap3A_83 = vector.shape_cast %swap3A_82 : vector<16xi32> to vector<16xi32>
      %swap3A_84 = vector.shape_cast %add3A_80 : vector<16xi32> to vector<16xi32>
      tpu.vector_store %arg9[%swap3A_81], %swap3A_84 {strides = array<i32>} : memref<128xi32, #tpu.memory_space<vmem>>, vector<16xi32>,
      %dma_start3A = arith.constant 0 : i32
      %dma_start3A_85 = arith.constant 0 : i32
      %dma_start3A_86 = tpu.memref_slice %arg2[%dma_start3A, %dma_start3A_85] : memref<100352x32xf32, #tpu.memory_space<hbm>> -> memref<100352x32xf32, #tpu.memory_space<hbm>>
      tpu.enqueue_indirect_dma source(%dma_start3A_86 : memref<100352x32xf32, #tpu.memory_space<hbm>>) target(%arg11 : memref<128x32xf32, #tpu.memory_space<vmem>>) offsets(%arg9 : memref<128xi32, #tpu.memory_space<vmem>>) semaphore(%arg12 : memref<!tpu.dma_semaphore, #tpu.memory_space<semaphore_mem>>)
      %dma_wait3A = arith.constant 0 : i32
      %dma_wait3A_87 = arith.constant 0 : i32
      %dma_wait3A_88 = tpu.memref_slice %arg2[%dma_wait3A, %dma_wait3A_87] : memref<100352x32xf32, #tpu.memory_space<hbm>> -> memref<100352x32xf32, #tpu.memory_space<hbm>>
      tpu.wait_indirect_dma semaphore(%arg12 : memref<!tpu.dma_semaphore, #tpu.memory_space<semaphore_mem>>) src(%dma_wait3A_88 : memref<100352x32xf32, #tpu.memory_space<hbm>>) dst(%arg11 : memref<128x32xf32, #tpu.memory_space<vmem>>)
      "tpu.region"() ({
        %run_scoped3A = tpu.sem_alloc : memref<!tpu.dma_semaphore, #tpu.memory_space<semaphore_mem>>
        %dma_start3A_89 = arith.constant 0 : i32
        %dma_start3A_90 = arith.constant 0 : i32
        %dma_start3A_91 = tpu.memref_slice %arg7[%dma_start3A_89, %dma_start3A_90] : memref<50176x32xf32, #tpu.memory_space<vmem_shared>> -> memref<50176x32xf32, #tpu.memory_space<vmem_shared>>
        tpu.enqueue_indirect_dma source(%arg11 : memref<128x32xf32, #tpu.memory_space<vmem>>) target(%dma_start3A_91 : memref<50176x32xf32, #tpu.memory_space<vmem_shared>>) offsets(%arg10 : memref<128xi32, #tpu.memory_space<vmem>>) semaphore(%run_scoped3A : memref<!tpu.dma_semaphore, #tpu.memory_space<semaphore_mem>>) {add = true}
        %dma_wait3A_92 = arith.constant 0 : i32
        %dma_wait3A_93 = arith.constant 0 : i32
        %dma_wait3A_94 = tpu.memref_slice %arg7[%dma_wait3A_92, %dma_wait3A_93] : memref<50176x32xf32, #tpu.memory_space<vmem_shared>> -> memref<50176x32xf32, #tpu.memory_space<vmem_shared>>
        tpu.wait_indirect_dma semaphore(%run_scoped3A : memref<!tpu.dma_semaphore, #tpu.memory_space<semaphore_mem>>) src(%arg11 : memref<128x32xf32, #tpu.memory_space<vmem>>) dst(%dma_wait3A_94 : memref<50176x32xf32, #tpu.memory_space<vmem_shared>>)
        tpu.yield
      }) : () -> ()
    }
    %scan3A_6 = arith.constant 391 : i32
    %barrier3A_7 = arith.constant 0 : index
    tpu.barrier barrier_id(%barrier3A_7)
    %mul3A_8 = arith.constant 3136 : i32
    %mul3A_9 = arith.muli %arg1, %mul3A_8 : i32
    %mul3A_10 = arith.constant 50176 : i32
    %mul3A_11 = arith.muli %arg0, %mul3A_10 : i32
    %mul3A_12 = arith.constant 3136 : i32
    %mul3A_13 = arith.muli %arg1, %mul3A_12 : i32
    %add3A = arith.addi %mul3A_11, %mul3A_13 : i32
    "tpu.region"() ({
      %run_scoped3A = tpu.sem_alloc : memref<!tpu.dma_semaphore, #tpu.memory_space<semaphore_mem>>
      %dma_start3A = arith.constant 0 : i32
      %dma_start3A_14 = tpu.memref_slice %arg6[%add3A, %dma_start3A] : memref<100352x32xf32, #tpu.memory_space<hbm>> -> memref<3136x32xf32, #tpu.memory_space<hbm>>
      %dma_start3A_15 = arith.constant 0 : i32
      %dma_start3A_16 = tpu.memref_slice %arg7[%mul3A_9, %dma_start3A_15] : memref<50176x32xf32, #tpu.memory_space<vmem_shared>> -> memref<3136x32xf32, #tpu.memory_space<vmem_shared>>
      tpu.enqueue_dma source(%dma_start3A_16 : memref<3136x32xf32, #tpu.memory_space<vmem_shared>>) target(%dma_start3A_14 : memref<3136x32xf32, #tpu.memory_space<hbm>>) target_semaphore(%run_scoped3A : memref<!tpu.dma_semaphore, #tpu.memory_space<semaphore_mem>>)
      %dma_wait3A = arith.constant 0 : i32
      %dma_wait3A_17 = tpu.memref_slice %arg6[%add3A, %dma_wait3A] : memref<100352x32xf32, #tpu.memory_space<hbm>> -> memref<3136x32xf32, #tpu.memory_space<hbm>>
      %dma_wait3A_18 = arith.constant 0 : i32
      %dma_wait3A_19 = tpu.memref_slice %arg7[%mul3A_9, %dma_wait3A_18] : memref<50176x32xf32, #tpu.memory_space<vmem_shared>> -> memref<3136x32xf32, #tpu.memory_space<vmem_shared>>
      tpu.wait_dma2 semaphore(%run_scoped3A : memref<!tpu.dma_semaphore, #tpu.memory_space<semaphore_mem>>) src(%dma_wait3A_19 : memref<3136x32xf32, #tpu.memory_space<vmem_shared>>) dst(%dma_wait3A_17 : memref<3136x32xf32, #tpu.memory_space<hbm>>)
      tpu.yield
    }) : () -> ()
    return
  }
}

#map = affine_map<(d0, d1) -> (0, 0)>
#map1 = affine_map<(d0, d1) -> (0, 0, 0)>
module attributes {stable_mosaic.version = 14 : i64} {
  func.func @_sc_scatter_body(%arg0: i32, %arg1: i32, %arg2: memref<100352x32xf32, #tpu.memory_space<hbm>>, %arg3: memref<16x391x128xi32, #tpu.memory_space<hbm>>, %arg4: memref<16x391x128xi32, #tpu.memory_space<hbm>>, %arg5: memref<50176x32xf32, #tpu.memory_space<hbm>>, %arg6: memref<100352x32xf32, #tpu.memory_space<hbm>>, %arg7: memref<50176x32xf32, #tpu.memory_space<vmem_shared>>, %arg8: memref<128xi32, #tpu.memory_space<vmem>>, %arg9: memref<128xi32, #tpu.memory_space<vmem>>, %arg10: memref<128xi32, #tpu.memory_space<vmem>>, %arg11: memref<128x32xf32, #tpu.memory_space<vmem>>, %arg12: memref<!tpu.dma_semaphore, #tpu.memory_space<semaphore_mem>>) attributes {dimension_semantics = [#tpu.dimension_semantics<core_parallel>, #tpu.dimension_semantics<subcore_parallel>], iteration_bounds = array<i64: 2, 16>, scalar_prefetch = 0 : i64, scratch_operands = 6 : i64, tpu.core_type = #tpu.core_type<sc_vector_subcore>, window_params = [{transform_indices = #map}, {transform_indices = #map1}, {transform_indices = #map1}, {transform_indices = #map}, {transform_indices = #map}]} {
    %eq3A = arith.constant 0 : i32
    %eq3A_0 = arith.cmpi eq, %arg1, %eq3A : i32
    %convert_element_type3A = arith.extui %eq3A_0 : i1 to i32
    %cond3A = arith.constant 0 : i32
    %cond3A_1 = arith.cmpi ne, %convert_element_type3A, %cond3A : i32
    scf.if %cond3A_1 {
      "tpu.region"() ({
        %run_scoped3A = tpu.sem_alloc : memref<!tpu.dma_semaphore, #tpu.memory_space<semaphore_mem>>
        tpu.enqueue_dma source(%arg5 : memref<50176x32xf32, #tpu.memory_space<hbm>>) target(%arg7 : memref<50176x32xf32, #tpu.memory_space<vmem_shared>>) target_semaphore(%run_scoped3A : memref<!tpu.dma_semaphore, #tpu.memory_space<semaphore_mem>>)
        tpu.wait_dma2 semaphore(%run_scoped3A : memref<!tpu.dma_semaphore, #tpu.memory_space<semaphore_mem>>) src(%arg5 : memref<50176x32xf32, #tpu.memory_space<hbm>>) dst(%arg7 : memref<50176x32xf32, #tpu.memory_space<vmem_shared>>)
        tpu.yield
      }) : () -> ()
    } else {
    }
    %barrier3A = arith.constant 0 : index
    tpu.barrier barrier_id(%barrier3A)
    %mul3A = arith.constant 50176 : i32
    %mul3A_2 = arith.muli %arg0, %mul3A : i32
    %scan3A = arith.constant 0 : i32
    %scan3A_3 = arith.constant 391 : i32
    %scan3A_4 = arith.addi %scan3A, %scan3A_3 : i32
    %scan3A_5 = arith.constant 1 : i32
    scf.for %scan3A_14 = %scan3A to %scan3A_4 step %scan3A_5  : i32 {
      "tpu.region"() ({
        %run_scoped3A = tpu.sem_alloc : memref<!tpu.dma_semaphore, #tpu.memory_space<semaphore_mem>>
        %dma_start3A_89 = arith.constant 0 : i32
        %dma_start3A_90 = tpu.memref_slice %arg3[%arg1, %scan3A_14, %dma_start3A_89] : memref<16x391x128xi32, #tpu.memory_space<hbm>> -> memref<1x1x128xi32, #tpu.memory_space<hbm>>
        %dma_start3A_91 = tpu.memref_squeeze %dma_start3A_90 : memref<1x1x128xi32, #tpu.memory_space<hbm>> -> memref<128xi32, #tpu.memory_space<hbm>>
        %dma_start3A_92 = arith.constant 0 : i32
        %dma_start3A_93 = tpu.memref_slice %arg3[%arg1, %scan3A_14, %dma_start3A_92] : memref<16x391x128xi32, #tpu.memory_space<hbm>> -> memref<1x1x128xi32, #tpu.memory_space<hbm>>
        %dma_start3A_94 = tpu.memref_squeeze %dma_start3A_93 : memref<1x1x128xi32, #tpu.memory_space<hbm>> -> memref<128xi32, #tpu.memory_space<hbm>>
        tpu.enqueue_dma source(%dma_start3A_94 : memref<128xi32, #tpu.memory_space<hbm>>) target(%arg8 : memref<128xi32, #tpu.memory_space<vmem>>) target_semaphore(%run_scoped3A : memref<!tpu.dma_semaphore, #tpu.memory_space<semaphore_mem>>)
        %dma_wait3A_95 = arith.constant 0 : i32
        %dma_wait3A_96 = tpu.memref_slice %arg3[%arg1, %scan3A_14, %dma_wait3A_95] : memref<16x391x128xi32, #tpu.memory_space<hbm>> -> memref<1x1x128xi32, #tpu.memory_space<hbm>>
        %dma_wait3A_97 = tpu.memref_squeeze %dma_wait3A_96 : memref<1x1x128xi32, #tpu.memory_space<hbm>> -> memref<128xi32, #tpu.memory_space<hbm>>
        %dma_wait3A_98 = arith.constant 0 : i32
        %dma_wait3A_99 = tpu.memref_slice %arg3[%arg1, %scan3A_14, %dma_wait3A_98] : memref<16x391x128xi32, #tpu.memory_space<hbm>> -> memref<1x1x128xi32, #tpu.memory_space<hbm>>
        %dma_wait3A_100 = tpu.memref_squeeze %dma_wait3A_99 : memref<1x1x128xi32, #tpu.memory_space<hbm>> -> memref<128xi32, #tpu.memory_space<hbm>>
        tpu.wait_dma2 semaphore(%run_scoped3A : memref<!tpu.dma_semaphore, #tpu.memory_space<semaphore_mem>>) src(%dma_wait3A_100 : memref<128xi32, #tpu.memory_space<hbm>>) dst(%arg8 : memref<128xi32, #tpu.memory_space<vmem>>)
        tpu.yield
      }) : () -> ()
      "tpu.region"() ({
        %run_scoped3A = tpu.sem_alloc : memref<!tpu.dma_semaphore, #tpu.memory_space<semaphore_mem>>
        %dma_start3A_89 = arith.constant 0 : i32
        %dma_start3A_90 = tpu.memref_slice %arg4[%arg1, %scan3A_14, %dma_start3A_89] : memref<16x391x128xi32, #tpu.memory_space<hbm>> -> memref<1x1x128xi32, #tpu.memory_space<hbm>>
        %dma_start3A_91 = tpu.memref_squeeze %dma_start3A_90 : memref<1x1x128xi32, #tpu.memory_space<hbm>> -> memref<128xi32, #tpu.memory_space<hbm>>
        %dma_start3A_92 = arith.constant 0 : i32
        %dma_start3A_93 = tpu.memref_slice %arg4[%arg1, %scan3A_14, %dma_start3A_92] : memref<16x391x128xi32, #tpu.memory_space<hbm>> -> memref<1x1x128xi32, #tpu.memory_space<hbm>>
        %dma_start3A_94 = tpu.memref_squeeze %dma_start3A_93 : memref<1x1x128xi32, #tpu.memory_space<hbm>> -> memref<128xi32, #tpu.memory_space<hbm>>
        tpu.enqueue_dma source(%dma_start3A_94 : memref<128xi32, #tpu.memory_space<hbm>>) target(%arg10 : memref<128xi32, #tpu.memory_space<vmem>>) target_semaphore(%run_scoped3A : memref<!tpu.dma_semaphore, #tpu.memory_space<semaphore_mem>>)
        %dma_wait3A_95 = arith.constant 0 : i32
        %dma_wait3A_96 = tpu.memref_slice %arg4[%arg1, %scan3A_14, %dma_wait3A_95] : memref<16x391x128xi32, #tpu.memory_space<hbm>> -> memref<1x1x128xi32, #tpu.memory_space<hbm>>
        %dma_wait3A_97 = tpu.memref_squeeze %dma_wait3A_96 : memref<1x1x128xi32, #tpu.memory_space<hbm>> -> memref<128xi32, #tpu.memory_space<hbm>>
        %dma_wait3A_98 = arith.constant 0 : i32
        %dma_wait3A_99 = tpu.memref_slice %arg4[%arg1, %scan3A_14, %dma_wait3A_98] : memref<16x391x128xi32, #tpu.memory_space<hbm>> -> memref<1x1x128xi32, #tpu.memory_space<hbm>>
        %dma_wait3A_100 = tpu.memref_squeeze %dma_wait3A_99 : memref<1x1x128xi32, #tpu.memory_space<hbm>> -> memref<128xi32, #tpu.memory_space<hbm>>
        tpu.wait_dma2 semaphore(%run_scoped3A : memref<!tpu.dma_semaphore, #tpu.memory_space<semaphore_mem>>) src(%dma_wait3A_100 : memref<128xi32, #tpu.memory_space<hbm>>) dst(%arg10 : memref<128xi32, #tpu.memory_space<vmem>>)
        tpu.yield
      }) : () -> ()
      %get3A = arith.constant 0 : index
      %get3A_15 = tpu.vector_load %arg8[%get3A] {strides = array<i32>} : memref<128xi32, #tpu.memory_space<vmem>>, vector<16xi32>,
      %get3A_16 = vector.shape_cast %get3A_15 : vector<16xi32> to vector<16xi32>
      %add3A_17 = vector.broadcast %mul3A_2 : i32 to vector<16xi32>
      %add3A_18 = arith.addi %get3A_16, %add3A_17 : vector<16xi32>
      %swap3A = arith.constant 0 : index
      %swap3A_19 = tpu.vector_load %arg9[%swap3A] {strides = array<i32>} : memref<128xi32, #tpu.memory_space<vmem>>, vector<16xi32>,
      %swap3A_20 = vector.shape_cast %swap3A_19 : vector<16xi32> to vector<16xi32>
      %swap3A_21 = vector.shape_cast %add3A_18 : vector<16xi32> to vector<16xi32>
      tpu.vector_store %arg9[%swap3A], %swap3A_21 {strides = array<i32>} : memref<128xi32, #tpu.memory_space<vmem>>, vector<16xi32>,
      %get3A_22 = arith.constant 16 : index
      %get3A_23 = tpu.vector_load %arg8[%get3A_22] {strides = array<i32>} : memref<128xi32, #tpu.memory_space<vmem>>, vector<16xi32>,
      %get3A_24 = vector.shape_cast %get3A_23 : vector<16xi32> to vector<16xi32>
      %add3A_25 = vector.broadcast %mul3A_2 : i32 to vector<16xi32>
      %add3A_26 = arith.addi %get3A_24, %add3A_25 : vector<16xi32>
      %swap3A_27 = arith.constant 16 : index
      %swap3A_28 = tpu.vector_load %arg9[%swap3A_27] {strides = array<i32>} : memref<128xi32, #tpu.memory_space<vmem>>, vector<16xi32>,
      %swap3A_29 = vector.shape_cast %swap3A_28 : vector<16xi32> to vector<16xi32>
      %swap3A_30 = vector.shape_cast %add3A_26 : vector<16xi32> to vector<16xi32>
      tpu.vector_store %arg9[%swap3A_27], %swap3A_30 {strides = array<i32>} : memref<128xi32, #tpu.memory_space<vmem>>, vector<16xi32>,
      %get3A_31 = arith.constant 32 : index
      %get3A_32 = tpu.vector_load %arg8[%get3A_31] {strides = array<i32>} : memref<128xi32, #tpu.memory_space<vmem>>, vector<16xi32>,
      %get3A_33 = vector.shape_cast %get3A_32 : vector<16xi32> to vector<16xi32>
      %add3A_34 = vector.broadcast %mul3A_2 : i32 to vector<16xi32>
      %add3A_35 = arith.addi %get3A_33, %add3A_34 : vector<16xi32>
      %swap3A_36 = arith.constant 32 : index
      %swap3A_37 = tpu.vector_load %arg9[%swap3A_36] {strides = array<i32>} : memref<128xi32, #tpu.memory_space<vmem>>, vector<16xi32>,
      %swap3A_38 = vector.shape_cast %swap3A_37 : vector<16xi32> to vector<16xi32>
      %swap3A_39 = vector.shape_cast %add3A_35 : vector<16xi32> to vector<16xi32>
      tpu.vector_store %arg9[%swap3A_36], %swap3A_39 {strides = array<i32>} : memref<128xi32, #tpu.memory_space<vmem>>, vector<16xi32>,
      %get3A_40 = arith.constant 48 : index
      %get3A_41 = tpu.vector_load %arg8[%get3A_40] {strides = array<i32>} : memref<128xi32, #tpu.memory_space<vmem>>, vector<16xi32>,
      %get3A_42 = vector.shape_cast %get3A_41 : vector<16xi32> to vector<16xi32>
      %add3A_43 = vector.broadcast %mul3A_2 : i32 to vector<16xi32>
      %add3A_44 = arith.addi %get3A_42, %add3A_43 : vector<16xi32>
      %swap3A_45 = arith.constant 48 : index
      %swap3A_46 = tpu.vector_load %arg9[%swap3A_45] {strides = array<i32>} : memref<128xi32, #tpu.memory_space<vmem>>, vector<16xi32>,
      %swap3A_47 = vector.shape_cast %swap3A_46 : vector<16xi32> to vector<16xi32>
      %swap3A_48 = vector.shape_cast %add3A_44 : vector<16xi32> to vector<16xi32>
      tpu.vector_store %arg9[%swap3A_45], %swap3A_48 {strides = array<i32>} : memref<128xi32, #tpu.memory_space<vmem>>, vector<16xi32>,
      %get3A_49 = arith.constant 64 : index
      %get3A_50 = tpu.vector_load %arg8[%get3A_49] {strides = array<i32>} : memref<128xi32, #tpu.memory_space<vmem>>, vector<16xi32>,
      %get3A_51 = vector.shape_cast %get3A_50 : vector<16xi32> to vector<16xi32>
      %add3A_52 = vector.broadcast %mul3A_2 : i32 to vector<16xi32>
      %add3A_53 = arith.addi %get3A_51, %add3A_52 : vector<16xi32>
      %swap3A_54 = arith.constant 64 : index
      %swap3A_55 = tpu.vector_load %arg9[%swap3A_54] {strides = array<i32>} : memref<128xi32, #tpu.memory_space<vmem>>, vector<16xi32>,
      %swap3A_56 = vector.shape_cast %swap3A_55 : vector<16xi32> to vector<16xi32>
      %swap3A_57 = vector.shape_cast %add3A_53 : vector<16xi32> to vector<16xi32>
      tpu.vector_store %arg9[%swap3A_54], %swap3A_57 {strides = array<i32>} : memref<128xi32, #tpu.memory_space<vmem>>, vector<16xi32>,
      %get3A_58 = arith.constant 80 : index
      %get3A_59 = tpu.vector_load %arg8[%get3A_58] {strides = array<i32>} : memref<128xi32, #tpu.memory_space<vmem>>, vector<16xi32>,
      %get3A_60 = vector.shape_cast %get3A_59 : vector<16xi32> to vector<16xi32>
      %add3A_61 = vector.broadcast %mul3A_2 : i32 to vector<16xi32>
      %add3A_62 = arith.addi %get3A_60, %add3A_61 : vector<16xi32>
      %swap3A_63 = arith.constant 80 : index
      %swap3A_64 = tpu.vector_load %arg9[%swap3A_63] {strides = array<i32>} : memref<128xi32, #tpu.memory_space<vmem>>, vector<16xi32>,
      %swap3A_65 = vector.shape_cast %swap3A_64 : vector<16xi32> to vector<16xi32>
      %swap3A_66 = vector.shape_cast %add3A_62 : vector<16xi32> to vector<16xi32>
      tpu.vector_store %arg9[%swap3A_63], %swap3A_66 {strides = array<i32>} : memref<128xi32, #tpu.memory_space<vmem>>, vector<16xi32>,
      %get3A_67 = arith.constant 96 : index
      %get3A_68 = tpu.vector_load %arg8[%get3A_67] {strides = array<i32>} : memref<128xi32, #tpu.memory_space<vmem>>, vector<16xi32>,
      %get3A_69 = vector.shape_cast %get3A_68 : vector<16xi32> to vector<16xi32>
      %add3A_70 = vector.broadcast %mul3A_2 : i32 to vector<16xi32>
      %add3A_71 = arith.addi %get3A_69, %add3A_70 : vector<16xi32>
      %swap3A_72 = arith.constant 96 : index
      %swap3A_73 = tpu.vector_load %arg9[%swap3A_72] {strides = array<i32>} : memref<128xi32, #tpu.memory_space<vmem>>, vector<16xi32>,
      %swap3A_74 = vector.shape_cast %swap3A_73 : vector<16xi32> to vector<16xi32>
      %swap3A_75 = vector.shape_cast %add3A_71 : vector<16xi32> to vector<16xi32>
      tpu.vector_store %arg9[%swap3A_72], %swap3A_75 {strides = array<i32>} : memref<128xi32, #tpu.memory_space<vmem>>, vector<16xi32>,
      %get3A_76 = arith.constant 112 : index
      %get3A_77 = tpu.vector_load %arg8[%get3A_76] {strides = array<i32>} : memref<128xi32, #tpu.memory_space<vmem>>, vector<16xi32>,
      %get3A_78 = vector.shape_cast %get3A_77 : vector<16xi32> to vector<16xi32>
      %add3A_79 = vector.broadcast %mul3A_2 : i32 to vector<16xi32>
      %add3A_80 = arith.addi %get3A_78, %add3A_79 : vector<16xi32>
      %swap3A_81 = arith.constant 112 : index
      %swap3A_82 = tpu.vector_load %arg9[%swap3A_81] {strides = array<i32>} : memref<128xi32, #tpu.memory_space<vmem>>, vector<16xi32>,
      %swap3A_83 = vector.shape_cast %swap3A_82 : vector<16xi32> to vector<16xi32>
      %swap3A_84 = vector.shape_cast %add3A_80 : vector<16xi32> to vector<16xi32>
      tpu.vector_store %arg9[%swap3A_81], %swap3A_84 {strides = array<i32>} : memref<128xi32, #tpu.memory_space<vmem>>, vector<16xi32>,
      %dma_start3A = arith.constant 0 : i32
      %dma_start3A_85 = arith.constant 0 : i32
      %dma_start3A_86 = tpu.memref_slice %arg2[%dma_start3A, %dma_start3A_85] : memref<100352x32xf32, #tpu.memory_space<hbm>> -> memref<100352x32xf32, #tpu.memory_space<hbm>>
      tpu.enqueue_indirect_dma source(%dma_start3A_86 : memref<100352x32xf32, #tpu.memory_space<hbm>>) target(%arg11 : memref<128x32xf32, #tpu.memory_space<vmem>>) offsets(%arg9 : memref<128xi32, #tpu.memory_space<vmem>>) semaphore(%arg12 : memref<!tpu.dma_semaphore, #tpu.memory_space<semaphore_mem>>)
      %dma_wait3A = arith.constant 0 : i32
      %dma_wait3A_87 = arith.constant 0 : i32
      %dma_wait3A_88 = tpu.memref_slice %arg2[%dma_wait3A, %dma_wait3A_87] : memref<100352x32xf32, #tpu.memory_space<hbm>> -> memref<100352x32xf32, #tpu.memory_space<hbm>>
      tpu.wait_indirect_dma semaphore(%arg12 : memref<!tpu.dma_semaphore, #tpu.memory_space<semaphore_mem>>) src(%dma_wait3A_88 : memref<100352x32xf32, #tpu.memory_space<hbm>>) dst(%arg11 : memref<128x32xf32, #tpu.memory_space<vmem>>)
      "tpu.region"() ({
        %run_scoped3A = tpu.sem_alloc : memref<!tpu.dma_semaphore, #tpu.memory_space<semaphore_mem>>
        %dma_start3A_89 = arith.constant 0 : i32
        %dma_start3A_90 = arith.constant 0 : i32
        %dma_start3A_91 = tpu.memref_slice %arg7[%dma_start3A_89, %dma_start3A_90] : memref<50176x32xf32, #tpu.memory_space<vmem_shared>> -> memref<50176x32xf32, #tpu.memory_space<vmem_shared>>
        tpu.enqueue_indirect_dma source(%arg11 : memref<128x32xf32, #tpu.memory_space<vmem>>) target(%dma_start3A_91 : memref<50176x32xf32, #tpu.memory_space<vmem_shared>>) offsets(%arg10 : memref<128xi32, #tpu.memory_space<vmem>>) semaphore(%run_scoped3A : memref<!tpu.dma_semaphore, #tpu.memory_space<semaphore_mem>>) {add = true}
        %dma_wait3A_92 = arith.constant 0 : i32
        %dma_wait3A_93 = arith.constant 0 : i32
        %dma_wait3A_94 = tpu.memref_slice %arg7[%dma_wait3A_92, %dma_wait3A_93] : memref<50176x32xf32, #tpu.memory_space<vmem_shared>> -> memref<50176x32xf32, #tpu.memory_space<vmem_shared>>
        tpu.wait_indirect_dma semaphore(%run_scoped3A : memref<!tpu.dma_semaphore, #tpu.memory_space<semaphore_mem>>) src(%arg11 : memref<128x32xf32, #tpu.memory_space<vmem>>) dst(%dma_wait3A_94 : memref<50176x32xf32, #tpu.memory_space<vmem_shared>>)
        tpu.yield
      }) : () -> ()
    }
    %scan3A_6 = arith.constant 391 : i32
    %barrier3A_7 = arith.constant 0 : index
    tpu.barrier barrier_id(%barrier3A_7)
    %mul3A_8 = arith.constant 3136 : i32
    %mul3A_9 = arith.muli %arg1, %mul3A_8 : i32
    %mul3A_10 = arith.constant 50176 : i32
    %mul3A_11 = arith.muli %arg0, %mul3A_10 : i32
    %mul3A_12 = arith.constant 3136 : i32
    %mul3A_13 = arith.muli %arg1, %mul3A_12 : i32
    %add3A = arith.addi %mul3A_11, %mul3A_13 : i32
    "tpu.region"() ({
      %run_scoped3A = tpu.sem_alloc : memref<!tpu.dma_semaphore, #tpu.memory_space<semaphore_mem>>
      %dma_start3A = arith.constant 0 : i32
      %dma_start3A_14 = tpu.memref_slice %arg6[%add3A, %dma_start3A] : memref<100352x32xf32, #tpu.memory_space<hbm>> -> memref<3136x32xf32, #tpu.memory_space<hbm>>
      %dma_start3A_15 = arith.constant 0 : i32
      %dma_start3A_16 = tpu.memref_slice %arg7[%mul3A_9, %dma_start3A_15] : memref<50176x32xf32, #tpu.memory_space<vmem_shared>> -> memref<3136x32xf32, #tpu.memory_space<vmem_shared>>
      tpu.enqueue_dma source(%dma_start3A_16 : memref<3136x32xf32, #tpu.memory_space<vmem_shared>>) target(%dma_start3A_14 : memref<3136x32xf32, #tpu.memory_space<hbm>>) target_semaphore(%run_scoped3A : memref<!tpu.dma_semaphore, #tpu.memory_space<semaphore_mem>>)
      %dma_wait3A = arith.constant 0 : i32
      %dma_wait3A_17 = tpu.memref_slice %arg6[%add3A, %dma_wait3A] : memref<100352x32xf32, #tpu.memory_space<hbm>> -> memref<3136x32xf32, #tpu.memory_space<hbm>>
      %dma_wait3A_18 = arith.constant 0 : i32
      %dma_wait3A_19 = tpu.memref_slice %arg7[%mul3A_9, %dma_wait3A_18] : memref<50176x32xf32, #tpu.memory_space<vmem_shared>> -> memref<3136x32xf32, #tpu.memory_space<vmem_shared>>
      tpu.wait_dma2 semaphore(%run_scoped3A : memref<!tpu.dma_semaphore, #tpu.memory_space<semaphore_mem>>) src(%dma_wait3A_19 : memref<3136x32xf32, #tpu.memory_space<vmem_shared>>) dst(%dma_wait3A_17 : memref<3136x32xf32, #tpu.memory_space<hbm>>)
      tpu.yield
    }) : () -> ()
    return
  }
}

module attributes {stable_mosaic.version = 14 : i64} {
  func.func @_tc_first_body(%arg0: i32, %arg1: memref<512x32xf32, #tpu.memory_space<vmem>>, %arg2: memref<512x32xf32, #tpu.memory_space<vmem>>, %arg3: memref<512x32xf32, #tpu.memory_space<vmem>>, %arg4: memref<64x64xf32, #tpu.memory_space<vmem>>, %arg5: memref<512x32xf32, #tpu.memory_space<vmem>>, %arg6: memref<512x32xf32, #tpu.memory_space<vmem>>, %arg7: memref<512x8xf32, #tpu.memory_space<vmem>>) attributes {dimension_semantics = [#tpu.dimension_semantics<arbitrary>], iteration_bounds = array<i64: 98>, scalar_prefetch = 0 : i64, scratch_operands = 0 : i64, tpu.core_type = #tpu.core_type<tc>, window_params = [{transform_indices = @transform_0, window_bounds = array<i64: 512, 32>}, {transform_indices = @transform_1, window_bounds = array<i64: 512, 32>}, {transform_indices = @transform_2, window_bounds = array<i64: 512, 32>}, {pipeline_mode = #tpu.pipeline_mode<synchronous>, transform_indices = @transform_3, window_bounds = array<i64: 64, 64>}, {transform_indices = @transform_4, window_bounds = array<i64: 512, 32>}, {transform_indices = @transform_5, window_bounds = array<i64: 512, 32>}, {transform_indices = @transform_6, window_bounds = array<i64: 512, 8>}]} {
    %get3A = arith.constant 0 : index
    %get3A_0 = arith.constant 0 : index
    %get3A_1 = vector.load %arg1[%get3A, %get3A_0] : memref<512x32xf32, #tpu.memory_space<vmem>>, vector<512x32xf32>
    %get3A_2 = arith.constant 0 : index
    %get3A_3 = arith.constant 0 : index
    %get3A_4 = vector.load %arg2[%get3A_2, %get3A_3] : memref<512x32xf32, #tpu.memory_space<vmem>>, vector<512x32xf32>
    %concatenate3A = tpu.concatenate %get3A_1, %get3A_4 in 1 : vector<512x32xf32>, vector<512x32xf32> -> vector<512x64xf32>
    %get3A_5 = arith.constant 0 : index
    %get3A_6 = arith.constant 0 : index
    %get3A_7 = vector.load %arg3[%get3A_5, %get3A_6] : memref<512x32xf32, #tpu.memory_space<vmem>>, vector<512x1xf32>
    %add3A = arith.constant 1.000000e+00 : f32
    %add3A_8 = vector.broadcast %add3A : f32 to vector<512x1xf32>
    %add3A_9 = arith.addf %get3A_7, %add3A_8 : vector<512x1xf32>
    %rsqrt3A = math.rsqrt %add3A_9 : vector<512x1xf32>
    %get3A_10 = arith.constant 0 : index
    %get3A_11 = arith.constant 0 : index
    %get3A_12 = vector.load %arg4[%get3A_10, %get3A_11] : memref<64x64xf32, #tpu.memory_space<vmem>>, vector<64x64xf32>
    %dot_general3A = arith.constant dense<0.000000e+00> : vector<512x64xf32>
    %dot_general3A_13 = tpu.matmul %concatenate3A, %get3A_12, %dot_general3A {dimension_numbers = #tpu.dot_dimension_numbers<[1], [0], [0], [1], [0, 0, 1, 1], [], []>, transpose_lhs_hint = false} : vector<512x64xf32>, vector<64x64xf32>, vector<512x64xf32> -> vector<512x64xf32>
    %mul3A = vector.broadcast %rsqrt3A : vector<512x1xf32> to vector<512x64xf32>
    %mul3A_14 = arith.mulf %mul3A, %dot_general3A_13 : vector<512x64xf32>
    %slice3A = vector.extract_strided_slice %mul3A_14 {offsets = [0, 0], sizes = [512, 32], strides = [1, 1]} : vector<512x64xf32> to vector<512x32xf32>
    %swap3A = arith.constant 0 : index
    %swap3A_15 = arith.constant 0 : index
    %swap3A_16 = vector.load %arg5[%swap3A, %swap3A_15] : memref<512x32xf32, #tpu.memory_space<vmem>>, vector<512x32xf32>
    tpu.vector_store %arg5[%swap3A, %swap3A_15], %slice3A {strides = array<i32>} : memref<512x32xf32, #tpu.memory_space<vmem>>, vector<512x32xf32>,
    %slice3A_17 = vector.extract_strided_slice %mul3A_14 {offsets = [0, 32], sizes = [512, 32], strides = [1, 1]} : vector<512x64xf32> to vector<512x32xf32>
    %swap3A_18 = arith.constant 0 : index
    %swap3A_19 = arith.constant 0 : index
    %swap3A_20 = vector.load %arg6[%swap3A_18, %swap3A_19] : memref<512x32xf32, #tpu.memory_space<vmem>>, vector<512x32xf32>
    tpu.vector_store %arg6[%swap3A_18, %swap3A_19], %slice3A_17 {strides = array<i32>} : memref<512x32xf32, #tpu.memory_space<vmem>>, vector<512x32xf32>,
    %broadcast_in_dim3A = vector.shape_cast %rsqrt3A : vector<512x1xf32> to vector<512x1xf32>
    %broadcast_in_dim3A_21 = vector.broadcast %broadcast_in_dim3A : vector<512x1xf32> to vector<512x8xf32>
    %swap3A_22 = arith.constant 0 : index
    %swap3A_23 = arith.constant 0 : index
    %swap3A_24 = vector.load %arg7[%swap3A_22, %swap3A_23] : memref<512x8xf32, #tpu.memory_space<vmem>>, vector<512x8xf32>
    tpu.vector_store %arg7[%swap3A_22, %swap3A_23], %broadcast_in_dim3A_21 {strides = array<i32>} : memref<512x8xf32, #tpu.memory_space<vmem>>, vector<512x8xf32>,
    return
  }
  func.func @transform_0(%arg0: i32) -> (i32, i32) {
    %c0_i32 = arith.constant 0 : i32
    %c0_i32_0 = arith.constant 0 : i32
    return %arg0, %c0_i32 : i32, i32
  }
  func.func @transform_1(%arg0: i32) -> (i32, i32) {
    %c0_i32 = arith.constant 0 : i32
    %c0_i32_0 = arith.constant 0 : i32
    return %arg0, %c0_i32 : i32, i32
  }
  func.func @transform_2(%arg0: i32) -> (i32, i32) {
    %c0_i32 = arith.constant 0 : i32
    %c0_i32_0 = arith.constant 0 : i32
    return %arg0, %c0_i32 : i32, i32
  }
  func.func @transform_3(%arg0: i32) -> (i32, i32) {
    %c0_i32 = arith.constant 0 : i32
    %c0_i32_0 = arith.constant 0 : i32
    %c0_i32_1 = arith.constant 0 : i32
    return %c0_i32, %c0_i32_0 : i32, i32
  }
  func.func @transform_4(%arg0: i32) -> (i32, i32) {
    %c0_i32 = arith.constant 0 : i32
    %c0_i32_0 = arith.constant 0 : i32
    return %arg0, %c0_i32 : i32, i32
  }
  func.func @transform_5(%arg0: i32) -> (i32, i32) {
    %c0_i32 = arith.constant 0 : i32
    %c0_i32_0 = arith.constant 0 : i32
    return %arg0, %c0_i32 : i32, i32
  }
  func.func @transform_6(%arg0: i32) -> (i32, i32) {
    %c0_i32 = arith.constant 0 : i32
    %c0_i32_0 = arith.constant 0 : i32
    return %arg0, %c0_i32 : i32, i32
  }
}

module attributes {stable_mosaic.version = 14 : i64} {
  func.func @_tc_mid_body(%arg0: i32, %arg1: memref<512x32xf32, #tpu.memory_space<vmem>>, %arg2: memref<512x32xf32, #tpu.memory_space<vmem>>, %arg3: memref<512x32xf32, #tpu.memory_space<vmem>>, %arg4: memref<512x32xf32, #tpu.memory_space<vmem>>, %arg5: memref<512x8xf32, #tpu.memory_space<vmem>>, %arg6: memref<1x64xf32, #tpu.memory_space<vmem>>, %arg7: memref<64x64xf32, #tpu.memory_space<vmem>>, %arg8: memref<512x32xf32, #tpu.memory_space<vmem>>, %arg9: memref<512x32xf32, #tpu.memory_space<vmem>>) attributes {dimension_semantics = [#tpu.dimension_semantics<arbitrary>], iteration_bounds = array<i64: 98>, scalar_prefetch = 0 : i64, scratch_operands = 0 : i64, tpu.core_type = #tpu.core_type<tc>, window_params = [{transform_indices = @transform_0, window_bounds = array<i64: 512, 32>}, {transform_indices = @transform_1, window_bounds = array<i64: 512, 32>}, {transform_indices = @transform_2, window_bounds = array<i64: 512, 32>}, {transform_indices = @transform_3, window_bounds = array<i64: 512, 32>}, {transform_indices = @transform_4, window_bounds = array<i64: 512, 8>}, {pipeline_mode = #tpu.pipeline_mode<synchronous>, transform_indices = @transform_5, window_bounds = array<i64: 1, 64>}, {pipeline_mode = #tpu.pipeline_mode<synchronous>, transform_indices = @transform_6, window_bounds = array<i64: 64, 64>}, {transform_indices = @transform_7, window_bounds = array<i64: 512, 32>}, {transform_indices = @transform_8, window_bounds = array<i64: 512, 32>}]} {
    %get3A = arith.constant 0 : index
    %get3A_0 = arith.constant 0 : index
    %get3A_1 = vector.load %arg1[%get3A, %get3A_0] : memref<512x32xf32, #tpu.memory_space<vmem>>, vector<512x32xf32>
    %get3A_2 = arith.constant 0 : index
    %get3A_3 = arith.constant 0 : index
    %get3A_4 = vector.load %arg2[%get3A_2, %get3A_3] : memref<512x32xf32, #tpu.memory_space<vmem>>, vector<512x32xf32>
    %concatenate3A = tpu.concatenate %get3A_1, %get3A_4 in 1 : vector<512x32xf32>, vector<512x32xf32> -> vector<512x64xf32>
    %get3A_5 = arith.constant 0 : index
    %get3A_6 = arith.constant 0 : index
    %get3A_7 = vector.load %arg3[%get3A_5, %get3A_6] : memref<512x32xf32, #tpu.memory_space<vmem>>, vector<512x32xf32>
    %get3A_8 = arith.constant 0 : index
    %get3A_9 = arith.constant 0 : index
    %get3A_10 = vector.load %arg4[%get3A_8, %get3A_9] : memref<512x32xf32, #tpu.memory_space<vmem>>, vector<512x32xf32>
    %concatenate3A_11 = tpu.concatenate %get3A_7, %get3A_10 in 1 : vector<512x32xf32>, vector<512x32xf32> -> vector<512x64xf32>
    %get3A_12 = arith.constant 0 : index
    %get3A_13 = arith.constant 0 : index
    %get3A_14 = vector.load %arg5[%get3A_12, %get3A_13] : memref<512x8xf32, #tpu.memory_space<vmem>>, vector<512x1xf32>
    %add3A = arith.addf %concatenate3A, %concatenate3A_11 : vector<512x64xf32>
    %mul3A = vector.broadcast %get3A_14 : vector<512x1xf32> to vector<512x64xf32>
    %mul3A_15 = arith.mulf %mul3A, %add3A : vector<512x64xf32>
    %get3A_16 = arith.constant 0 : index
    %get3A_17 = arith.constant 0 : index
    %get3A_18 = vector.load %arg6[%get3A_16, %get3A_17] : memref<1x64xf32, #tpu.memory_space<vmem>>, vector<1x64xf32>
    %add3A_19 = vector.broadcast %get3A_18 : vector<1x64xf32> to vector<512x64xf32>
    %add3A_20 = arith.addf %mul3A_15, %add3A_19 : vector<512x64xf32>
    %max3A = arith.constant 0.000000e+00 : f32
    %max3A_21 = vector.broadcast %max3A : f32 to vector<512x64xf32>
    %max3A_22 = arith.maximumf %add3A_20, %max3A_21 : vector<512x64xf32>
    %get3A_23 = arith.constant 0 : index
    %get3A_24 = arith.constant 0 : index
    %get3A_25 = vector.load %arg7[%get3A_23, %get3A_24] : memref<64x64xf32, #tpu.memory_space<vmem>>, vector<64x64xf32>
    %dot_general3A = arith.constant dense<0.000000e+00> : vector<512x64xf32>
    %dot_general3A_26 = tpu.matmul %max3A_22, %get3A_25, %dot_general3A {dimension_numbers = #tpu.dot_dimension_numbers<[1], [0], [0], [1], [0, 0, 1, 1], [], []>, transpose_lhs_hint = false} : vector<512x64xf32>, vector<64x64xf32>, vector<512x64xf32> -> vector<512x64xf32>
    %mul3A_27 = vector.broadcast %get3A_14 : vector<512x1xf32> to vector<512x64xf32>
    %mul3A_28 = arith.mulf %mul3A_27, %dot_general3A_26 : vector<512x64xf32>
    %slice3A = vector.extract_strided_slice %mul3A_28 {offsets = [0, 0], sizes = [512, 32], strides = [1, 1]} : vector<512x64xf32> to vector<512x32xf32>
    %swap3A = arith.constant 0 : index
    %swap3A_29 = arith.constant 0 : index
    %swap3A_30 = vector.load %arg8[%swap3A, %swap3A_29] : memref<512x32xf32, #tpu.memory_space<vmem>>, vector<512x32xf32>
    tpu.vector_store %arg8[%swap3A, %swap3A_29], %slice3A {strides = array<i32>} : memref<512x32xf32, #tpu.memory_space<vmem>>, vector<512x32xf32>,
    %slice3A_31 = vector.extract_strided_slice %mul3A_28 {offsets = [0, 32], sizes = [512, 32], strides = [1, 1]} : vector<512x64xf32> to vector<512x32xf32>
    %swap3A_32 = arith.constant 0 : index
    %swap3A_33 = arith.constant 0 : index
    %swap3A_34 = vector.load %arg9[%swap3A_32, %swap3A_33] : memref<512x32xf32, #tpu.memory_space<vmem>>, vector<512x32xf32>
    tpu.vector_store %arg9[%swap3A_32, %swap3A_33], %slice3A_31 {strides = array<i32>} : memref<512x32xf32, #tpu.memory_space<vmem>>, vector<512x32xf32>,
    return
  }
  func.func @transform_0(%arg0: i32) -> (i32, i32) {
    %c0_i32 = arith.constant 0 : i32
    %c0_i32_0 = arith.constant 0 : i32
    return %arg0, %c0_i32 : i32, i32
  }
  func.func @transform_1(%arg0: i32) -> (i32, i32) {
    %c0_i32 = arith.constant 0 : i32
    %c0_i32_0 = arith.constant 0 : i32
    return %arg0, %c0_i32 : i32, i32
  }
  func.func @transform_2(%arg0: i32) -> (i32, i32) {
    %c0_i32 = arith.constant 0 : i32
    %c0_i32_0 = arith.constant 0 : i32
    return %arg0, %c0_i32 : i32, i32
  }
  func.func @transform_3(%arg0: i32) -> (i32, i32) {
    %c0_i32 = arith.constant 0 : i32
    %c0_i32_0 = arith.constant 0 : i32
    return %arg0, %c0_i32 : i32, i32
  }
  func.func @transform_4(%arg0: i32) -> (i32, i32) {
    %c0_i32 = arith.constant 0 : i32
    %c0_i32_0 = arith.constant 0 : i32
    return %arg0, %c0_i32 : i32, i32
  }
  func.func @transform_5(%arg0: i32) -> (i32, i32) {
    %c0_i32 = arith.constant 0 : i32
    %c0_i32_0 = arith.constant 0 : i32
    %c0_i32_1 = arith.constant 0 : i32
    return %c0_i32, %c0_i32_0 : i32, i32
  }
  func.func @transform_6(%arg0: i32) -> (i32, i32) {
    %c0_i32 = arith.constant 0 : i32
    %c0_i32_0 = arith.constant 0 : i32
    %c0_i32_1 = arith.constant 0 : i32
    return %c0_i32, %c0_i32_0 : i32, i32
  }
  func.func @transform_7(%arg0: i32) -> (i32, i32) {
    %c0_i32 = arith.constant 0 : i32
    %c0_i32_0 = arith.constant 0 : i32
    return %arg0, %c0_i32 : i32, i32
  }
  func.func @transform_8(%arg0: i32) -> (i32, i32) {
    %c0_i32 = arith.constant 0 : i32
    %c0_i32_0 = arith.constant 0 : i32
    return %arg0, %c0_i32 : i32, i32
  }
}

module attributes {stable_mosaic.version = 14 : i64} {
  func.func @_tc_pool_body(%arg0: i32, %arg1: memref<512x32xf32, #tpu.memory_space<vmem>>, %arg2: memref<512x32xf32, #tpu.memory_space<vmem>>, %arg3: memref<512x32xf32, #tpu.memory_space<vmem>>, %arg4: memref<512x32xf32, #tpu.memory_space<vmem>>, %arg5: memref<512x8xf32, #tpu.memory_space<vmem>>, %arg6: memref<1x64xf32, #tpu.memory_space<vmem>>, %arg7: memref<512x64xf32, #tpu.memory_space<vmem>>, %arg8: memref<128x64xf32, #tpu.memory_space<vmem>>, %arg9: memref<1x64xf32, #tpu.memory_space<vmem>>, %arg10: memref<64x128xf32, #tpu.memory_space<vmem>>, %arg11: memref<1x128xf32, #tpu.memory_space<vmem>>, %arg12: memref<64x128xf32, #tpu.memory_space<vmem>>, %arg13: memref<64x64xf32, #tpu.memory_space<vmem>>, %arg14: memref<64x64xf32, #tpu.memory_space<vmem>>, %arg15: memref<64x64xf32, #tpu.memory_space<vmem>>) attributes {dimension_semantics = [#tpu.dimension_semantics<arbitrary>], iteration_bounds = array<i64: 98>, scalar_prefetch = 0 : i64, scratch_operands = 3 : i64, tpu.core_type = #tpu.core_type<tc>, window_params = [{transform_indices = @transform_0, window_bounds = array<i64: 512, 32>}, {transform_indices = @transform_1, window_bounds = array<i64: 512, 32>}, {transform_indices = @transform_2, window_bounds = array<i64: 512, 32>}, {transform_indices = @transform_3, window_bounds = array<i64: 512, 32>}, {transform_indices = @transform_4, window_bounds = array<i64: 512, 8>}, {pipeline_mode = #tpu.pipeline_mode<synchronous>, transform_indices = @transform_5, window_bounds = array<i64: 1, 64>}, {transform_indices = @transform_6, window_bounds = array<i64: 512, 64>}, {pipeline_mode = #tpu.pipeline_mode<synchronous>, transform_indices = @transform_7, window_bounds = array<i64: 128, 64>}, {pipeline_mode = #tpu.pipeline_mode<synchronous>, transform_indices = @transform_8, window_bounds = array<i64: 1, 64>}, {pipeline_mode = #tpu.pipeline_mode<synchronous>, transform_indices = @transform_9, window_bounds = array<i64: 64, 128>}, {pipeline_mode = #tpu.pipeline_mode<synchronous>, transform_indices = @transform_10, window_bounds = array<i64: 1, 128>}, {pipeline_mode = #tpu.pipeline_mode<synchronous>, transform_indices = @transform_11, window_bounds = array<i64: 64, 128>}]} {
    %eq3A = arith.constant 0 : i32
    %eq3A_0 = arith.cmpi eq, %arg0, %eq3A : i32
    %convert_element_type3A = arith.extui %eq3A_0 : i1 to i32
    %cond3A = arith.constant 0 : i32
    %cond3A_1 = arith.cmpi ne, %convert_element_type3A, %cond3A : i32
    scf.if %cond3A_1 {
      %broadcast_in_dim3A_58 = arith.constant 0.000000e+00 : f32
      %broadcast_in_dim3A_59 = vector.broadcast %broadcast_in_dim3A_58 : f32 to vector<64x64xf32>
      %swap3A_60 = arith.constant 0 : index
      %swap3A_61 = arith.constant 0 : index
      %swap3A_62 = vector.load %arg13[%swap3A_60, %swap3A_61] : memref<64x64xf32, #tpu.memory_space<vmem>>, vector<64x64xf32>
      tpu.vector_store %arg13[%swap3A_60, %swap3A_61], %broadcast_in_dim3A_59 {strides = array<i32>} : memref<64x64xf32, #tpu.memory_space<vmem>>, vector<64x64xf32>,
      %broadcast_in_dim3A_63 = arith.constant 0.000000e+00 : f32
      %broadcast_in_dim3A_64 = vector.broadcast %broadcast_in_dim3A_63 : f32 to vector<64x64xf32>
      %swap3A_65 = arith.constant 0 : index
      %swap3A_66 = arith.constant 0 : index
      %swap3A_67 = vector.load %arg14[%swap3A_65, %swap3A_66] : memref<64x64xf32, #tpu.memory_space<vmem>>, vector<64x64xf32>
      tpu.vector_store %arg14[%swap3A_65, %swap3A_66], %broadcast_in_dim3A_64 {strides = array<i32>} : memref<64x64xf32, #tpu.memory_space<vmem>>, vector<64x64xf32>,
      %broadcast_in_dim3A_68 = arith.constant -1.000000e+30 : f32
      %broadcast_in_dim3A_69 = vector.broadcast %broadcast_in_dim3A_68 : f32 to vector<64x64xf32>
      %swap3A_70 = arith.constant 0 : index
      %swap3A_71 = arith.constant 0 : index
      %swap3A_72 = vector.load %arg15[%swap3A_70, %swap3A_71] : memref<64x64xf32, #tpu.memory_space<vmem>>, vector<64x64xf32>
      tpu.vector_store %arg15[%swap3A_70, %swap3A_71], %broadcast_in_dim3A_69 {strides = array<i32>} : memref<64x64xf32, #tpu.memory_space<vmem>>, vector<64x64xf32>,
    } else {
    }
    %get3A = arith.constant 0 : index
    %get3A_2 = arith.constant 0 : index
    %get3A_3 = vector.load %arg1[%get3A, %get3A_2] : memref<512x32xf32, #tpu.memory_space<vmem>>, vector<512x32xf32>
    %get3A_4 = arith.constant 0 : index
    %get3A_5 = arith.constant 0 : index
    %get3A_6 = vector.load %arg2[%get3A_4, %get3A_5] : memref<512x32xf32, #tpu.memory_space<vmem>>, vector<512x32xf32>
    %concatenate3A = tpu.concatenate %get3A_3, %get3A_6 in 1 : vector<512x32xf32>, vector<512x32xf32> -> vector<512x64xf32>
    %get3A_7 = arith.constant 0 : index
    %get3A_8 = arith.constant 0 : index
    %get3A_9 = vector.load %arg3[%get3A_7, %get3A_8] : memref<512x32xf32, #tpu.memory_space<vmem>>, vector<512x32xf32>
    %get3A_10 = arith.constant 0 : index
    %get3A_11 = arith.constant 0 : index
    %get3A_12 = vector.load %arg4[%get3A_10, %get3A_11] : memref<512x32xf32, #tpu.memory_space<vmem>>, vector<512x32xf32>
    %concatenate3A_13 = tpu.concatenate %get3A_9, %get3A_12 in 1 : vector<512x32xf32>, vector<512x32xf32> -> vector<512x64xf32>
    %get3A_14 = arith.constant 0 : index
    %get3A_15 = arith.constant 0 : index
    %get3A_16 = vector.load %arg5[%get3A_14, %get3A_15] : memref<512x8xf32, #tpu.memory_space<vmem>>, vector<512x1xf32>
    %add3A = arith.addf %concatenate3A, %concatenate3A_13 : vector<512x64xf32>
    %mul3A = vector.broadcast %get3A_16 : vector<512x1xf32> to vector<512x64xf32>
    %mul3A_17 = arith.mulf %mul3A, %add3A : vector<512x64xf32>
    %get3A_18 = arith.constant 0 : index
    %get3A_19 = arith.constant 0 : index
    %get3A_20 = vector.load %arg6[%get3A_18, %get3A_19] : memref<1x64xf32, #tpu.memory_space<vmem>>, vector<1x64xf32>
    %add3A_21 = vector.broadcast %get3A_20 : vector<1x64xf32> to vector<512x64xf32>
    %add3A_22 = arith.addf %mul3A_17, %add3A_21 : vector<512x64xf32>
    %max3A = arith.constant 0.000000e+00 : f32
    %max3A_23 = vector.broadcast %max3A : f32 to vector<512x64xf32>
    %max3A_24 = arith.maximumf %add3A_22, %max3A_23 : vector<512x64xf32>
    %iota3A = tpu.iota {dimensions = array<i32: 1>} : vector<512x64xi32>
    %convert_element_type3A_25 = arith.sitofp %iota3A : vector<512x64xi32> to vector<512x64xf32>
    %get3A_26 = arith.constant 0 : index
    %get3A_27 = arith.constant 0 : index
    %get3A_28 = vector.load %arg7[%get3A_26, %get3A_27] : memref<512x64xf32, #tpu.memory_space<vmem>>, vector<512x64xf32>
    %eq3A_29 = arith.cmpf oeq, %get3A_28, %convert_element_type3A_25 : vector<512x64xf32>
    %convert_element_type3A_30 = arith.extui %eq3A_29 : vector<512x64xi1> to vector<512x64xi32>
    %convert_element_type3A_31 = arith.sitofp %convert_element_type3A_30 : vector<512x64xi32> to vector<512x64xf32>
    %get3A_32 = arith.constant 0 : index
    %get3A_33 = arith.constant 0 : index
    %get3A_34 = vector.load %arg13[%get3A_32, %get3A_33] : memref<64x64xf32, #tpu.memory_space<vmem>>, vector<64x64xf32>
    %dot_general3A = arith.constant dense<0.000000e+00> : vector<64x64xf32>
    %dot_general3A_35 = tpu.matmul %convert_element_type3A_31, %max3A_24, %dot_general3A {dimension_numbers = #tpu.dot_dimension_numbers<[0], [0], [1], [1], [0, 1, 1, 1], [], []>, precision = #tpu.contract_precision<fp32>, transpose_lhs_hint = false} : vector<512x64xf32>, vector<512x64xf32>, vector<64x64xf32> -> vector<64x64xf32>
    %add3A_36 = arith.addf %get3A_34, %dot_general3A_35 : vector<64x64xf32>
    %swap3A = arith.constant 0 : index
    %swap3A_37 = arith.constant 0 : index
    %swap3A_38 = vector.load %arg13[%swap3A, %swap3A_37] : memref<64x64xf32, #tpu.memory_space<vmem>>, vector<64x64xf32>
    tpu.vector_store %arg13[%swap3A, %swap3A_37], %add3A_36 {strides = array<i32>} : memref<64x64xf32, #tpu.memory_space<vmem>>, vector<64x64xf32>,
    %get3A_39 = arith.constant 0 : index
    %get3A_40 = arith.constant 0 : index
    %get3A_41 = vector.load %arg14[%get3A_39, %get3A_40] : memref<64x64xf32, #tpu.memory_space<vmem>>, vector<64x64xf32>
    %broadcast_in_dim3A = arith.constant 1.000000e+00 : f32
    %broadcast_in_dim3A_42 = vector.broadcast %broadcast_in_dim3A : f32 to vector<512x64xf32>
    %dot_general3A_43 = arith.constant dense<0.000000e+00> : vector<64x64xf32>
    %dot_general3A_44 = tpu.matmul %convert_element_type3A_31, %broadcast_in_dim3A_42, %dot_general3A_43 {dimension_numbers = #tpu.dot_dimension_numbers<[0], [0], [1], [1], [0, 1, 1, 1], [], []>, precision = #tpu.contract_precision<fp32>, transpose_lhs_hint = false} : vector<512x64xf32>, vector<512x64xf32>, vector<64x64xf32> -> vector<64x64xf32>
    %add3A_45 = arith.addf %get3A_41, %dot_general3A_44 : vector<64x64xf32>
    %swap3A_46 = arith.constant 0 : index
    %swap3A_47 = arith.constant 0 : index
    %swap3A_48 = vector.load %arg14[%swap3A_46, %swap3A_47] : memref<64x64xf32, #tpu.memory_space<vmem>>, vector<64x64xf32>
    tpu.vector_store %arg14[%swap3A_46, %swap3A_47], %add3A_45 {strides = array<i32>} : memref<64x64xf32, #tpu.memory_space<vmem>>, vector<64x64xf32>,
    %scan3A = arith.constant 0 : i32
    %scan3A_49 = arith.constant 64 : i32
    %scan3A_50 = arith.addi %scan3A, %scan3A_49 : i32
    %scan3A_51 = arith.constant 1 : i32
    scf.for %scan3A_58 = %scan3A to %scan3A_50 step %scan3A_51  : i32 {
      %get3A_59 = arith.constant 0 : index
      %get3A_60 = arith.constant 0 : index
      %get3A_61 = vector.load %arg7[%get3A_59, %get3A_60] : memref<512x64xf32, #tpu.memory_space<vmem>>, vector<512x64xf32>
      %convert_element_type3A_62 = arith.sitofp %scan3A_58 : i32 to f32
      %eq3A_63 = vector.broadcast %convert_element_type3A_62 : f32 to vector<512x64xf32>
      %eq3A_64 = arith.cmpf oeq, %get3A_61, %eq3A_63 : vector<512x64xf32>
      %jit3A = arith.constant -1.000000e+30 : f32
      %broadcast_in_dim3A_65 = vector.broadcast %jit3A : f32 to vector<512x64xf32>
      %select_n3A = arith.select %eq3A_64, %max3A_24, %broadcast_in_dim3A_65 : vector<512x64xi1>, vector<512x64xf32>
      %reduce_max3A = arith.constant dense<0xFF800000> : vector<64xf32>
      %reduce_max3A_66 = vector.multi_reduction <maximumf>, %select_n3A, %reduce_max3A [0] : vector<512x64xf32> to vector<64xf32>
      %broadcast_in_dim3A_67 = vector.shape_cast %reduce_max3A_66 : vector<64xf32> to vector<1x64xf32>
      %get3A_68 = arith.index_cast %scan3A_58 : i32 to index
      %get3A_69 = arith.constant 0 : index
      %get3A_70 = vector.load %arg15[%get3A_68, %get3A_69] : memref<64x64xf32, #tpu.memory_space<vmem>>, vector<1x64xf32>
      %max3A_71 = arith.maximumf %get3A_70, %broadcast_in_dim3A_67 : vector<1x64xf32>
      %swap3A_72 = arith.index_cast %scan3A_58 : i32 to index
      %swap3A_73 = arith.constant 0 : index
      %swap3A_74 = vector.load %arg15[%swap3A_72, %swap3A_73] : memref<64x64xf32, #tpu.memory_space<vmem>>, vector<1x64xf32>
      tpu.vector_store %arg15[%swap3A_72, %swap3A_73], %max3A_71 {strides = array<i32>} : memref<64x64xf32, #tpu.memory_space<vmem>>, vector<1x64xf32>,
    }
    %scan3A_52 = arith.constant 64 : i32
    %eq3A_53 = arith.constant 97 : i32
    %eq3A_54 = arith.cmpi eq, %arg0, %eq3A_53 : i32
    %convert_element_type3A_55 = arith.extui %eq3A_54 : i1 to i32
    %cond3A_56 = arith.constant 0 : i32
    %cond3A_57 = arith.cmpi ne, %convert_element_type3A_55, %cond3A_56 : i32
    scf.if %cond3A_57 {
      %get3A_58 = arith.constant 0 : index
      %get3A_59 = arith.constant 0 : index
      %get3A_60 = vector.load %arg14[%get3A_58, %get3A_59] : memref<64x64xf32, #tpu.memory_space<vmem>>, vector<64x64xf32>
      %get3A_61 = arith.constant 0 : index
      %get3A_62 = arith.constant 0 : index
      %get3A_63 = vector.load %arg13[%get3A_61, %get3A_62] : memref<64x64xf32, #tpu.memory_space<vmem>>, vector<64x64xf32>
      %max3A_64 = arith.constant 1.000000e+00 : f32
      %max3A_65 = vector.broadcast %max3A_64 : f32 to vector<64x64xf32>
      %max3A_66 = arith.maximumf %get3A_60, %max3A_65 : vector<64x64xf32>
      %div3A = arith.divf %get3A_63, %max3A_66 : vector<64x64xf32>
      %gt3A = arith.constant 0.000000e+00 : f32
      %gt3A_67 = vector.broadcast %gt3A : f32 to vector<64x64xf32>
      %gt3A_68 = arith.cmpf ogt, %get3A_60, %gt3A_67 : vector<64x64xf32>
      %get3A_69 = arith.constant 0 : index
      %get3A_70 = arith.constant 0 : index
      %get3A_71 = vector.load %arg15[%get3A_69, %get3A_70] : memref<64x64xf32, #tpu.memory_space<vmem>>, vector<64x64xf32>
      %jit3A = arith.constant 0.000000e+00 : f32
      %broadcast_in_dim3A_72 = vector.broadcast %jit3A : f32 to vector<64x64xf32>
      %select_n3A = arith.select %gt3A_68, %get3A_71, %broadcast_in_dim3A_72 : vector<64x64xi1>, vector<64x64xf32>
      %concatenate3A_73 = tpu.concatenate %div3A, %select_n3A in 1 : vector<64x64xf32>, vector<64x64xf32> -> vector<64x128xf32>
      %get3A_74 = arith.constant 0 : index
      %get3A_75 = arith.constant 0 : index
      %get3A_76 = vector.load %arg8[%get3A_74, %get3A_75] : memref<128x64xf32, #tpu.memory_space<vmem>>, vector<128x64xf32>
      %dot_general3A_77 = arith.constant dense<0.000000e+00> : vector<64x64xf32>
      %dot_general3A_78 = tpu.matmul %concatenate3A_73, %get3A_76, %dot_general3A_77 {dimension_numbers = #tpu.dot_dimension_numbers<[1], [0], [0], [1], [0, 0, 1, 1], [], []>, transpose_lhs_hint = false} : vector<64x128xf32>, vector<128x64xf32>, vector<64x64xf32> -> vector<64x64xf32>
      %get3A_79 = arith.constant 0 : index
      %get3A_80 = arith.constant 0 : index
      %get3A_81 = vector.load %arg9[%get3A_79, %get3A_80] : memref<1x64xf32, #tpu.memory_space<vmem>>, vector<1x64xf32>
      %add3A_82 = vector.broadcast %get3A_81 : vector<1x64xf32> to vector<64x64xf32>
      %add3A_83 = arith.addf %dot_general3A_78, %add3A_82 : vector<64x64xf32>
      %max3A_84 = arith.constant 0.000000e+00 : f32
      %max3A_85 = vector.broadcast %max3A_84 : f32 to vector<64x64xf32>
      %max3A_86 = arith.maximumf %add3A_83, %max3A_85 : vector<64x64xf32>
      %get3A_87 = arith.constant 0 : index
      %get3A_88 = arith.constant 0 : index
      %get3A_89 = vector.load %arg10[%get3A_87, %get3A_88] : memref<64x128xf32, #tpu.memory_space<vmem>>, vector<64x128xf32>
      %dot_general3A_90 = arith.constant dense<0.000000e+00> : vector<64x128xf32>
      %dot_general3A_91 = tpu.matmul %max3A_86, %get3A_89, %dot_general3A_90 {dimension_numbers = #tpu.dot_dimension_numbers<[1], [0], [0], [1], [0, 0, 1, 1], [], []>, transpose_lhs_hint = false} : vector<64x64xf32>, vector<64x128xf32>, vector<64x128xf32> -> vector<64x128xf32>
      %get3A_92 = arith.constant 0 : index
      %get3A_93 = arith.constant 0 : index
      %get3A_94 = vector.load %arg11[%get3A_92, %get3A_93] : memref<1x128xf32, #tpu.memory_space<vmem>>, vector<1x128xf32>
      %add3A_95 = vector.broadcast %get3A_94 : vector<1x128xf32> to vector<64x128xf32>
      %add3A_96 = arith.addf %dot_general3A_91, %add3A_95 : vector<64x128xf32>
      %swap3A_97 = arith.constant 0 : index
      %swap3A_98 = arith.constant 0 : index
      %swap3A_99 = vector.load %arg12[%swap3A_97, %swap3A_98] : memref<64x128xf32, #tpu.memory_space<vmem>>, vector<64x128xf32>
      tpu.vector_store %arg12[%swap3A_97, %swap3A_98], %add3A_96 {strides = array<i32>} : memref<64x128xf32, #tpu.memory_space<vmem>>, vector<64x128xf32>,
    } else {
    }
    return
  }
  func.func @transform_0(%arg0: i32) -> (i32, i32) {
    %c0_i32 = arith.constant 0 : i32
    %c0_i32_0 = arith.constant 0 : i32
    return %arg0, %c0_i32 : i32, i32
  }
  func.func @transform_1(%arg0: i32) -> (i32, i32) {
    %c0_i32 = arith.constant 0 : i32
    %c0_i32_0 = arith.constant 0 : i32
    return %arg0, %c0_i32 : i32, i32
  }
  func.func @transform_2(%arg0: i32) -> (i32, i32) {
    %c0_i32 = arith.constant 0 : i32
    %c0_i32_0 = arith.constant 0 : i32
    return %arg0, %c0_i32 : i32, i32
  }
  func.func @transform_3(%arg0: i32) -> (i32, i32) {
    %c0_i32 = arith.constant 0 : i32
    %c0_i32_0 = arith.constant 0 : i32
    return %arg0, %c0_i32 : i32, i32
  }
  func.func @transform_4(%arg0: i32) -> (i32, i32) {
    %c0_i32 = arith.constant 0 : i32
    %c0_i32_0 = arith.constant 0 : i32
    return %arg0, %c0_i32 : i32, i32
  }
  func.func @transform_5(%arg0: i32) -> (i32, i32) {
    %c0_i32 = arith.constant 0 : i32
    %c0_i32_0 = arith.constant 0 : i32
    %c0_i32_1 = arith.constant 0 : i32
    return %c0_i32, %c0_i32_0 : i32, i32
  }
  func.func @transform_6(%arg0: i32) -> (i32, i32) {
    %c0_i32 = arith.constant 0 : i32
    %c0_i32_0 = arith.constant 0 : i32
    return %arg0, %c0_i32 : i32, i32
  }
  func.func @transform_7(%arg0: i32) -> (i32, i32) {
    %c0_i32 = arith.constant 0 : i32
    %c0_i32_0 = arith.constant 0 : i32
    %c0_i32_1 = arith.constant 0 : i32
    return %c0_i32, %c0_i32_0 : i32, i32
  }
  func.func @transform_8(%arg0: i32) -> (i32, i32) {
    %c0_i32 = arith.constant 0 : i32
    %c0_i32_0 = arith.constant 0 : i32
    %c0_i32_1 = arith.constant 0 : i32
    return %c0_i32, %c0_i32_0 : i32, i32
  }
  func.func @transform_9(%arg0: i32) -> (i32, i32) {
    %c0_i32 = arith.constant 0 : i32
    %c0_i32_0 = arith.constant 0 : i32
    %c0_i32_1 = arith.constant 0 : i32
    return %c0_i32, %c0_i32_0 : i32, i32
  }
  func.func @transform_10(%arg0: i32) -> (i32, i32) {
    %c0_i32 = arith.constant 0 : i32
    %c0_i32_0 = arith.constant 0 : i32
    %c0_i32_1 = arith.constant 0 : i32
    return %c0_i32, %c0_i32_0 : i32, i32
  }
  func.func @transform_11(%arg0: i32) -> (i32, i32) {
    %c0_i32 = arith.constant 0 : i32
    %c0_i32_0 = arith.constant 0 : i32
    %c0_i32_1 = arith.constant 0 : i32
    return %c0_i32, %c0_i32_0 : i32, i32
  }
}

</mosaic_0001>

<sc_bundles>
// kernel: kernel.11.cloned.1.call-start
scs
__scs_entry_jumppad:
0x0: {  	(pc) =	sbr.rel $0x88, $3  }
0x1: {  	(tag) =	ssettag $0x0;
	lr =	simm.s32 $0x1  }
0x2: {  	[smem:$0x3F93] =	sst lr;
	_ =	strace $0xD0000000  }
0x3: {  	_ = 	snop  }
0x4: {  	_ = 	snop  }
0x5: {  	_ = 	snop  }
0x6: {  	_ = 	snop  }
0x7: {  	_ = 	snop  }
__scs_overlays_trampoline_lowered:
0x8: {  	[smem:$0x3FA2] =	sst s0  }
0x9: {  	[smem:$0x3FA3] =	sst s1  }
0xa: {  	[smem:$0x3FA4] =	sst s2  }
0xb: {  	[smem:$0x3FA5] =	sst s3  }
0xc: {  	[smem:$0x3FA6] =	sst s4  }
0xd: {  	[smem:$0x3FA7] =	sst s5  }
0xe: {  	[smem:$0x3FA8] =	sst s6  }
0xf: {  	[smem:$0x3FA9] =	sst s7  }
0x10: {  	[smem:$0x3FAA] =	sst s8  }
0x11: {  	[smem:$0x3FAB] =	sst s9;
	s0 =	simm.s32 @!p0 $0x0  }
0x12: {  	s1 =	sld [smem:$0x3F91];
	s0 =	simm.s32 @p0 $0x1  }
0x13: {  	[smem:$0x3FAC] =	sst s0;
	s0 =	simm.s32 @!p1 $0x0  }
0x14: {  	s2 =	sld [smem:$0x3F90];
	s0 =	simm.s32 @p1 $0x1  }
0x15: {  	[smem:$0x3FAD] =	sst s0;
	s0 =	simm.s32 @!p2 $0x0  }
0x16: {  	s3 =	sld [smem:$0x3FDB];
	s0 =	simm.s32 @p2 $0x1  }
0x17: {  	s4 =	simm.s32 $0x1BF5;
	[smem:$0x3FAF] =	sst s0  }
0x18: {  	s0 =	sld [smem:$0x3F92];
	_ =	swait.ge [sflag:s4], $0x0  }
0x19: {  	s7 =	sld [smem:$0x3F93]  }
0x1a: {  	s8 =	sadd.s32 $0xFFFFE003, lr  }
0x1b: {  	s9 =	sadd.s32 $0xFFFFFEF7, lr;
	s5 =	simm.s32 $0xFFFFFFFF;
	p2 =	slt.u32 s8, $0xFFFFF086  }
0x1c: {  	p1 =	slt.u32 s9, $0xF7A;
	s5 =	simm.s32 @!p2 $0x0  }
0x1d: {  	s5 =	simm.s32 @p1 $0x1;
	p0 =	seq.s32 s7, s2  }
0x1e: {  	s7 =	smul.u32 @!p0 $0xF7A, s2;
	p2 =	seq.s32 @!p0 s5, $0x0  }
0x1f: {  	s9 =	smul.u32 $0xF7A, s1;
	s8 =	simm.s32 @!p0 $0x1BF5;
	p2 =	por !p2, p0  }
0x20: {  	[sflag:s8] =	ssyncset.s32 @!p0 $0xFFFFF086;
	s6 =	sadd.s32 @!p0 s3, s7;
	s7 =	simm.s32 @!p0 $0x108  }
0x21: {  	s3 =	sadd.s32 s3, s9;
	s6 =	sadd.s32 @!p0 $0x88, s6;
	s7 =	simm.s32 @p2 $0x1082  }
0x22: {  	[simem:s7], [sflag:s8] =	dma.local @!p0 [hbm:s6], $0xF7A  }
0x23: {  	s9 =	sor.u32 $0xD0000000, s2;
	s6 =	simm.s32 $0x108;
	_ =	swait.ge @!p0 [sflag:s8], $0x0  }
0x24: {  	s3 =	sadd.s32 $0x88, s3;
	s6 =	simm.s32 @!p1 $0x1082;
	[sflag:s4] =	ssyncset.s32 $0xFFFFF086  }
0x25: {  	[simem:s6], [sflag:s4] =	dma.local [hbm:s3], $0xF7A  }
0x26: {  	[smem:$0x3F93] =	sst s1;
	(tag) =	ssettag s2;
	_ =	strace s9  }
0x27: {  	s1 =	sld [smem:$0x3FA3]  }
0x28: {  	s2 =	sld [smem:$0x3FA4]  }
0x29: {  	s4 =	sld [smem:$0x3FA6]  }
0x2a: {  	p0 =	seq.s32 s5, $0x0;
	s5 =	sld [smem:$0x3FA7]  }
0x2b: {  	s6 =	sld [smem:$0x3FA8]  }
0x2c: {  	s7 =	sld [smem:$0x3FA9]  }
0x2d: {  	s3 =	simm.s32 $0x108;
	s8 =	sld [smem:$0x3FAA]  }
0x2e: {  	s3 =	simm.s32 @!p0 $0x1082;
	s9 =	sld [smem:$0x3FAB]  }
0x2f: {  	lr =	sadd.s32 s0, s3;
	s0 =	sld [smem:$0x3FA2]  }
0x30: {  	s3 =	sld [smem:$0x3FA5]  }
0x31: {  	[smem:$0x3FAE] =	sst s10  }
0x32: {  	s10 =	sld [smem:$0x3FAC];
	_ =	sdelay $0x3  }
0x33: {  	p0 =	seq.s32 s10, $0x1;
	s10 =	sld [smem:$0x3FAE];
	_ =	sdelay $0x3  }
0x34: {  	[smem:$0x3FAE] =	sst s10  }
0x35: {  	s10 =	sld [smem:$0x3FAD];
	_ =	sdelay $0x3  }
0x36: {  	p1 =	seq.s32 s10, $0x1;
	s10 =	sld [smem:$0x3FAE];
	_ =	sdelay $0x3  }
0x37: {  	[smem:$0x3FAE] =	sst s10  }
0x38: {  	s10 =	sld [smem:$0x3FAF]  }
0x39: {  	_ = 	snop;
	(pc) =	sbr.ind lr, $3  }
0x3a: {  	_ = 	snop  }
0x3b: {  	_ = 	snop  }
0x3c: {  	p2 =	seq.s32 s10, $0x1;
	s10 =	sld [smem:$0x3FAE]  }
0x3d: {  	_ =	shalt  }
0x3e: {  	_ =	shalt  }
0x3f: {  	_ =	shalt  }
0x40: {  	_ =	shalt  }
0x41: {  	_ =	shalt  }
0x42: {  	_ =	shalt  }
0x43: {  	_ =	shalt  }
0x44: {  	_ =	shalt  }
0x45: {  	_ =	shalt  }
0x46: {  	_ =	shalt  }
0x47: {  	_ =	shalt  }
0x48: {  	_ =	shalt  }
0x49: {  	_ =	shalt  }
0x4a: {  	_ =	shalt  }
0x4b: {  	_ =	shalt  }
0x4c: {  	_ =	shalt  }
0x4d: {  	_ =	shalt  }
0x4e: {  	_ =	shalt  }
0x4f: {  	_ =	shalt  }
0x50: {  	_ =	shalt  }
0x51: {  	_ =	shalt  }
0x52: {  	_ =	shalt  }
0x53: {  	_ =	shalt  }
0x54: {  	_ =	shalt  }
0x55: {  	_ =	shalt  }
0x56: {  	_ =	shalt  }
0x57: {  	_ =	shalt  }
0x58: {  	_ =	shalt  }
0x59: {  	_ =	shalt  }
0x5a: {  	_ =	shalt  }
0x5b: {  	_ =	shalt  }
0x5c: {  	_ =	shalt  }
0x5d: {  	_ =	shalt  }
0x5e: {  	_ =	shalt  }
0x5f: {  	_ =	shalt  }
0x60: {  	_ =	shalt  }
0x61: {  	_ =	shalt  }
0x62: {  	_ =	shalt  }
0x63: {  	_ =	shalt  }
0x64: {  	_ =	shalt  }
0x65: {  	_ =	shalt  }
0x66: {  	_ =	shalt  }
0x67: {  	_ =	shalt  }
0x68: {  	_ =	shalt  }
0x69: {  	_ =	shalt  }
0x6a: {  	_ =	shalt  }
0x6b: {  	_ =	shalt  }
0x6c: {  	_ =	shalt  }
0x6d: {  	_ =	shalt  }
0x6e: {  	_ =	shalt  }
0x6f: {  	_ =	shalt  }
0x70: {  	_ =	shalt  }
0x71: {  	_ =	shalt  }
0x72: {  	_ =	shalt  }
0x73: {  	_ =	shalt  }
0x74: {  	_ =	shalt  }
0x75: {  	_ =	shalt  }
0x76: {  	_ =	shalt  }
0x77: {  	_ =	shalt  }
0x78: {  	_ =	shalt  }
0x79: {  	_ =	shalt  }
0x7a: {  	_ =	shalt  }
0x7b: {  	_ =	shalt  }
0x7c: {  	_ =	shalt  }
0x7d: {  	_ =	shalt  }
0x7e: {  	_ =	shalt  }
0x7f: {  	_ =	shalt  }
0x80: {  	_ =	shalt  }
0x81: {  	_ =	shalt  }
0x82: {  	_ =	shalt  }
0x83: {  	_ =	shalt  }
0x84: {  	_ =	shalt  }
0x85: {  	_ =	shalt  }
0x86: {  	_ =	shalt  }
0x87: {  	_ =	shalt  }
.Lfunc_end0:
.L_simem_size_0:
called_computation_lowered:
.L_overlay_start_0:
0x88: {  	s2 =	sld [smem:$0x3FD9]  }
0x89: {  	s3 =	sld [smem:$0x3FFE];
	_ =	sdelay $0x1  }
0x8a: {  	s1 =	srdreg.scid  }
0x8b: {  	s0 =	sand.u32 $0x1, s1  }
0x8c: {  	s17 =	sshll.u32 s0, $0xA;
	s2 =	sadd.s32 s3, s2  }
0x8d: {  	s2 =	sadd.s32 s2, s17  }
0x8e: {  	[smem:$0x3FBA] =	sst s2  }
0x8f: {  	_ = 	snop  }
0x90: {  	(tm) =	ssettm $0x1  }
0x91: {  	s18 =	sld [smem:$0x3FFB];
	_ =	sdelay $0x3  }
0x92: {  	_ =	strace s18  }
0x93: {  	s2 =	sld [smem:$0x3FFC];
	_ =	sdelay $0x3  }
0x94: {  	_ =	strace s2  }
0x95: {  	s2 =	sld [smem:$0x3FFD];
	_ =	sdelay $0x3  }
0x96: {  	_ =	strace s2  }
0x97: {  	_ =	strace $0x8FFFFFFF  }
0x98: {  	s19 =	sld [smem:$0x3FDB];
	_ =	sdelay $0x1  }
0x99: {  	s20 =	simm.s32 $_scs_section_size  }
0x9a: {  	s4 =	simm.s32 $_size__tile_overlayer_lowered;
	s5 =	simm.s32 $_tile_overlayer_lowered  }
0x9b: {  	s6 =	simm.s32 $0x1BFF;
	s21 =	sshll.u32 s5, $0x1;
	s3 =	sadd.s32 s20, s19  }
0x9c: {  	s22 =	simm.s32 $0x0;
	s4 =	sshll.u32 s4, $0x1;
	s5 =	sadd.s32 s21, s3  }
0x9d: {  	[timem:s22], [sflag:s6] =	dma.local [hbm:s5], s4  }
0x9e: {  	_ =	swait.ge [sflag:s6], s4  }
0x9f: {  	s4 =	ssub.s32 $0x0, s4;
	[sflag:s6] =	ssyncset.done $0x0  }
0xa0: {  	[sflag:s6] =	ssyncadd.s32 s4;
	_ =	sdelay $0x1  }
0xa1: {  	s23 =	simm.s32 $0x1B8B  }
0xa2: {  	_ =	swait.ge [sflag:s23], $0x1  }
0xa3: {  	[sflag:s23] =	ssyncset.done $0x0  }
0xa4: {  	[sflag:s23] =	ssyncadd.s32 $0xFFFFFFFF  }
0xa5: {  	s4 =	sld [smem:$0x0]  }
0xa6: {  	s5 =	sand.u32 $0xFFFFFFFE, s1  }
0xa7: {  	p0 =	sne.s32 s1, s5  }
0xa8: {  	s5 =	sshll.u32 @p0 s5, $0xE  }
0xa9: {  	s5 =	sadd.s32 @p0 $0x11B8D, s5;
	s6 =	sshll.u32 @p0 s4, $0x11  }
0xaa: {  	s5 =	sor.u32 @p0 s6, s5  }
0xab: {  	[sflag:s5] =	ssyncadd.remote.s32 @p0 $0x1;
	_ =	sdelay $0x1  }
0xac: {  	s5 =	simm.s32 @p0 $0x1B8D  }
0xad: {  	_ =	swait.eq @p0 [sflag:s5], $0x1  }
0xae: {  	[sflag:s5] =	ssyncadd.s32 @p0 $0xFFFFFFFF  }
0xaf: {  	s6 =	sshll.u32 @!p0 s1, $0xE  }
0xb0: {  	s6 =	sor.u32 @!p0 $0x4000, s6;
	s5 =	simm.s32 @!p0 $0x1B8D  }
0xb1: {  	s4 =	sshll.u32 @!p0 s4, $0x11;
	s6 =	sadd.s32 @!p0 $0x11B8D, s6;
	_ =	swait.eq @!p0 [sflag:s5], $0x1  }
0xb2: {  	s4 =	sor.u32 @!p0 s4, s6;
	[sflag:s5] =	ssyncadd.s32 @!p0 $0xFFFFFFFF  }
0xb3: {  	s25 =	simm.s32 $0x1B8E;
	s24 =	sld [smem:$0x3FFE];
	[sflag:s4] =	ssyncadd.remote.s32 @!p0 $0x1  }
0xb4: {  	s26 =	simm.s32 $execute0_lowered;
	[smem:$0x3FD2] =	sst s25  }
0xb5: {  	s5 =	sshll.u32 s26, $0x1;
	_ =	strace $0x80000049;
	[dreg:$0x1] =	wrdreg $0xFFFFFFFF  }
0xb6: {  	s28 =	simm.s32 $_size_execute0_lowered;
	s3 =	sadd.s32 s3, s5;
	[dreg:$0x0] =	wrdreg $0x0  }
0xb7: {  	s5 =	sshll.u32 s28, $0x1;
	[dreg:$0x2] =	wrdreg s3  }
0xb8: {  	[dreg:$0x3] =	wrdreg s5  }
0xb9: {  	[dreg:$0x4] =	wrdreg $0xC0  }
0xba: {  	_ =	task [dreg:s22], $0x5FFFF  }
0xbb: {  	[dreg:$0x1] =	wrdreg $0xFFFFFFFF  }
0xbc: {  	[dreg:$0x0] =	wrdreg $0x60  }
0xbd: {  	[dreg:$0x2] =	wrdreg s24  }
0xbe: {  	[dreg:$0x3] =	wrdreg $0x0  }
0xbf: {  	[dreg:$0x4] =	wrdreg $0x9  }
0xc0: {  	_ =	task.clear_ibuf [dreg:s22], $0x5FFFF;
	_ =	strace $0x90000049  }
0xc1: {  	s29 =	simm.s32 $0x9;
	_ =	strace $0x8000004B  }
0xc2: {  	_ =	swait.ge [sflag:s29], $0x1  }
0xc3: {  	[sflag:s29] =	ssyncadd.s32 $0xFFFFFFFF  }
0xc4: {  	_ =	strace $0x9000004B  }
0xc5: {  	_ =	sfence  }
0xc6: {  	s30 =	sld [smem:$0x0];
	_ =	sdelay $0x2  }
0xc7: {  	s31 =	sshll.u32 s1, $0xD;
	s1 =	sshrl.u32 s1, $0x2  }
0xc8: {  	s4 =	sand.u32 $0x4000, s31;
	s1 =	sadd.s32 s1, s30  }
0xc9: {  	s0 =	sor.u32 s4, s0;
	s1 =	sshll.u32 s1, $0x11  }
0xca: {  	s0 =	sor.u32 s1, s0  }
0xcb: {  	s0 =	sadd.s32 $0x8F2B, s0  }
0xcc: {  	[sflag:s0] =	ssyncadd.remote.s32 $0x1  }
0xcd: {  	_ =	sfence.sel $0xFFFF  }
0xce: {  	[dreg:$0x0] =	wrdreg $0xFFFFFFFF;
	(pc) =	sbr.abs _section_cstart, $3  }
0xcf: {  	[dreg:$0x1] =	wrdreg $0xFFFFFFFF  }
0xd0: {  	_ =	task.clear_ibuf [dreg:s22], $0x2FFFF;
	_ =	strace $0x9FFFFFFF  }
0xd1: {  	(tm) =	ssettm $0x7FFFFFFF  }
tec
execute0_lowered:
.L_overlay_start_1:
0x0: {  	(tag) =	ssettag $0x1  }
0x1: {  	s5 =	rddreg [dreg:$0x0];
	s17 =	stileid.u32  }
0x2: {  	s0 =	srdreg.scid;
	s1 =	rddreg [dreg:$0x1];
	s2 =	simm.s32 $0x0  }
0x3: {  	s11 =	simm.s32 $0x2;
	s12 =	simm.s32 $0x18900;
	s13 =	simm.s32 $0x80  }
0x4: {  	s14 =	simm.s32 $0x18880;
	s15 =	simm.s32 $0x18980;
	s16 =	simm.s32 $0x1  }
0x5: {  	s4 =	smul.u32 $0x190, s17;
	s6 =	sand.u32 $0x1, s0;
	s0 =	rddreg [dreg:$0x2]  }
0x6: {  	[smem:$0x7FF] =	sst s2;
	s7 =	smul.u32 $0xC40, s17;
	s3 =	sadd.s32 $0x237A00, s5  }
0x7: {  	s9 =	smul.u32 $0x62000, s17;
	p0 =	sne.s32 s17, $0x0;
	s17 =	sshll.u32 s17, $0x6  }
0x8: {  	s18 =	smul.u32 $0xC400, s6;
	_ =	strace $0x8000004A;
	s6 =	ssub.s32 $0x2, s6  }
0x9: {  	s17 =	sor.u32 $0x1C02, s17;
	s8 =	sadd.s32 s4, s5;
	s4 =	sadd.s32 $0x1C800, s5  }
0xa: {  	s10 =	sshrl.u32 s6, $0x1;
	s31 =	sshrl.u32 s9, $0x2;
	s9 =	sshrl.u32 @!p0 s1, $0x3  }
0xb: {  	s7 =	sadd.s32 s7, s18;
	s6 =	ssub.s32 s6, s10;
	s19 =	sadd.s32 s31, s1  }
0xc: {  	s10 =	simm.s32 $0x18800;
	s7 =	sshll.u32 s7, $0x2;
	s6 =	smax.u32 s6, $0x1  }
0xd: {  	v0 =	vmov s18;
	s18 =	sshrl.u32 s19, $0x3;
	s19 =	simm.s32 $0x0;
	s5 =	sadd.s32 s7, s5  }
0xe: {  	s7 =	sadd.s32 $0xB1400, s8;
	s8 =	sadd.s32 $0xAFA00, s8;
	s5 =	sadd.s32 $0xB2E00, s5  }
.LBB2_1:
0xf: {  	s20 =	simm.s32 @!p0 $0x1C02  }
0x10: {  	[spmem:s9], [sflag:s20] =	dma.local @!p0 [hbm:s4], $0x31000  }
0x11: {  	s20 =	simm.s32 @!p0 $0x2  }
0x12: {  	_ =	swait.ge @!p0 [sflag:s20], $0x31000  }
0x13: {  	[sflag:s20] =	ssyncset.done @!p0 $0x0  }
0x14: {  	[sflag:s20] =	ssyncadd.s32 @!p0 $0xFFFCF000  }
0x15: {  	s30 =	sadd.s32 $0x0, s8;
	[bflag:$0x0] =	sbarrier.arrive $0xFFFF  }
0x16: {  	[tilespmem:s10], [sflag:$0x2] =	stream.linear.gather [hbm4b:s30+s2], $0x80, $0x38;
	[tilespmem:$0x19980] =	vst v63  }
0x17: {  	_ =	swait.ge [sflag:s11], $0x80  }
0x18: {  	[sflag:s11] =	ssyncset.done $0x0  }
0x19: {  	s31 =	sadd.s32 $0x0, s7;
	[sflag:s11] =	ssyncadd.s32 $0xFFFFFF80  }
0x1a: {  	[tilespmem:s12], [sflag:$0x2] =	stream.linear.gather [hbm4b:s31+s2], $0x80, $0x38;
	[tilespmem:$0x19980] =	vst v63  }
0x1b: {  	_ =	swait.ge [sflag:s11], $0x80  }
0x1c: {  	[sflag:s11] =	ssyncset.done $0x0  }
0x1d: {  	[sflag:s11] =	ssyncadd.s32 $0xFFFFFF80  }
0x1e: {  	v1 =	vld [tilespmem:$0x18870]  }
0x1f: {  	v2 =	vld [tilespmem:$0x18830]  }
0x20: {  	v3 =	vld [tilespmem:$0x18850]  }
0x21: {  	v5 =	vld [tilespmem:$0x18820]  }
0x22: {  	v4 =	vld [tilespmem:$0x18860]  }
0x23: {  	v6 =	vld [tilespmem:$0x18810];
	v1 =	vadd.s32 v0, v1  }
0x24: {  	v7 =	vld [tilespmem:$0x18840];
	v2 =	vadd.s32 v0, v2;
	[tilespmem:$0x188F0] =	vst v1  }
0x25: {  	v1 =	vld [tilespmem:$0x18800];
	[tilespmem:$0x188B0] =	vst v2;
	v2 =	vadd.s32 v0, v3  }
0x26: {  	v3 =	vadd.s32 v0, v5;
	[tilespmem:$0x188D0] =	vst v2  }
0x27: {  	v2 =	vadd.s32 v0, v4;
	[tilespmem:$0x188A0] =	vst v3  }
0x28: {  	[tilespmem:$0x188E0] =	vst v2;
	v2 =	vadd.s32 v0, v6  }
0x29: {  	[tilespmem:$0x18890] =	vst v2;
	v2 =	vadd.s32 v0, v7  }
0x2a: {  	[tilespmem:$0x188C0] =	vst v2;
	v1 =	vadd.s32 v0, v1  }
0x2b: {  	s20 =	simm.s32 $0x10;
	[tilespmem:$0x18880] =	vst v1  }
.LBB2_2:
0x2c: {  	[tilespmem:s15], [sflag:$0x1] =	stream.indirect.gather [hbm4b:s3+s13], $0x20, s14, s13, $0xb8;
	[tilespmem:$0x19980] =	vst v63  }
0x2d: {  	s21 =	smov.u32 s20  }
0x2e: {  	p1 =	sne.s32 s20, $0x180;
	s20 =	sadd.s32 $0x10, s20;
	_ =	swait.ge [sflag:s16], $0x1000  }
0x2f: {  	[sflag:s16] =	ssyncset.done $0x0  }
0x30: {  	[sflag:s16] =	ssyncadd.s32 $0xFFFFF000  }
0x31: {  	[spmem:s1] =	stream.indirect.scatter.add.f32 [tilespmem:s15], [sflag:$0x2], $0x20, s12, s13, $0xb8;
	[tilespmem:$0x19980] =	vst v63  }
0x32: {  	_ =	swait.ge [sflag:s11], $0x1000  }
0x33: {  	[sflag:s11] =	ssyncset.done $0x0  }
0x34: {  	s22 =	sadd.s32 s21, s8;
	[sflag:s11] =	ssyncadd.s32 $0xFFFFF000  }
0x35: {  	[tilespmem:s10], [sflag:$0x2] =	stream.linear.gather [hbm4b:s22+s2], $0x80, $0x38;
	[tilespmem:$0x19980] =	vst v63  }
0x36: {  	_ =	swait.ge [sflag:s11], $0x80  }
0x37: {  	[sflag:s11] =	ssyncset.done $0x0  }
0x38: {  	s21 =	sadd.s32 s21, s7;
	[sflag:s11] =	ssyncadd.s32 $0xFFFFFF80  }
0x39: {  	[tilespmem:s12], [sflag:$0x2] =	stream.linear.gather [hbm4b:s21+s2], $0x80, $0x38;
	[tilespmem:$0x19980] =	vst v63  }
0x3a: {  	_ =	swait.ge [sflag:s11], $0x80  }
0x3b: {  	[sflag:s11] =	ssyncset.done $0x0  }
0x3c: {  	[sflag:s11] =	ssyncadd.s32 $0xFFFFFF80  }
0x3d: {  	v1 =	vld [tilespmem:$0x18870]  }
0x3e: {  	v2 =	vld [tilespmem:$0x18830]  }
0x3f: {  	v3 =	vld [tilespmem:$0x18850]  }
0x40: {  	v4 =	vld [tilespmem:$0x18860]  }
0x41: {  	v5 =	vld [tilespmem:$0x18820]  }
0x42: {  	v6 =	vld [tilespmem:$0x18810];
	v1 =	vadd.s32 v0, v1  }
0x43: {  	v2 =	vadd.s32 v0, v2;
	v7 =	vld [tilespmem:$0x18840];
	[tilespmem:$0x188F0] =	vst v1  }
0x44: {  	v1 =	vld [tilespmem:$0x18800];
	[tilespmem:$0x188B0] =	vst v2;
	v2 =	vadd.s32 v0, v3  }
0x45: {  	[tilespmem:$0x188D0] =	vst v2;
	v2 =	vadd.s32 v0, v4  }
.Ltmp0:
0x46: {  	v3 =	vadd.s32 v0, v5;
	[tilespmem:$0x188E0] =	vst v2;
	(pc) =	sbr.rel @p1 .LBB2_2-.Ltmp0, $4  }
0x47: {  	v2 =	vadd.s32 v0, v6;
	[tilespmem:$0x188A0] =	vst v3  }
0x48: {  	[tilespmem:$0x18890] =	vst v2;
	v2 =	vadd.s32 v0, v7  }
0x49: {  	v1 =	vadd.s32 v0, v1;
	[tilespmem:$0x188C0] =	vst v2  }
0x4a: {  	[tilespmem:$0x18880] =	vst v1  }
0x4b: {  	[tilespmem:s15], [sflag:$0x1] =	stream.indirect.gather [hbm4b:s3+s13], $0x20, s14, s13, $0xb8;
	[tilespmem:$0x19980] =	vst v63  }
0x4c: {  	_ =	swait.ge [sflag:s16], $0x1000  }
0x4d: {  	[sflag:s16] =	ssyncset.done $0x0  }
0x4e: {  	[sflag:s16] =	ssyncadd.s32 $0xFFFFF000  }
0x4f: {  	[spmem:s1] =	stream.indirect.scatter.add.f32 [tilespmem:s15], [sflag:$0x2], $0x20, s12, s13, $0xb8;
	[tilespmem:$0x19980] =	vst v63  }
0x50: {  	_ =	swait.ge [sflag:s11], $0x1000  }
0x51: {  	s19 =	sadd.s32 $0x1, s19;
	[sflag:s11] =	ssyncset.done $0x0  }
0x52: {  	p1 =	sne.s32 s19, s6;
	[sflag:s11] =	ssyncadd.s32 $0xFFFFF000  }
.Ltmp1:
0x53: {  	[bflag:$0x0] =	sbarrier.arrive $0xFFFF;
	(pc) =	sbr.rel @p1 .LBB2_1-.Ltmp1, $4  }
0x54: {  	[hbm:s5], [sflag:s17] =	dma.local [spmem:s18], $0x3100  }
0x55: {  	_ =	swait.ge [sflag:s11], $0x3100  }
0x56: {  	[sflag:s11] =	ssyncset.done $0x0  }
0x57: {  	[sflag:s11] =	ssyncadd.s32 $0xFFFFCF00  }
0x58: {  	_ =	sfence.sel $0x180000  }
0x59: {  	[bflag:$0x0] =	sbarrier.arrive $0xFFFF  }
0x5a: {  	_ =	strace $0x9000004A  }
0x5b: {  	s0 =	sadd.s32 @!p0 $0x100000, s0;
	[bflag:$0x2] =	sbarrier.arrive $0xFFFF  }
0x5c: {  	[sflag:s0] =	ssyncadd.tile.s32 @!p0 $0x1;
	_ =	shalt  }
.Lfunc_end2:
_tile_overlayer_lowered:
.L_overlay_start_2:
0x5d: {  	(tag) =	ssettag $0x2  }
0x5e: {  	s0 =	rddreg [dreg:$0x0];
	s2 =	stileid.u32  }
0x5f: {  	s1 =	rddreg [dreg:$0x1];
	p0 =	sne.s32 s2, $0x0  }
0x60: {  	s3 =	rddreg [dreg:$0x2];
	[bflag:$0x3] =	sbarrier.arrive $0xFFFF;
	s2 =	simm.s32 @!p0 $0x1C02  }
0x61: {  	[timem:s3], [sflag:s2] =	dma.local @!p0 [hbm:s0], s1  }
0x62: {  	s0 =	simm.s32 @!p0 $0x2  }
0x63: {  	_ =	swait.ge @!p0 [sflag:s0], s1  }
0x64: {  	s1 =	ssub.s32 @!p0 $0x0, s1;
	[sflag:s0] =	ssyncset.done @!p0 $0x0  }
0x65: {  	[sflag:s0] =	ssyncadd.s32 @!p0 s1  }
0x66: {  	[bflag:$0x3] =	sbarrier.arrive $0xFFFF  }
0x67: {  	_ =	shalt  }

// kernel: kernel.14.cloned.1.call-start
scs
__scs_entry_jumppad:
0x0: {  	(pc) =	sbr.rel $0x88, $3  }
0x1: {  	(tag) =	ssettag $0x0;
	lr =	simm.s32 $0x1  }
0x2: {  	[smem:$0x3F93] =	sst lr;
	_ =	strace $0xD0000000  }
0x3: {  	_ = 	snop  }
0x4: {  	_ = 	snop  }
0x5: {  	_ = 	snop  }
0x6: {  	_ = 	snop  }
0x7: {  	_ = 	snop  }
__scs_overlays_trampoline_lowered:
0x8: {  	[smem:$0x3FA2] =	sst s0  }
0x9: {  	[smem:$0x3FA3] =	sst s1  }
0xa: {  	[smem:$0x3FA4] =	sst s2  }
0xb: {  	[smem:$0x3FA5] =	sst s3  }
0xc: {  	[smem:$0x3FA6] =	sst s4  }
0xd: {  	[smem:$0x3FA7] =	sst s5  }
0xe: {  	[smem:$0x3FA8] =	sst s6  }
0xf: {  	[smem:$0x3FA9] =	sst s7  }
0x10: {  	[smem:$0x3FAA] =	sst s8  }
0x11: {  	[smem:$0x3FAB] =	sst s9;
	s0 =	simm.s32 @!p0 $0x0  }
0x12: {  	s1 =	sld [smem:$0x3F91];
	s0 =	simm.s32 @p0 $0x1  }
0x13: {  	[smem:$0x3FAC] =	sst s0;
	s0 =	simm.s32 @!p1 $0x0  }
0x14: {  	s2 =	sld [smem:$0x3F90];
	s0 =	simm.s32 @p1 $0x1  }
0x15: {  	[smem:$0x3FAD] =	sst s0;
	s0 =	simm.s32 @!p2 $0x0  }
0x16: {  	s3 =	sld [smem:$0x3FDB];
	s0 =	simm.s32 @p2 $0x1  }
0x17: {  	s4 =	simm.s32 $0x1BF5;
	[smem:$0x3FAF] =	sst s0  }
0x18: {  	s0 =	sld [smem:$0x3F92];
	_ =	swait.ge [sflag:s4], $0x0  }
0x19: {  	s7 =	sld [smem:$0x3F93]  }
0x1a: {  	s8 =	sadd.s32 $0xFFFFE003, lr  }
0x1b: {  	s9 =	sadd.s32 $0xFFFFFEF7, lr;
	s5 =	simm.s32 $0xFFFFFFFF;
	p2 =	slt.u32 s8, $0xFFFFF086  }
0x1c: {  	p1 =	slt.u32 s9, $0xF7A;
	s5 =	simm.s32 @!p2 $0x0  }
0x1d: {  	s5 =	simm.s32 @p1 $0x1;
	p0 =	seq.s32 s7, s2  }
0x1e: {  	s7 =	smul.u32 @!p0 $0xF7A, s2;
	p2 =	seq.s32 @!p0 s5, $0x0  }
0x1f: {  	s9 =	smul.u32 $0xF7A, s1;
	s8 =	simm.s32 @!p0 $0x1BF5;
	p2 =	por !p2, p0  }
0x20: {  	[sflag:s8] =	ssyncset.s32 @!p0 $0xFFFFF086;
	s6 =	sadd.s32 @!p0 s3, s7;
	s7 =	simm.s32 @!p0 $0x108  }
0x21: {  	s3 =	sadd.s32 s3, s9;
	s6 =	sadd.s32 @!p0 $0x88, s6;
	s7 =	simm.s32 @p2 $0x1082  }
0x22: {  	[simem:s7], [sflag:s8] =	dma.local @!p0 [hbm:s6], $0xF7A  }
0x23: {  	s9 =	sor.u32 $0xD0000000, s2;
	s6 =	simm.s32 $0x108;
	_ =	swait.ge @!p0 [sflag:s8], $0x0  }
0x24: {  	s3 =	sadd.s32 $0x88, s3;
	s6 =	simm.s32 @!p1 $0x1082;
	[sflag:s4] =	ssyncset.s32 $0xFFFFF086  }
0x25: {  	[simem:s6], [sflag:s4] =	dma.local [hbm:s3], $0xF7A  }
0x26: {  	[smem:$0x3F93] =	sst s1;
	(tag) =	ssettag s2;
	_ =	strace s9  }
0x27: {  	s1 =	sld [smem:$0x3FA3]  }
0x28: {  	s2 =	sld [smem:$0x3FA4]  }
0x29: {  	s4 =	sld [smem:$0x3FA6]  }
0x2a: {  	p0 =	seq.s32 s5, $0x0;
	s5 =	sld [smem:$0x3FA7]  }
0x2b: {  	s6 =	sld [smem:$0x3FA8]  }
0x2c: {  	s7 =	sld [smem:$0x3FA9]  }
0x2d: {  	s3 =	simm.s32 $0x108;
	s8 =	sld [smem:$0x3FAA]  }
0x2e: {  	s3 =	simm.s32 @!p0 $0x1082;
	s9 =	sld [smem:$0x3FAB]  }
0x2f: {  	lr =	sadd.s32 s0, s3;
	s0 =	sld [smem:$0x3FA2]  }
0x30: {  	s3 =	sld [smem:$0x3FA5]  }
0x31: {  	[smem:$0x3FAE] =	sst s10  }
0x32: {  	s10 =	sld [smem:$0x3FAC];
	_ =	sdelay $0x3  }
0x33: {  	p0 =	seq.s32 s10, $0x1;
	s10 =	sld [smem:$0x3FAE];
	_ =	sdelay $0x3  }
0x34: {  	[smem:$0x3FAE] =	sst s10  }
0x35: {  	s10 =	sld [smem:$0x3FAD];
	_ =	sdelay $0x3  }
0x36: {  	p1 =	seq.s32 s10, $0x1;
	s10 =	sld [smem:$0x3FAE];
	_ =	sdelay $0x3  }
0x37: {  	[smem:$0x3FAE] =	sst s10  }
0x38: {  	s10 =	sld [smem:$0x3FAF]  }
0x39: {  	_ = 	snop;
	(pc) =	sbr.ind lr, $3  }
0x3a: {  	_ = 	snop  }
0x3b: {  	_ = 	snop  }
0x3c: {  	p2 =	seq.s32 s10, $0x1;
	s10 =	sld [smem:$0x3FAE]  }
0x3d: {  	_ =	shalt  }
0x3e: {  	_ =	shalt  }
0x3f: {  	_ =	shalt  }
0x40: {  	_ =	shalt  }
0x41: {  	_ =	shalt  }
0x42: {  	_ =	shalt  }
0x43: {  	_ =	shalt  }
0x44: {  	_ =	shalt  }
0x45: {  	_ =	shalt  }
0x46: {  	_ =	shalt  }
0x47: {  	_ =	shalt  }
0x48: {  	_ =	shalt  }
0x49: {  	_ =	shalt  }
0x4a: {  	_ =	shalt  }
0x4b: {  	_ =	shalt  }
0x4c: {  	_ =	shalt  }
0x4d: {  	_ =	shalt  }
0x4e: {  	_ =	shalt  }
0x4f: {  	_ =	shalt  }
0x50: {  	_ =	shalt  }
0x51: {  	_ =	shalt  }
0x52: {  	_ =	shalt  }
0x53: {  	_ =	shalt  }
0x54: {  	_ =	shalt  }
0x55: {  	_ =	shalt  }
0x56: {  	_ =	shalt  }
0x57: {  	_ =	shalt  }
0x58: {  	_ =	shalt  }
0x59: {  	_ =	shalt  }
0x5a: {  	_ =	shalt  }
0x5b: {  	_ =	shalt  }
0x5c: {  	_ =	shalt  }
0x5d: {  	_ =	shalt  }
0x5e: {  	_ =	shalt  }
0x5f: {  	_ =	shalt  }
0x60: {  	_ =	shalt  }
0x61: {  	_ =	shalt  }
0x62: {  	_ =	shalt  }
0x63: {  	_ =	shalt  }
0x64: {  	_ =	shalt  }
0x65: {  	_ =	shalt  }
0x66: {  	_ =	shalt  }
0x67: {  	_ =	shalt  }
0x68: {  	_ =	shalt  }
0x69: {  	_ =	shalt  }
0x6a: {  	_ =	shalt  }
0x6b: {  	_ =	shalt  }
0x6c: {  	_ =	shalt  }
0x6d: {  	_ =	shalt  }
0x6e: {  	_ =	shalt  }
0x6f: {  	_ =	shalt  }
0x70: {  	_ =	shalt  }
0x71: {  	_ =	shalt  }
0x72: {  	_ =	shalt  }
0x73: {  	_ =	shalt  }
0x74: {  	_ =	shalt  }
0x75: {  	_ =	shalt  }
0x76: {  	_ =	shalt  }
0x77: {  	_ =	shalt  }
0x78: {  	_ =	shalt  }
0x79: {  	_ =	shalt  }
0x7a: {  	_ =	shalt  }
0x7b: {  	_ =	shalt  }
0x7c: {  	_ =	shalt  }
0x7d: {  	_ =	shalt  }
0x7e: {  	_ =	shalt  }
0x7f: {  	_ =	shalt  }
0x80: {  	_ =	shalt  }
0x81: {  	_ =	shalt  }
0x82: {  	_ =	shalt  }
0x83: {  	_ =	shalt  }
0x84: {  	_ =	shalt  }
0x85: {  	_ =	shalt  }
0x86: {  	_ =	shalt  }
0x87: {  	_ =	shalt  }
.Lfunc_end0:
.L_simem_size_0:
called_computation.1_lowered:
.L_overlay_start_0:
0x88: {  	s2 =	sld [smem:$0x3FD9]  }
0x89: {  	s3 =	sld [smem:$0x3FFE];
	_ =	sdelay $0x1  }
0x8a: {  	s1 =	srdreg.scid  }
0x8b: {  	s0 =	sand.u32 $0x1, s1  }
0x8c: {  	s16 =	sshll.u32 s0, $0xA;
	s2 =	sadd.s32 s3, s2  }
0x8d: {  	s2 =	sadd.s32 s2, s16  }
0x8e: {  	[smem:$0x3FBA] =	sst s2  }
0x8f: {  	_ = 	snop  }
0x90: {  	(tm) =	ssettm $0x1  }
0x91: {  	s17 =	sld [smem:$0x3FFB];
	_ =	sdelay $0x3  }
0x92: {  	_ =	strace s17  }
0x93: {  	s2 =	sld [smem:$0x3FFC];
	_ =	sdelay $0x3  }
0x94: {  	_ =	strace s2  }
0x95: {  	s2 =	sld [smem:$0x3FFD];
	_ =	sdelay $0x3  }
0x96: {  	_ =	strace s2  }
0x97: {  	_ =	strace $0x8FFFFFFF  }
0x98: {  	s18 =	sld [smem:$0x3FDB];
	_ =	sdelay $0x1  }
0x99: {  	s19 =	simm.s32 $_scs_section_size  }
0x9a: {  	s4 =	simm.s32 $_size__tile_overlayer_lowered;
	s5 =	simm.s32 $_tile_overlayer_lowered  }
0x9b: {  	s22 =	simm.s32 $0x1BFF;
	s21 =	sshll.u32 s5, $0x1;
	s2 =	sadd.s32 s19, s18  }
0x9c: {  	s6 =	simm.s32 $0x0;
	s20 =	sshll.u32 s4, $0x1;
	s4 =	sadd.s32 s21, s2  }
0x9d: {  	[timem:s6], [sflag:s22] =	dma.local [hbm:s4], s20  }
0x9e: {  	_ =	swait.ge [sflag:s22], s20  }
0x9f: {  	s3 =	ssub.s32 $0x0, s20;
	[sflag:s22] =	ssyncset.done $0x0  }
0xa0: {  	[sflag:s22] =	ssyncadd.s32 s3;
	_ =	sdelay $0x1  }
0xa1: {  	s23 =	simm.s32 $0x1B8B  }
0xa2: {  	_ =	swait.ge [sflag:s23], $0x1  }
0xa3: {  	[sflag:s23] =	ssyncset.done $0x0  }
0xa4: {  	s25 =	simm.s32 $0x1B8E;
	s24 =	sld [smem:$0x3FFE];
	[sflag:s23] =	ssyncadd.s32 $0xFFFFFFFF  }
0xa5: {  	s26 =	simm.s32 $execute0_lowered;
	[smem:$0x3FD2] =	sst s25  }
0xa6: {  	s4 =	sshll.u32 s26, $0x1;
	_ =	strace $0x80000046;
	[dreg:$0x1] =	wrdreg $0xFFFFFFFF  }
0xa7: {  	s28 =	simm.s32 $_size_execute0_lowered;
	s2 =	sadd.s32 s2, s4;
	[dreg:$0x0] =	wrdreg $0x0  }
0xa8: {  	s4 =	sshll.u32 s28, $0x1;
	[dreg:$0x2] =	wrdreg s2  }
0xa9: {  	[dreg:$0x3] =	wrdreg s4  }
0xaa: {  	[dreg:$0x4] =	wrdreg $0xC0  }
0xab: {  	_ =	task [dreg:s6], $0x5FFFF  }
0xac: {  	[dreg:$0x1] =	wrdreg $0xFFFFFFFF  }
0xad: {  	[dreg:$0x0] =	wrdreg $0x60  }
0xae: {  	[dreg:$0x2] =	wrdreg s24  }
0xaf: {  	[dreg:$0x3] =	wrdreg $0x0  }
0xb0: {  	[dreg:$0x4] =	wrdreg $0xA  }
0xb1: {  	_ =	task.clear_ibuf [dreg:s6], $0x5FFFF;
	_ =	strace $0x90000046  }
0xb2: {  	s29 =	simm.s32 $0xA;
	_ =	strace $0x80000048  }
0xb3: {  	_ =	swait.ge [sflag:s29], $0x1  }
0xb4: {  	[sflag:s29] =	ssyncadd.s32 $0xFFFFFFFF  }
0xb5: {  	_ =	strace $0x90000048  }
0xb6: {  	_ =	sfence  }
0xb7: {  	s30 =	sld [smem:$0x0];
	_ =	sdelay $0x2  }
0xb8: {  	s31 =	sshll.u32 s1, $0xD;
	s1 =	sshrl.u32 s1, $0x2  }
0xb9: {  	s3 =	sand.u32 $0x4000, s31;
	s1 =	sadd.s32 s1, s30  }
0xba: {  	s0 =	sor.u32 s3, s0;
	s1 =	sshll.u32 s1, $0x11  }
0xbb: {  	s0 =	sor.u32 s1, s0  }
0xbc: {  	s0 =	sadd.s32 $0x8F2B, s0  }
0xbd: {  	[sflag:s0] =	ssyncadd.remote.s32 $0x1  }
0xbe: {  	_ =	sfence.sel $0xFFFF  }
0xbf: {  	[dreg:$0x0] =	wrdreg $0xFFFFFFFF;
	(pc) =	sbr.abs _section_cstart, $3  }
0xc0: {  	[dreg:$0x1] =	wrdreg $0xFFFFFFFF  }
0xc1: {  	_ =	task.clear_ibuf [dreg:s6], $0x2FFFF;
	_ =	strace $0x9FFFFFFF  }
0xc2: {  	(tm) =	ssettm $0x7FFFFFFF  }
0xc3: {  	_ =	shalt  }
tec
execute0_lowered:
.L_overlay_start_1:
0x0: {  	(tag) =	ssettag $0x1  }
0x1: {  	s5 =	rddreg [dreg:$0x0]  }
0x2: {  	s1 =	rddreg [dreg:$0x1]  }
0x3: {  	s0 =	rddreg [dreg:$0x2]  }
0x4: {  	s13 =	stileid.u32;
	s3 =	srdreg.scid;
	s2 =	simm.s32 $0x0  }
0x5: {  	s11 =	simm.s32 $0x18800;
	s12 =	simm.s32 $0x80;
	s4 =	smul.u32 $0x1870, s13  }
0x6: {  	s15 =	simm.s32 $0x0;
	s6 =	sand.u32 $0x1, s3;
	s8 =	smul.u32 $0x3100, s13  }
0x7: {  	[smem:$0x7FF] =	sst s2;
	s3 =	sadd.s32 $0x4D800, s5;
	s10 =	smul.u32 $0x62000, s13  }
0x8: {  	p0 =	sne.s32 s13, $0x0;
	s13 =	sshll.u32 s13, $0x6;
	s7 =	smul.u32 $0x31000, s6  }
0x9: {  	_ =	strace $0x80000047;
	s6 =	ssub.s32 $0x2, s6;
	s13 =	sor.u32 $0x1C01, s13  }
0xa: {  	s9 =	sadd.s32 s4, s5;
	s4 =	sadd.s32 $0x1C800, s5;
	s30 =	sshrl.u32 s6, $0x1  }
0xb: {  	s31 =	sshrl.u32 s10, $0x2;
	s10 =	simm.s32 $0x1;
	s7 =	sadd.s32 s8, s7  }
0xc: {  	s6 =	ssub.s32 s6, s30;
	s14 =	sadd.s32 s31, s1;
	s8 =	sshrl.u32 @!p0 s1, $0x3  }
0xd: {  	s5 =	sadd.s32 s7, s5;
	s6 =	smax.u32 s6, $0x1;
	s7 =	sadd.s32 $0x4000, s9  }
0xe: {  	s9 =	simm.s32 $0x18880;
	s14 =	sshrl.u32 s14, $0x3;
	s5 =	sadd.s32 $0x4DA00, s5  }
.LBB2_1:
0xf: {  	s16 =	simm.s32 @!p0 $0x1C01  }
0x10: {  	[spmem:s8], [sflag:s16] =	dma.local @!p0 [hbm:s4], $0x31000  }
0x11: {  	s16 =	simm.s32 @!p0 $0x1  }
0x12: {  	_ =	swait.ge @!p0 [sflag:s16], $0x31000  }
0x13: {  	[sflag:s16] =	ssyncset.done @!p0 $0x0  }
0x14: {  	[sflag:s16] =	ssyncadd.s32 @!p0 $0xFFFCF000  }
0x15: {  	[tilespmem:s9], [sflag:$0x1] =	stream.linear.gather [hbm4b:s3+s2], $0x1000, $0x38;
	[tilespmem:$0x19880] =	vst v63  }
0x16: {  	_ =	swait.ge [sflag:s10], $0x1000  }
0x17: {  	[sflag:s10] =	ssyncset.done $0x0  }
0x18: {  	[sflag:s10] =	ssyncadd.s32 $0xFFFFF000  }
0x19: {  	s31 =	sadd.s32 $0x0, s7;
	[bflag:$0x0] =	sbarrier.arrive $0xFFFF  }
0x1a: {  	[tilespmem:s11], [sflag:$0x1] =	stream.linear.gather [hbm4b:s31+s2], $0x80, $0x38;
	[tilespmem:$0x19880] =	vst v63  }
0x1b: {  	_ =	swait.ge [sflag:s10], $0x80  }
0x1c: {  	[sflag:s10] =	ssyncset.done $0x0  }
0x1d: {  	[sflag:s10] =	ssyncadd.s32 $0xFFFFFF80  }
0x1e: {  	[spmem:s1] =	stream.indirect.scatter.add.f32 [tilespmem:s9], [sflag:$0x1], $0x20, s11, s12, $0xb8;
	[tilespmem:$0x19880] =	vst v63  }
0x1f: {  	_ =	swait.ge [sflag:s10], $0x1000  }
0x20: {  	s17 =	simm.s32 $0x20;
	s16 =	simm.s32 $0x10;
	[sflag:s10] =	ssyncset.done $0x0  }
.LBB2_2:
0x21: {  	s18 =	sadd.s32 s16, s7  }
0x22: {  	[sflag:s10] =	ssyncadd.s32 $0xFFFFF000;
	s16 =	smov.u32 s17;
	s19 =	sadd.s32 $0x10, s17  }
0x23: {  	[tilespmem:s11], [sflag:$0x1] =	stream.linear.gather [hbm4b:s18+s2], $0x80, $0x38;
	[tilespmem:$0x19880] =	vst v63  }
0x24: {  	p1 =	sne.s32 s17, $0x1860;
	_ =	swait.ge [sflag:s10], $0x80  }
.Ltmp0:
0x25: {  	[sflag:s10] =	ssyncset.done $0x0;
	(pc) =	sbr.rel @p1 .LBB2_2-.Ltmp0, $4  }
0x26: {  	[sflag:s10] =	ssyncadd.s32 $0xFFFFFF80  }
0x27: {  	[spmem:s1] =	stream.indirect.scatter.add.f32 [tilespmem:s9], [sflag:$0x1], $0x20, s11, s12, $0xb8;
	[tilespmem:$0x19880] =	vst v63  }
0x28: {  	_ =	swait.ge [sflag:s10], $0x1000  }
0x29: {  	s17 =	smov.u32 s19;
	[sflag:s10] =	ssyncset.done $0x0  }
0x2a: {  	s16 =	sadd.s32 s16, s7;
	[sflag:s10] =	ssyncadd.s32 $0xFFFFF000  }
0x2b: {  	[tilespmem:s11], [sflag:$0x1] =	stream.linear.gather [hbm4b:s16+s2], $0x80, $0x38;
	[tilespmem:$0x19880] =	vst v63  }
0x2c: {  	_ =	swait.ge [sflag:s10], $0x80  }
0x2d: {  	[sflag:s10] =	ssyncset.done $0x0  }
0x2e: {  	[sflag:s10] =	ssyncadd.s32 $0xFFFFFF80  }
0x2f: {  	[spmem:s1] =	stream.indirect.scatter.add.f32 [tilespmem:s9], [sflag:$0x1], $0x20, s11, s12, $0xb8;
	[tilespmem:$0x19880] =	vst v63  }
0x30: {  	_ =	swait.ge [sflag:s10], $0x1000  }
0x31: {  	s15 =	sadd.s32 $0x1, s15;
	[sflag:s10] =	ssyncset.done $0x0  }
0x32: {  	p1 =	sne.s32 s15, s6;
	[sflag:s10] =	ssyncadd.s32 $0xFFFFF000  }
.Ltmp1:
0x33: {  	[bflag:$0x0] =	sbarrier.arrive $0xFFFF;
	(pc) =	sbr.rel @p1 .LBB2_1-.Ltmp1, $4  }
0x34: {  	[hbm:s5], [sflag:s13] =	dma.local [spmem:s14], $0x3100  }
0x35: {  	_ =	swait.ge [sflag:s10], $0x3100  }
0x36: {  	[sflag:s10] =	ssyncset.done $0x0  }
0x37: {  	[sflag:s10] =	ssyncadd.s32 $0xFFFFCF00  }
0x38: {  	_ =	sfence.sel $0x180000  }
0x39: {  	[bflag:$0x0] =	sbarrier.arrive $0xFFFF  }
0x3a: {  	_ =	strace $0x90000047  }
0x3b: {  	s0 =	sadd.s32 @!p0 $0x100000, s0;
	[bflag:$0x2] =	sbarrier.arrive $0xFFFF  }
0x3c: {  	[sflag:s0] =	ssyncadd.tile.s32 @!p0 $0x1;
	_ =	shalt  }
.Lfunc_end2:
_tile_overlayer_lowered:
.L_overlay_start_2:
0x3d: {  	(tag) =	ssettag $0x2  }
0x3e: {  	s0 =	rddreg [dreg:$0x0];
	s2 =	stileid.u32  }
0x3f: {  	s1 =	rddreg [dreg:$0x1];
	p0 =	sne.s32 s2, $0x0  }
0x40: {  	s3 =	rddreg [dreg:$0x2];
	[bflag:$0x3] =	sbarrier.arrive $0xFFFF;
	s2 =	simm.s32 @!p0 $0x1C01  }
0x41: {  	[timem:s3], [sflag:s2] =	dma.local @!p0 [hbm:s0], s1  }
0x42: {  	s0 =	simm.s32 @!p0 $0x1  }
0x43: {  	_ =	swait.ge @!p0 [sflag:s0], s1  }
0x44: {  	s1 =	ssub.s32 @!p0 $0x0, s1;
	[sflag:s0] =	ssyncset.done @!p0 $0x0  }
0x45: {  	[sflag:s0] =	ssyncadd.s32 @!p0 s1  }
0x46: {  	[bflag:$0x3] =	sbarrier.arrive $0xFFFF  }
0x47: {  	_ =	shalt  }

// kernel: kernel.17.cloned.1.call-start
scs
__scs_entry_jumppad:
0x0: {  	(pc) =	sbr.rel $0x88, $3  }
0x1: {  	(tag) =	ssettag $0x0;
	lr =	simm.s32 $0x1  }
0x2: {  	[smem:$0x3F93] =	sst lr;
	_ =	strace $0xD0000000  }
0x3: {  	_ = 	snop  }
0x4: {  	_ = 	snop  }
0x5: {  	_ = 	snop  }
0x6: {  	_ = 	snop  }
0x7: {  	_ = 	snop  }
__scs_overlays_trampoline_lowered:
0x8: {  	[smem:$0x3FA2] =	sst s0  }
0x9: {  	[smem:$0x3FA3] =	sst s1  }
0xa: {  	[smem:$0x3FA4] =	sst s2  }
0xb: {  	[smem:$0x3FA5] =	sst s3  }
0xc: {  	[smem:$0x3FA6] =	sst s4  }
0xd: {  	[smem:$0x3FA7] =	sst s5  }
0xe: {  	[smem:$0x3FA8] =	sst s6  }
0xf: {  	[smem:$0x3FA9] =	sst s7  }
0x10: {  	[smem:$0x3FAA] =	sst s8  }
0x11: {  	[smem:$0x3FAB] =	sst s9;
	s0 =	simm.s32 @!p0 $0x0  }
0x12: {  	s1 =	sld [smem:$0x3F91];
	s0 =	simm.s32 @p0 $0x1  }
0x13: {  	[smem:$0x3FAC] =	sst s0;
	s0 =	simm.s32 @!p1 $0x0  }
0x14: {  	s2 =	sld [smem:$0x3F90];
	s0 =	simm.s32 @p1 $0x1  }
0x15: {  	[smem:$0x3FAD] =	sst s0;
	s0 =	simm.s32 @!p2 $0x0  }
0x16: {  	s3 =	sld [smem:$0x3FDB];
	s0 =	simm.s32 @p2 $0x1  }
0x17: {  	s4 =	simm.s32 $0x1BF5;
	[smem:$0x3FAF] =	sst s0  }
0x18: {  	s0 =	sld [smem:$0x3F92];
	_ =	swait.ge [sflag:s4], $0x0  }
0x19: {  	s7 =	sld [smem:$0x3F93]  }
0x1a: {  	s8 =	sadd.s32 $0xFFFFE003, lr  }
0x1b: {  	s9 =	sadd.s32 $0xFFFFFEF7, lr;
	s5 =	simm.s32 $0xFFFFFFFF;
	p2 =	slt.u32 s8, $0xFFFFF086  }
0x1c: {  	p1 =	slt.u32 s9, $0xF7A;
	s5 =	simm.s32 @!p2 $0x0  }
0x1d: {  	s5 =	simm.s32 @p1 $0x1;
	p0 =	seq.s32 s7, s2  }
0x1e: {  	s7 =	smul.u32 @!p0 $0xF7A, s2;
	p2 =	seq.s32 @!p0 s5, $0x0  }
0x1f: {  	s9 =	smul.u32 $0xF7A, s1;
	s8 =	simm.s32 @!p0 $0x1BF5;
	p2 =	por !p2, p0  }
0x20: {  	[sflag:s8] =	ssyncset.s32 @!p0 $0xFFFFF086;
	s6 =	sadd.s32 @!p0 s3, s7;
	s7 =	simm.s32 @!p0 $0x108  }
0x21: {  	s3 =	sadd.s32 s3, s9;
	s6 =	sadd.s32 @!p0 $0x88, s6;
	s7 =	simm.s32 @p2 $0x1082  }
0x22: {  	[simem:s7], [sflag:s8] =	dma.local @!p0 [hbm:s6], $0xF7A  }
0x23: {  	s9 =	sor.u32 $0xD0000000, s2;
	s6 =	simm.s32 $0x108;
	_ =	swait.ge @!p0 [sflag:s8], $0x0  }
0x24: {  	s3 =	sadd.s32 $0x88, s3;
	s6 =	simm.s32 @!p1 $0x1082;
	[sflag:s4] =	ssyncset.s32 $0xFFFFF086  }
0x25: {  	[simem:s6], [sflag:s4] =	dma.local [hbm:s3], $0xF7A  }
0x26: {  	[smem:$0x3F93] =	sst s1;
	(tag) =	ssettag s2;
	_ =	strace s9  }
0x27: {  	s1 =	sld [smem:$0x3FA3]  }
0x28: {  	s2 =	sld [smem:$0x3FA4]  }
0x29: {  	s4 =	sld [smem:$0x3FA6]  }
0x2a: {  	p0 =	seq.s32 s5, $0x0;
	s5 =	sld [smem:$0x3FA7]  }
0x2b: {  	s6 =	sld [smem:$0x3FA8]  }
0x2c: {  	s7 =	sld [smem:$0x3FA9]  }
0x2d: {  	s3 =	simm.s32 $0x108;
	s8 =	sld [smem:$0x3FAA]  }
0x2e: {  	s3 =	simm.s32 @!p0 $0x1082;
	s9 =	sld [smem:$0x3FAB]  }
0x2f: {  	lr =	sadd.s32 s0, s3;
	s0 =	sld [smem:$0x3FA2]  }
0x30: {  	s3 =	sld [smem:$0x3FA5]  }
0x31: {  	[smem:$0x3FAE] =	sst s10  }
0x32: {  	s10 =	sld [smem:$0x3FAC];
	_ =	sdelay $0x3  }
0x33: {  	p0 =	seq.s32 s10, $0x1;
	s10 =	sld [smem:$0x3FAE];
	_ =	sdelay $0x3  }
0x34: {  	[smem:$0x3FAE] =	sst s10  }
0x35: {  	s10 =	sld [smem:$0x3FAD];
	_ =	sdelay $0x3  }
0x36: {  	p1 =	seq.s32 s10, $0x1;
	s10 =	sld [smem:$0x3FAE];
	_ =	sdelay $0x3  }
0x37: {  	[smem:$0x3FAE] =	sst s10  }
0x38: {  	s10 =	sld [smem:$0x3FAF]  }
0x39: {  	_ = 	snop;
	(pc) =	sbr.ind lr, $3  }
0x3a: {  	_ = 	snop  }
0x3b: {  	_ = 	snop  }
0x3c: {  	p2 =	seq.s32 s10, $0x1;
	s10 =	sld [smem:$0x3FAE]  }
0x3d: {  	_ =	shalt  }
0x3e: {  	_ =	shalt  }
0x3f: {  	_ =	shalt  }
0x40: {  	_ =	shalt  }
0x41: {  	_ =	shalt  }
0x42: {  	_ =	shalt  }
0x43: {  	_ =	shalt  }
0x44: {  	_ =	shalt  }
0x45: {  	_ =	shalt  }
0x46: {  	_ =	shalt  }
0x47: {  	_ =	shalt  }
0x48: {  	_ =	shalt  }
0x49: {  	_ =	shalt  }
0x4a: {  	_ =	shalt  }
0x4b: {  	_ =	shalt  }
0x4c: {  	_ =	shalt  }
0x4d: {  	_ =	shalt  }
0x4e: {  	_ =	shalt  }
0x4f: {  	_ =	shalt  }
0x50: {  	_ =	shalt  }
0x51: {  	_ =	shalt  }
0x52: {  	_ =	shalt  }
0x53: {  	_ =	shalt  }
0x54: {  	_ =	shalt  }
0x55: {  	_ =	shalt  }
0x56: {  	_ =	shalt  }
0x57: {  	_ =	shalt  }
0x58: {  	_ =	shalt  }
0x59: {  	_ =	shalt  }
0x5a: {  	_ =	shalt  }
0x5b: {  	_ =	shalt  }
0x5c: {  	_ =	shalt  }
0x5d: {  	_ =	shalt  }
0x5e: {  	_ =	shalt  }
0x5f: {  	_ =	shalt  }
0x60: {  	_ =	shalt  }
0x61: {  	_ =	shalt  }
0x62: {  	_ =	shalt  }
0x63: {  	_ =	shalt  }
0x64: {  	_ =	shalt  }
0x65: {  	_ =	shalt  }
0x66: {  	_ =	shalt  }
0x67: {  	_ =	shalt  }
0x68: {  	_ =	shalt  }
0x69: {  	_ =	shalt  }
0x6a: {  	_ =	shalt  }
0x6b: {  	_ =	shalt  }
0x6c: {  	_ =	shalt  }
0x6d: {  	_ =	shalt  }
0x6e: {  	_ =	shalt  }
0x6f: {  	_ =	shalt  }
0x70: {  	_ =	shalt  }
0x71: {  	_ =	shalt  }
0x72: {  	_ =	shalt  }
0x73: {  	_ =	shalt  }
0x74: {  	_ =	shalt  }
0x75: {  	_ =	shalt  }
0x76: {  	_ =	shalt  }
0x77: {  	_ =	shalt  }
0x78: {  	_ =	shalt  }
0x79: {  	_ =	shalt  }
0x7a: {  	_ =	shalt  }
0x7b: {  	_ =	shalt  }
0x7c: {  	_ =	shalt  }
0x7d: {  	_ =	shalt  }
0x7e: {  	_ =	shalt  }
0x7f: {  	_ =	shalt  }
0x80: {  	_ =	shalt  }
0x81: {  	_ =	shalt  }
0x82: {  	_ =	shalt  }
0x83: {  	_ =	shalt  }
0x84: {  	_ =	shalt  }
0x85: {  	_ =	shalt  }
0x86: {  	_ =	shalt  }
0x87: {  	_ =	shalt  }
.Lfunc_end0:
.L_simem_size_0:
called_computation.2_lowered:
.L_overlay_start_0:
0x88: {  	s2 =	sld [smem:$0x3FD9]  }
0x89: {  	s3 =	sld [smem:$0x3FFE];
	_ =	sdelay $0x1  }
0x8a: {  	s1 =	srdreg.scid  }
0x8b: {  	s0 =	sand.u32 $0x1, s1  }
0x8c: {  	s16 =	sshll.u32 s0, $0xA;
	s2 =	sadd.s32 s3, s2  }
0x8d: {  	s2 =	sadd.s32 s2, s16  }
0x8e: {  	[smem:$0x3FBA] =	sst s2  }
0x8f: {  	_ = 	snop  }
0x90: {  	(tm) =	ssettm $0x1  }
0x91: {  	s17 =	sld [smem:$0x3FFB];
	_ =	sdelay $0x3  }
0x92: {  	_ =	strace s17  }
0x93: {  	s2 =	sld [smem:$0x3FFC];
	_ =	sdelay $0x3  }
0x94: {  	_ =	strace s2  }
0x95: {  	s2 =	sld [smem:$0x3FFD];
	_ =	sdelay $0x3  }
0x96: {  	_ =	strace s2  }
0x97: {  	_ =	strace $0x8FFFFFFF  }
0x98: {  	s18 =	sld [smem:$0x3FDB];
	_ =	sdelay $0x1  }
0x99: {  	s19 =	simm.s32 $_scs_section_size  }
0x9a: {  	s4 =	simm.s32 $_size__tile_overlayer_lowered;
	s5 =	simm.s32 $_tile_overlayer_lowered  }
0x9b: {  	s22 =	simm.s32 $0x1BFF;
	s21 =	sshll.u32 s5, $0x1;
	s2 =	sadd.s32 s19, s18  }
0x9c: {  	s6 =	simm.s32 $0x0;
	s20 =	sshll.u32 s4, $0x1;
	s4 =	sadd.s32 s21, s2  }
0x9d: {  	[timem:s6], [sflag:s22] =	dma.local [hbm:s4], s20  }
0x9e: {  	_ =	swait.ge [sflag:s22], s20  }
0x9f: {  	s3 =	ssub.s32 $0x0, s20;
	[sflag:s22] =	ssyncset.done $0x0  }
0xa0: {  	[sflag:s22] =	ssyncadd.s32 s3;
	_ =	sdelay $0x1  }
0xa1: {  	s23 =	simm.s32 $0x1B8B  }
0xa2: {  	_ =	swait.ge [sflag:s23], $0x1  }
0xa3: {  	[sflag:s23] =	ssyncset.done $0x0  }
0xa4: {  	s25 =	simm.s32 $0x1B8E;
	s24 =	sld [smem:$0x3FFE];
	[sflag:s23] =	ssyncadd.s32 $0xFFFFFFFF  }
0xa5: {  	s26 =	simm.s32 $execute0_lowered;
	[smem:$0x3FD2] =	sst s25  }
0xa6: {  	s4 =	sshll.u32 s26, $0x1;
	_ =	strace $0x8000004C;
	[dreg:$0x1] =	wrdreg $0xFFFFFFFF  }
0xa7: {  	s28 =	simm.s32 $_size_execute0_lowered;
	s2 =	sadd.s32 s2, s4;
	[dreg:$0x0] =	wrdreg $0x0  }
0xa8: {  	s4 =	sshll.u32 s28, $0x1;
	[dreg:$0x2] =	wrdreg s2  }
0xa9: {  	[dreg:$0x3] =	wrdreg s4  }
0xaa: {  	[dreg:$0x4] =	wrdreg $0xC0  }
0xab: {  	_ =	task [dreg:s6], $0x5FFFF  }
0xac: {  	[dreg:$0x1] =	wrdreg $0xFFFFFFFF  }
0xad: {  	[dreg:$0x0] =	wrdreg $0x60  }
0xae: {  	[dreg:$0x2] =	wrdreg s24  }
0xaf: {  	[dreg:$0x3] =	wrdreg $0x0  }
0xb0: {  	[dreg:$0x4] =	wrdreg $0x9  }
0xb1: {  	_ =	task.clear_ibuf [dreg:s6], $0x5FFFF;
	_ =	strace $0x9000004C  }
0xb2: {  	s29 =	simm.s32 $0x9;
	_ =	strace $0x8000004E  }
0xb3: {  	_ =	swait.ge [sflag:s29], $0x1  }
0xb4: {  	[sflag:s29] =	ssyncadd.s32 $0xFFFFFFFF  }
0xb5: {  	_ =	strace $0x9000004E  }
0xb6: {  	_ =	sfence  }
0xb7: {  	s30 =	sld [smem:$0x0];
	_ =	sdelay $0x2  }
0xb8: {  	s31 =	sshll.u32 s1, $0xD;
	s1 =	sshrl.u32 s1, $0x2  }
0xb9: {  	s3 =	sand.u32 $0x4000, s31;
	s1 =	sadd.s32 s1, s30  }
0xba: {  	s0 =	sor.u32 s3, s0;
	s1 =	sshll.u32 s1, $0x11  }
0xbb: {  	s0 =	sor.u32 s1, s0  }
0xbc: {  	s0 =	sadd.s32 $0x8F2B, s0  }
0xbd: {  	[sflag:s0] =	ssyncadd.remote.s32 $0x1  }
0xbe: {  	_ =	sfence.sel $0xFFFF  }
0xbf: {  	[dreg:$0x0] =	wrdreg $0xFFFFFFFF;
	(pc) =	sbr.abs _section_cstart, $3  }
0xc0: {  	[dreg:$0x1] =	wrdreg $0xFFFFFFFF  }
0xc1: {  	_ =	task.clear_ibuf [dreg:s6], $0x2FFFF;
	_ =	strace $0x9FFFFFFF  }
0xc2: {  	(tm) =	ssettm $0x7FFFFFFF  }
0xc3: {  	_ =	shalt  }
tec
execute0_lowered:
.L_overlay_start_1:
0x0: {  	(tag) =	ssettag $0x1  }
0x1: {  	s5 =	rddreg [dreg:$0x0];
	s17 =	stileid.u32  }
0x2: {  	s0 =	srdreg.scid;
	s1 =	rddreg [dreg:$0x1];
	s2 =	simm.s32 $0x0  }
0x3: {  	s11 =	simm.s32 $0x2;
	s12 =	simm.s32 $0x18900;
	s13 =	simm.s32 $0x80  }
0x4: {  	s14 =	simm.s32 $0x18880;
	s15 =	simm.s32 $0x18980;
	s16 =	simm.s32 $0x1  }
0x5: {  	s4 =	smul.u32 $0x1870, s17;
	s6 =	sand.u32 $0x1, s0;
	s0 =	rddreg [dreg:$0x2]  }
0x6: {  	[smem:$0x7FF] =	sst s2;
	s7 =	smul.u32 $0xC40, s17;
	s3 =	sadd.s32 $0x12D600, s5  }
0x7: {  	s9 =	smul.u32 $0x62000, s17;
	p0 =	sne.s32 s17, $0x0;
	s17 =	sshll.u32 s17, $0x6  }
0x8: {  	s18 =	smul.u32 $0xC400, s6;
	_ =	strace $0x8000004D;
	s6 =	ssub.s32 $0x2, s6  }
0x9: {  	s17 =	sor.u32 $0x1C02, s17;
	s8 =	sadd.s32 s4, s5;
	s4 =	sadd.s32 $0x1C800, s5  }
0xa: {  	s10 =	sshrl.u32 s6, $0x1;
	s31 =	sshrl.u32 s9, $0x2;
	s9 =	sshrl.u32 @!p0 s1, $0x3  }
0xb: {  	s7 =	sadd.s32 s7, s18;
	s6 =	ssub.s32 s6, s10;
	s19 =	sadd.s32 s31, s1  }
0xc: {  	s10 =	simm.s32 $0x18800;
	s7 =	sshll.u32 s7, $0x2;
	s6 =	smax.u32 s6, $0x1  }
0xd: {  	v0 =	vmov s18;
	s18 =	sshrl.u32 s19, $0x3;
	s5 =	sadd.s32 s7, s5;
	s7 =	sadd.s32 $0x4000, s8  }
0xe: {  	s19 =	simm.s32 $0x0;
	s8 =	sadd.s32 $0x114E00, s8;
	s5 =	sadd.s32 $0x18F600, s5  }
.LBB2_1:
0xf: {  	s20 =	simm.s32 @!p0 $0x1C02  }
0x10: {  	[spmem:s9], [sflag:s20] =	dma.local @!p0 [hbm:s4], $0x31000  }
0x11: {  	s20 =	simm.s32 @!p0 $0x2  }
0x12: {  	_ =	swait.ge @!p0 [sflag:s20], $0x31000  }
0x13: {  	[sflag:s20] =	ssyncset.done @!p0 $0x0  }
0x14: {  	[sflag:s20] =	ssyncadd.s32 @!p0 $0xFFFCF000  }
0x15: {  	s30 =	sadd.s32 $0x0, s8;
	[bflag:$0x0] =	sbarrier.arrive $0xFFFF  }
0x16: {  	[tilespmem:s10], [sflag:$0x2] =	stream.linear.gather [hbm4b:s30+s2], $0x80, $0x38;
	[tilespmem:$0x19980] =	vst v63  }
0x17: {  	_ =	swait.ge [sflag:s11], $0x80  }
0x18: {  	[sflag:s11] =	ssyncset.done $0x0  }
0x19: {  	s31 =	sadd.s32 $0x0, s7;
	[sflag:s11] =	ssyncadd.s32 $0xFFFFFF80  }
0x1a: {  	[tilespmem:s12], [sflag:$0x2] =	stream.linear.gather [hbm4b:s31+s2], $0x80, $0x38;
	[tilespmem:$0x19980] =	vst v63  }
0x1b: {  	_ =	swait.ge [sflag:s11], $0x80  }
0x1c: {  	[sflag:s11] =	ssyncset.done $0x0  }
0x1d: {  	[sflag:s11] =	ssyncadd.s32 $0xFFFFFF80  }
0x1e: {  	v1 =	vld [tilespmem:$0x18870]  }
0x1f: {  	v2 =	vld [tilespmem:$0x18830]  }
0x20: {  	v3 =	vld [tilespmem:$0x18850]  }
0x21: {  	v5 =	vld [tilespmem:$0x18820]  }
0x22: {  	v4 =	vld [tilespmem:$0x18860]  }
0x23: {  	v6 =	vld [tilespmem:$0x18810];
	v1 =	vadd.s32 v0, v1  }
0x24: {  	v7 =	vld [tilespmem:$0x18840];
	v2 =	vadd.s32 v0, v2;
	[tilespmem:$0x188F0] =	vst v1  }
0x25: {  	v1 =	vld [tilespmem:$0x18800];
	[tilespmem:$0x188B0] =	vst v2;
	v2 =	vadd.s32 v0, v3  }
0x26: {  	v3 =	vadd.s32 v0, v5;
	[tilespmem:$0x188D0] =	vst v2  }
0x27: {  	v2 =	vadd.s32 v0, v4;
	[tilespmem:$0x188A0] =	vst v3  }
0x28: {  	[tilespmem:$0x188E0] =	vst v2;
	v2 =	vadd.s32 v0, v6  }
0x29: {  	[tilespmem:$0x18890] =	vst v2;
	v2 =	vadd.s32 v0, v7  }
0x2a: {  	[tilespmem:$0x188C0] =	vst v2;
	v1 =	vadd.s32 v0, v1  }
0x2b: {  	s20 =	simm.s32 $0x10;
	[tilespmem:$0x18880] =	vst v1  }
.LBB2_2:
0x2c: {  	[tilespmem:s15], [sflag:$0x1] =	stream.indirect.gather [hbm4b:s3+s13], $0x20, s14, s13, $0xb8;
	[tilespmem:$0x19980] =	vst v63  }
0x2d: {  	s21 =	smov.u32 s20  }
0x2e: {  	p1 =	sne.s32 s20, $0x1860;
	s20 =	sadd.s32 $0x10, s20;
	_ =	swait.ge [sflag:s16], $0x1000  }
0x2f: {  	[sflag:s16] =	ssyncset.done $0x0  }
0x30: {  	[sflag:s16] =	ssyncadd.s32 $0xFFFFF000  }
0x31: {  	[spmem:s1] =	stream.indirect.scatter.add.f32 [tilespmem:s15], [sflag:$0x2], $0x20, s12, s13, $0xb8;
	[tilespmem:$0x19980] =	vst v63  }
0x32: {  	_ =	swait.ge [sflag:s11], $0x1000  }
0x33: {  	[sflag:s11] =	ssyncset.done $0x0  }
0x34: {  	s22 =	sadd.s32 s21, s8;
	[sflag:s11] =	ssyncadd.s32 $0xFFFFF000  }
0x35: {  	[tilespmem:s10], [sflag:$0x2] =	stream.linear.gather [hbm4b:s22+s2], $0x80, $0x38;
	[tilespmem:$0x19980] =	vst v63  }
0x36: {  	_ =	swait.ge [sflag:s11], $0x80  }
0x37: {  	[sflag:s11] =	ssyncset.done $0x0  }
0x38: {  	s21 =	sadd.s32 s21, s7;
	[sflag:s11] =	ssyncadd.s32 $0xFFFFFF80  }
0x39: {  	[tilespmem:s12], [sflag:$0x2] =	stream.linear.gather [hbm4b:s21+s2], $0x80, $0x38;
	[tilespmem:$0x19980] =	vst v63  }
0x3a: {  	_ =	swait.ge [sflag:s11], $0x80  }
0x3b: {  	[sflag:s11] =	ssyncset.done $0x0  }
0x3c: {  	[sflag:s11] =	ssyncadd.s32 $0xFFFFFF80  }
0x3d: {  	v1 =	vld [tilespmem:$0x18870]  }
0x3e: {  	v2 =	vld [tilespmem:$0x18830]  }
0x3f: {  	v3 =	vld [tilespmem:$0x18850]  }
0x40: {  	v4 =	vld [tilespmem:$0x18860]  }
0x41: {  	v5 =	vld [tilespmem:$0x18820]  }
0x42: {  	v6 =	vld [tilespmem:$0x18810];
	v1 =	vadd.s32 v0, v1  }
0x43: {  	v2 =	vadd.s32 v0, v2;
	v7 =	vld [tilespmem:$0x18840];
	[tilespmem:$0x188F0] =	vst v1  }
0x44: {  	v1 =	vld [tilespmem:$0x18800];
	[tilespmem:$0x188B0] =	vst v2;
	v2 =	vadd.s32 v0, v3  }
0x45: {  	[tilespmem:$0x188D0] =	vst v2;
	v2 =	vadd.s32 v0, v4  }
.Ltmp0:
0x46: {  	v3 =	vadd.s32 v0, v5;
	[tilespmem:$0x188E0] =	vst v2;
	(pc) =	sbr.rel @p1 .LBB2_2-.Ltmp0, $4  }
0x47: {  	v2 =	vadd.s32 v0, v6;
	[tilespmem:$0x188A0] =	vst v3  }
0x48: {  	[tilespmem:$0x18890] =	vst v2;
	v2 =	vadd.s32 v0, v7  }
0x49: {  	v1 =	vadd.s32 v0, v1;
	[tilespmem:$0x188C0] =	vst v2  }
0x4a: {  	[tilespmem:$0x18880] =	vst v1  }
0x4b: {  	[tilespmem:s15], [sflag:$0x1] =	stream.indirect.gather [hbm4b:s3+s13], $0x20, s14, s13, $0xb8;
	[tilespmem:$0x19980] =	vst v63  }
0x4c: {  	_ =	swait.ge [sflag:s16], $0x1000  }
0x4d: {  	[sflag:s16] =	ssyncset.done $0x0  }
0x4e: {  	[sflag:s16] =	ssyncadd.s32 $0xFFFFF000  }
0x4f: {  	[spmem:s1] =	stream.indirect.scatter.add.f32 [tilespmem:s15], [sflag:$0x2], $0x20, s12, s13, $0xb8;
	[tilespmem:$0x19980] =	vst v63  }
0x50: {  	_ =	swait.ge [sflag:s11], $0x1000  }
0x51: {  	s19 =	sadd.s32 $0x1, s19;
	[sflag:s11] =	ssyncset.done $0x0  }
0x52: {  	p1 =	sne.s32 s19, s6;
	[sflag:s11] =	ssyncadd.s32 $0xFFFFF000  }
.Ltmp1:
0x53: {  	[bflag:$0x0] =	sbarrier.arrive $0xFFFF;
	(pc) =	sbr.rel @p1 .LBB2_1-.Ltmp1, $4  }
0x54: {  	[hbm:s5], [sflag:s17] =	dma.local [spmem:s18], $0x3100  }
0x55: {  	_ =	swait.ge [sflag:s11], $0x3100  }
0x56: {  	[sflag:s11] =	ssyncset.done $0x0  }
0x57: {  	[sflag:s11] =	ssyncadd.s32 $0xFFFFCF00  }
0x58: {  	_ =	sfence.sel $0x180000  }
0x59: {  	[bflag:$0x0] =	sbarrier.arrive $0xFFFF  }
0x5a: {  	_ =	strace $0x9000004D  }
0x5b: {  	s0 =	sadd.s32 @!p0 $0x100000, s0;
	[bflag:$0x2] =	sbarrier.arrive $0xFFFF  }
0x5c: {  	[sflag:s0] =	ssyncadd.tile.s32 @!p0 $0x1;
	_ =	shalt  }
.Lfunc_end2:
_tile_overlayer_lowered:
.L_overlay_start_2:
0x5d: {  	(tag) =	ssettag $0x2  }
0x5e: {  	s0 =	rddreg [dreg:$0x0];
	s2 =	stileid.u32  }
0x5f: {  	s1 =	rddreg [dreg:$0x1];
	p0 =	sne.s32 s2, $0x0  }
0x60: {  	s3 =	rddreg [dreg:$0x2];
	[bflag:$0x3] =	sbarrier.arrive $0xFFFF;
	s2 =	simm.s32 @!p0 $0x1C02  }
0x61: {  	[timem:s3], [sflag:s2] =	dma.local @!p0 [hbm:s0], s1  }
0x62: {  	s0 =	simm.s32 @!p0 $0x2  }
0x63: {  	_ =	swait.ge @!p0 [sflag:s0], s1  }
0x64: {  	s1 =	ssub.s32 @!p0 $0x0, s1;
	[sflag:s0] =	ssyncset.done @!p0 $0x0  }
0x65: {  	[sflag:s0] =	ssyncadd.s32 @!p0 s1  }
0x66: {  	[bflag:$0x3] =	sbarrier.arrive $0xFFFF  }
0x67: {  	_ =	shalt  }

// kernel: kernel.20.cloned.1.call-start
scs
__scs_entry_jumppad:
0x0: {  	(pc) =	sbr.rel $0x88, $3  }
0x1: {  	(tag) =	ssettag $0x0;
	lr =	simm.s32 $0x1  }
0x2: {  	[smem:$0x3F93] =	sst lr;
	_ =	strace $0xD0000000  }
0x3: {  	_ = 	snop  }
0x4: {  	_ = 	snop  }
0x5: {  	_ = 	snop  }
0x6: {  	_ = 	snop  }
0x7: {  	_ = 	snop  }
__scs_overlays_trampoline_lowered:
0x8: {  	[smem:$0x3FA2] =	sst s0  }
0x9: {  	[smem:$0x3FA3] =	sst s1  }
0xa: {  	[smem:$0x3FA4] =	sst s2  }
0xb: {  	[smem:$0x3FA5] =	sst s3  }
0xc: {  	[smem:$0x3FA6] =	sst s4  }
0xd: {  	[smem:$0x3FA7] =	sst s5  }
0xe: {  	[smem:$0x3FA8] =	sst s6  }
0xf: {  	[smem:$0x3FA9] =	sst s7  }
0x10: {  	[smem:$0x3FAA] =	sst s8  }
0x11: {  	[smem:$0x3FAB] =	sst s9;
	s0 =	simm.s32 @!p0 $0x0  }
0x12: {  	s1 =	sld [smem:$0x3F91];
	s0 =	simm.s32 @p0 $0x1  }
0x13: {  	[smem:$0x3FAC] =	sst s0;
	s0 =	simm.s32 @!p1 $0x0  }
0x14: {  	s2 =	sld [smem:$0x3F90];
	s0 =	simm.s32 @p1 $0x1  }
0x15: {  	[smem:$0x3FAD] =	sst s0;
	s0 =	simm.s32 @!p2 $0x0  }
0x16: {  	s3 =	sld [smem:$0x3FDB];
	s0 =	simm.s32 @p2 $0x1  }
0x17: {  	s4 =	simm.s32 $0x1BF5;
	[smem:$0x3FAF] =	sst s0  }
0x18: {  	s0 =	sld [smem:$0x3F92];
	_ =	swait.ge [sflag:s4], $0x0  }
0x19: {  	s7 =	sld [smem:$0x3F93]  }
0x1a: {  	s8 =	sadd.s32 $0xFFFFE003, lr  }
0x1b: {  	s9 =	sadd.s32 $0xFFFFFEF7, lr;
	s5 =	simm.s32 $0xFFFFFFFF;
	p2 =	slt.u32 s8, $0xFFFFF086  }
0x1c: {  	p1 =	slt.u32 s9, $0xF7A;
	s5 =	simm.s32 @!p2 $0x0  }
0x1d: {  	s5 =	simm.s32 @p1 $0x1;
	p0 =	seq.s32 s7, s2  }
0x1e: {  	s7 =	smul.u32 @!p0 $0xF7A, s2;
	p2 =	seq.s32 @!p0 s5, $0x0  }
0x1f: {  	s9 =	smul.u32 $0xF7A, s1;
	s8 =	simm.s32 @!p0 $0x1BF5;
	p2 =	por !p2, p0  }
0x20: {  	[sflag:s8] =	ssyncset.s32 @!p0 $0xFFFFF086;
	s6 =	sadd.s32 @!p0 s3, s7;
	s7 =	simm.s32 @!p0 $0x108  }
0x21: {  	s3 =	sadd.s32 s3, s9;
	s6 =	sadd.s32 @!p0 $0x88, s6;
	s7 =	simm.s32 @p2 $0x1082  }
0x22: {  	[simem:s7], [sflag:s8] =	dma.local @!p0 [hbm:s6], $0xF7A  }
0x23: {  	s9 =	sor.u32 $0xD0000000, s2;
	s6 =	simm.s32 $0x108;
	_ =	swait.ge @!p0 [sflag:s8], $0x0  }
0x24: {  	s3 =	sadd.s32 $0x88, s3;
	s6 =	simm.s32 @!p1 $0x1082;
	[sflag:s4] =	ssyncset.s32 $0xFFFFF086  }
0x25: {  	[simem:s6], [sflag:s4] =	dma.local [hbm:s3], $0xF7A  }
0x26: {  	[smem:$0x3F93] =	sst s1;
	(tag) =	ssettag s2;
	_ =	strace s9  }
0x27: {  	s1 =	sld [smem:$0x3FA3]  }
0x28: {  	s2 =	sld [smem:$0x3FA4]  }
0x29: {  	s4 =	sld [smem:$0x3FA6]  }
0x2a: {  	p0 =	seq.s32 s5, $0x0;
	s5 =	sld [smem:$0x3FA7]  }
0x2b: {  	s6 =	sld [smem:$0x3FA8]  }
0x2c: {  	s7 =	sld [smem:$0x3FA9]  }
0x2d: {  	s3 =	simm.s32 $0x108;
	s8 =	sld [smem:$0x3FAA]  }
0x2e: {  	s3 =	simm.s32 @!p0 $0x1082;
	s9 =	sld [smem:$0x3FAB]  }
0x2f: {  	lr =	sadd.s32 s0, s3;
	s0 =	sld [smem:$0x3FA2]  }
0x30: {  	s3 =	sld [smem:$0x3FA5]  }
0x31: {  	[smem:$0x3FAE] =	sst s10  }
0x32: {  	s10 =	sld [smem:$0x3FAC];
	_ =	sdelay $0x3  }
0x33: {  	p0 =	seq.s32 s10, $0x1;
	s10 =	sld [smem:$0x3FAE];
	_ =	sdelay $0x3  }
0x34: {  	[smem:$0x3FAE] =	sst s10  }
0x35: {  	s10 =	sld [smem:$0x3FAD];
	_ =	sdelay $0x3  }
0x36: {  	p1 =	seq.s32 s10, $0x1;
	s10 =	sld [smem:$0x3FAE];
	_ =	sdelay $0x3  }
0x37: {  	[smem:$0x3FAE] =	sst s10  }
0x38: {  	s10 =	sld [smem:$0x3FAF]  }
0x39: {  	_ = 	snop;
	(pc) =	sbr.ind lr, $3  }
0x3a: {  	_ = 	snop  }
0x3b: {  	_ = 	snop  }
0x3c: {  	p2 =	seq.s32 s10, $0x1;
	s10 =	sld [smem:$0x3FAE]  }
0x3d: {  	_ =	shalt  }
0x3e: {  	_ =	shalt  }
0x3f: {  	_ =	shalt  }
0x40: {  	_ =	shalt  }
0x41: {  	_ =	shalt  }
0x42: {  	_ =	shalt  }
0x43: {  	_ =	shalt  }
0x44: {  	_ =	shalt  }
0x45: {  	_ =	shalt  }
0x46: {  	_ =	shalt  }
0x47: {  	_ =	shalt  }
0x48: {  	_ =	shalt  }
0x49: {  	_ =	shalt  }
0x4a: {  	_ =	shalt  }
0x4b: {  	_ =	shalt  }
0x4c: {  	_ =	shalt  }
0x4d: {  	_ =	shalt  }
0x4e: {  	_ =	shalt  }
0x4f: {  	_ =	shalt  }
0x50: {  	_ =	shalt  }
0x51: {  	_ =	shalt  }
0x52: {  	_ =	shalt  }
0x53: {  	_ =	shalt  }
0x54: {  	_ =	shalt  }
0x55: {  	_ =	shalt  }
0x56: {  	_ =	shalt  }
0x57: {  	_ =	shalt  }
0x58: {  	_ =	shalt  }
0x59: {  	_ =	shalt  }
0x5a: {  	_ =	shalt  }
0x5b: {  	_ =	shalt  }
0x5c: {  	_ =	shalt  }
0x5d: {  	_ =	shalt  }
0x5e: {  	_ =	shalt  }
0x5f: {  	_ =	shalt  }
0x60: {  	_ =	shalt  }
0x61: {  	_ =	shalt  }
0x62: {  	_ =	shalt  }
0x63: {  	_ =	shalt  }
0x64: {  	_ =	shalt  }
0x65: {  	_ =	shalt  }
0x66: {  	_ =	shalt  }
0x67: {  	_ =	shalt  }
0x68: {  	_ =	shalt  }
0x69: {  	_ =	shalt  }
0x6a: {  	_ =	shalt  }
0x6b: {  	_ =	shalt  }
0x6c: {  	_ =	shalt  }
0x6d: {  	_ =	shalt  }
0x6e: {  	_ =	shalt  }
0x6f: {  	_ =	shalt  }
0x70: {  	_ =	shalt  }
0x71: {  	_ =	shalt  }
0x72: {  	_ =	shalt  }
0x73: {  	_ =	shalt  }
0x74: {  	_ =	shalt  }
0x75: {  	_ =	shalt  }
0x76: {  	_ =	shalt  }
0x77: {  	_ =	shalt  }
0x78: {  	_ =	shalt  }
0x79: {  	_ =	shalt  }
0x7a: {  	_ =	shalt  }
0x7b: {  	_ =	shalt  }
0x7c: {  	_ =	shalt  }
0x7d: {  	_ =	shalt  }
0x7e: {  	_ =	shalt  }
0x7f: {  	_ =	shalt  }
0x80: {  	_ =	shalt  }
0x81: {  	_ =	shalt  }
0x82: {  	_ =	shalt  }
0x83: {  	_ =	shalt  }
0x84: {  	_ =	shalt  }
0x85: {  	_ =	shalt  }
0x86: {  	_ =	shalt  }
0x87: {  	_ =	shalt  }
.Lfunc_end0:
.L_simem_size_0:
called_computation.3_lowered:
.L_overlay_start_0:
0x88: {  	s2 =	sld [smem:$0x3FD9]  }
0x89: {  	s3 =	sld [smem:$0x3FFE];
	_ =	sdelay $0x1  }
0x8a: {  	s1 =	srdreg.scid  }
0x8b: {  	s0 =	sand.u32 $0x1, s1  }
0x8c: {  	s16 =	sshll.u32 s0, $0xA;
	s2 =	sadd.s32 s3, s2  }
0x8d: {  	s2 =	sadd.s32 s2, s16  }
0x8e: {  	[smem:$0x3FBA] =	sst s2  }
0x8f: {  	_ = 	snop  }
0x90: {  	(tm) =	ssettm $0x1  }
0x91: {  	s17 =	sld [smem:$0x3FFB];
	_ =	sdelay $0x3  }
0x92: {  	_ =	strace s17  }
0x93: {  	s2 =	sld [smem:$0x3FFC];
	_ =	sdelay $0x3  }
0x94: {  	_ =	strace s2  }
0x95: {  	s2 =	sld [smem:$0x3FFD];
	_ =	sdelay $0x3  }
0x96: {  	_ =	strace s2  }
0x97: {  	_ =	strace $0x8FFFFFFF  }
0x98: {  	s18 =	sld [smem:$0x3FDB];
	_ =	sdelay $0x1  }
0x99: {  	s19 =	simm.s32 $_scs_section_size  }
0x9a: {  	s4 =	simm.s32 $_size__tile_overlayer_lowered;
	s5 =	simm.s32 $_tile_overlayer_lowered  }
0x9b: {  	s22 =	simm.s32 $0x1BFF;
	s21 =	sshll.u32 s5, $0x1;
	s2 =	sadd.s32 s19, s18  }
0x9c: {  	s6 =	simm.s32 $0x0;
	s20 =	sshll.u32 s4, $0x1;
	s4 =	sadd.s32 s21, s2  }
0x9d: {  	[timem:s6], [sflag:s22] =	dma.local [hbm:s4], s20  }
0x9e: {  	_ =	swait.ge [sflag:s22], s20  }
0x9f: {  	s3 =	ssub.s32 $0x0, s20;
	[sflag:s22] =	ssyncset.done $0x0  }
0xa0: {  	[sflag:s22] =	ssyncadd.s32 s3;
	_ =	sdelay $0x1  }
0xa1: {  	s23 =	simm.s32 $0x1B8B  }
0xa2: {  	_ =	swait.ge [sflag:s23], $0x1  }
0xa3: {  	[sflag:s23] =	ssyncset.done $0x0  }
0xa4: {  	s25 =	simm.s32 $0x1B8E;
	s24 =	sld [smem:$0x3FFE];
	[sflag:s23] =	ssyncadd.s32 $0xFFFFFFFF  }
0xa5: {  	s26 =	simm.s32 $execute0_lowered;
	[smem:$0x3FD2] =	sst s25  }
0xa6: {  	s4 =	sshll.u32 s26, $0x1;
	_ =	strace $0x8000004F;
	[dreg:$0x1] =	wrdreg $0xFFFFFFFF  }
0xa7: {  	s28 =	simm.s32 $_size_execute0_lowered;
	s2 =	sadd.s32 s2, s4;
	[dreg:$0x0] =	wrdreg $0x0  }
0xa8: {  	s4 =	sshll.u32 s28, $0x1;
	[dreg:$0x2] =	wrdreg s2  }
0xa9: {  	[dreg:$0x3] =	wrdreg s4  }
0xaa: {  	[dreg:$0x4] =	wrdreg $0xC0  }
0xab: {  	_ =	task [dreg:s6], $0x5FFFF  }
0xac: {  	[dreg:$0x1] =	wrdreg $0xFFFFFFFF  }
0xad: {  	[dreg:$0x0] =	wrdreg $0x60  }
0xae: {  	[dreg:$0x2] =	wrdreg s24  }
0xaf: {  	[dreg:$0x3] =	wrdreg $0x0  }
0xb0: {  	[dreg:$0x4] =	wrdreg $0x9  }
0xb1: {  	_ =	task.clear_ibuf [dreg:s6], $0x5FFFF;
	_ =	strace $0x9000004F  }
0xb2: {  	s29 =	simm.s32 $0x9;
	_ =	strace $0x80000051  }
0xb3: {  	_ =	swait.ge [sflag:s29], $0x1  }
0xb4: {  	[sflag:s29] =	ssyncadd.s32 $0xFFFFFFFF  }
0xb5: {  	_ =	strace $0x90000051  }
0xb6: {  	_ =	sfence  }
0xb7: {  	s30 =	sld [smem:$0x0];
	_ =	sdelay $0x2  }
0xb8: {  	s31 =	sshll.u32 s1, $0xD;
	s1 =	sshrl.u32 s1, $0x2  }
0xb9: {  	s3 =	sand.u32 $0x4000, s31;
	s1 =	sadd.s32 s1, s30  }
0xba: {  	s0 =	sor.u32 s3, s0;
	s1 =	sshll.u32 s1, $0x11  }
0xbb: {  	s0 =	sor.u32 s1, s0  }
0xbc: {  	s0 =	sadd.s32 $0x8F2B, s0  }
0xbd: {  	[sflag:s0] =	ssyncadd.remote.s32 $0x1  }
0xbe: {  	_ =	sfence.sel $0xFFFF  }
0xbf: {  	[dreg:$0x0] =	wrdreg $0xFFFFFFFF;
	(pc) =	sbr.abs _section_cstart, $3  }
0xc0: {  	[dreg:$0x1] =	wrdreg $0xFFFFFFFF  }
0xc1: {  	_ =	task.clear_ibuf [dreg:s6], $0x2FFFF;
	_ =	strace $0x9FFFFFFF  }
0xc2: {  	(tm) =	ssettm $0x7FFFFFFF  }
0xc3: {  	_ =	shalt  }
tec
execute0_lowered:
.L_overlay_start_1:
0x0: {  	(tag) =	ssettag $0x1  }
0x1: {  	s5 =	rddreg [dreg:$0x0];
	s17 =	stileid.u32  }
0x2: {  	s0 =	srdreg.scid;
	s1 =	rddreg [dreg:$0x1];
	s2 =	simm.s32 $0x0  }
0x3: {  	s11 =	simm.s32 $0x2;
	s12 =	simm.s32 $0x18900;
	s13 =	simm.s32 $0x80  }
0x4: {  	s14 =	simm.s32 $0x18880;
	s15 =	simm.s32 $0x18980;
	s16 =	simm.s32 $0x1  }
0x5: {  	s4 =	smul.u32 $0x1870, s17;
	s6 =	sand.u32 $0x1, s0;
	s0 =	rddreg [dreg:$0x2]  }
0x6: {  	[smem:$0x7FF] =	sst s2;
	s7 =	smul.u32 $0xC40, s17;
	s3 =	sadd.s32 $0x2B5600, s5  }
0x7: {  	s9 =	smul.u32 $0x62000, s17;
	p0 =	sne.s32 s17, $0x0;
	s17 =	sshll.u32 s17, $0x6  }
0x8: {  	s18 =	smul.u32 $0xC400, s6;
	_ =	strace $0x80000050;
	s6 =	ssub.s32 $0x2, s6  }
0x9: {  	s17 =	sor.u32 $0x1C02, s17;
	s8 =	sadd.s32 s4, s5;
	s4 =	sadd.s32 $0x1C800, s5  }
0xa: {  	s10 =	sshrl.u32 s6, $0x1;
	s31 =	sshrl.u32 s9, $0x2;
	s9 =	sshrl.u32 @!p0 s1, $0x3  }
0xb: {  	s7 =	sadd.s32 s7, s18;
	s6 =	ssub.s32 s6, s10;
	s19 =	sadd.s32 s31, s1  }
0xc: {  	s10 =	simm.s32 $0x18800;
	s7 =	sshll.u32 s7, $0x2;
	s6 =	smax.u32 s6, $0x1  }
0xd: {  	v0 =	vmov s18;
	s18 =	sshrl.u32 s19, $0x3;
	s5 =	sadd.s32 s7, s5;
	s7 =	sadd.s32 $0x4000, s8  }
0xe: {  	s19 =	simm.s32 $0x0;
	s8 =	sadd.s32 $0x114E00, s8;
	s5 =	sadd.s32 $0x317600, s5  }
.LBB2_1:
0xf: {  	s20 =	simm.s32 @!p0 $0x1C02  }
0x10: {  	[spmem:s9], [sflag:s20] =	dma.local @!p0 [hbm:s4], $0x31000  }
0x11: {  	s20 =	simm.s32 @!p0 $0x2  }
0x12: {  	_ =	swait.ge @!p0 [sflag:s20], $0x31000  }
0x13: {  	[sflag:s20] =	ssyncset.done @!p0 $0x0  }
0x14: {  	[sflag:s20] =	ssyncadd.s32 @!p0 $0xFFFCF000  }
0x15: {  	s30 =	sadd.s32 $0x0, s8;
	[bflag:$0x0] =	sbarrier.arrive $0xFFFF  }
0x16: {  	[tilespmem:s10], [sflag:$0x2] =	stream.linear.gather [hbm4b:s30+s2], $0x80, $0x38;
	[tilespmem:$0x19980] =	vst v63  }
0x17: {  	_ =	swait.ge [sflag:s11], $0x80  }
0x18: {  	[sflag:s11] =	ssyncset.done $0x0  }
0x19: {  	s31 =	sadd.s32 $0x0, s7;
	[sflag:s11] =	ssyncadd.s32 $0xFFFFFF80  }
0x1a: {  	[tilespmem:s12], [sflag:$0x2] =	stream.linear.gather [hbm4b:s31+s2], $0x80, $0x38;
	[tilespmem:$0x19980] =	vst v63  }
0x1b: {  	_ =	swait.ge [sflag:s11], $0x80  }
0x1c: {  	[sflag:s11] =	ssyncset.done $0x0  }
0x1d: {  	[sflag:s11] =	ssyncadd.s32 $0xFFFFFF80  }
0x1e: {  	v1 =	vld [tilespmem:$0x18870]  }
0x1f: {  	v2 =	vld [tilespmem:$0x18830]  }
0x20: {  	v3 =	vld [tilespmem:$0x18850]  }
0x21: {  	v5 =	vld [tilespmem:$0x18820]  }
0x22: {  	v4 =	vld [tilespmem:$0x18860]  }
0x23: {  	v6 =	vld [tilespmem:$0x18810];
	v1 =	vadd.s32 v0, v1  }
0x24: {  	v7 =	vld [tilespmem:$0x18840];
	v2 =	vadd.s32 v0, v2;
	[tilespmem:$0x188F0] =	vst v1  }
0x25: {  	v1 =	vld [tilespmem:$0x18800];
	[tilespmem:$0x188B0] =	vst v2;
	v2 =	vadd.s32 v0, v3  }
0x26: {  	v3 =	vadd.s32 v0, v5;
	[tilespmem:$0x188D0] =	vst v2  }
0x27: {  	v2 =	vadd.s32 v0, v4;
	[tilespmem:$0x188A0] =	vst v3  }
0x28: {  	[tilespmem:$0x188E0] =	vst v2;
	v2 =	vadd.s32 v0, v6  }
0x29: {  	[tilespmem:$0x18890] =	vst v2;
	v2 =	vadd.s32 v0, v7  }
0x2a: {  	[tilespmem:$0x188C0] =	vst v2;
	v1 =	vadd.s32 v0, v1  }
0x2b: {  	s20 =	simm.s32 $0x10;
	[tilespmem:$0x18880] =	vst v1  }
.LBB2_2:
0x2c: {  	[tilespmem:s15], [sflag:$0x1] =	stream.indirect.gather [hbm4b:s3+s13], $0x20, s14, s13, $0xb8;
	[tilespmem:$0x19980] =	vst v63  }
0x2d: {  	s21 =	smov.u32 s20  }
0x2e: {  	p1 =	sne.s32 s20, $0x1860;
	s20 =	sadd.s32 $0x10, s20;
	_ =	swait.ge [sflag:s16], $0x1000  }
0x2f: {  	[sflag:s16] =	ssyncset.done $0x0  }
0x30: {  	[sflag:s16] =	ssyncadd.s32 $0xFFFFF000  }
0x31: {  	[spmem:s1] =	stream.indirect.scatter.add.f32 [tilespmem:s15], [sflag:$0x2], $0x20, s12, s13, $0xb8;
	[tilespmem:$0x19980] =	vst v63  }
0x32: {  	_ =	swait.ge [sflag:s11], $0x1000  }
0x33: {  	[sflag:s11] =	ssyncset.done $0x0  }
0x34: {  	s22 =	sadd.s32 s21, s8;
	[sflag:s11] =	ssyncadd.s32 $0xFFFFF000  }
0x35: {  	[tilespmem:s10], [sflag:$0x2] =	stream.linear.gather [hbm4b:s22+s2], $0x80, $0x38;
	[tilespmem:$0x19980] =	vst v63  }
0x36: {  	_ =	swait.ge [sflag:s11], $0x80  }
0x37: {  	[sflag:s11] =	ssyncset.done $0x0  }
0x38: {  	s21 =	sadd.s32 s21, s7;
	[sflag:s11] =	ssyncadd.s32 $0xFFFFFF80  }
0x39: {  	[tilespmem:s12], [sflag:$0x2] =	stream.linear.gather [hbm4b:s21+s2], $0x80, $0x38;
	[tilespmem:$0x19980] =	vst v63  }
0x3a: {  	_ =	swait.ge [sflag:s11], $0x80  }
0x3b: {  	[sflag:s11] =	ssyncset.done $0x0  }
0x3c: {  	[sflag:s11] =	ssyncadd.s32 $0xFFFFFF80  }
0x3d: {  	v1 =	vld [tilespmem:$0x18870]  }
0x3e: {  	v2 =	vld [tilespmem:$0x18830]  }
0x3f: {  	v3 =	vld [tilespmem:$0x18850]  }
0x40: {  	v4 =	vld [tilespmem:$0x18860]  }
0x41: {  	v5 =	vld [tilespmem:$0x18820]  }
0x42: {  	v6 =	vld [tilespmem:$0x18810];
	v1 =	vadd.s32 v0, v1  }
0x43: {  	v2 =	vadd.s32 v0, v2;
	v7 =	vld [tilespmem:$0x18840];
	[tilespmem:$0x188F0] =	vst v1  }
0x44: {  	v1 =	vld [tilespmem:$0x18800];
	[tilespmem:$0x188B0] =	vst v2;
	v2 =	vadd.s32 v0, v3  }
0x45: {  	[tilespmem:$0x188D0] =	vst v2;
	v2 =	vadd.s32 v0, v4  }
.Ltmp0:
0x46: {  	v3 =	vadd.s32 v0, v5;
	[tilespmem:$0x188E0] =	vst v2;
	(pc) =	sbr.rel @p1 .LBB2_2-.Ltmp0, $4  }
0x47: {  	v2 =	vadd.s32 v0, v6;
	[tilespmem:$0x188A0] =	vst v3  }
0x48: {  	[tilespmem:$0x18890] =	vst v2;
	v2 =	vadd.s32 v0, v7  }
0x49: {  	v1 =	vadd.s32 v0, v1;
	[tilespmem:$0x188C0] =	vst v2  }
0x4a: {  	[tilespmem:$0x18880] =	vst v1  }
0x4b: {  	[tilespmem:s15], [sflag:$0x1] =	stream.indirect.gather [hbm4b:s3+s13], $0x20, s14, s13, $0xb8;
	[tilespmem:$0x19980] =	vst v63  }
0x4c: {  	_ =	swait.ge [sflag:s16], $0x1000  }
0x4d: {  	[sflag:s16] =	ssyncset.done $0x0  }
0x4e: {  	[sflag:s16] =	ssyncadd.s32 $0xFFFFF000  }
0x4f: {  	[spmem:s1] =	stream.indirect.scatter.add.f32 [tilespmem:s15], [sflag:$0x2], $0x20, s12, s13, $0xb8;
	[tilespmem:$0x19980] =	vst v63  }
0x50: {  	_ =	swait.ge [sflag:s11], $0x1000  }
0x51: {  	s19 =	sadd.s32 $0x1, s19;
	[sflag:s11] =	ssyncset.done $0x0  }
0x52: {  	p1 =	sne.s32 s19, s6;
	[sflag:s11] =	ssyncadd.s32 $0xFFFFF000  }
.Ltmp1:
0x53: {  	[bflag:$0x0] =	sbarrier.arrive $0xFFFF;
	(pc) =	sbr.rel @p1 .LBB2_1-.Ltmp1, $4  }
0x54: {  	[hbm:s5], [sflag:s17] =	dma.local [spmem:s18], $0x3100  }
0x55: {  	_ =	swait.ge [sflag:s11], $0x3100  }
0x56: {  	[sflag:s11] =	ssyncset.done $0x0  }
0x57: {  	[sflag:s11] =	ssyncadd.s32 $0xFFFFCF00  }
0x58: {  	_ =	sfence.sel $0x180000  }
0x59: {  	[bflag:$0x0] =	sbarrier.arrive $0xFFFF  }
0x5a: {  	_ =	strace $0x90000050  }
0x5b: {  	s0 =	sadd.s32 @!p0 $0x100000, s0;
	[bflag:$0x2] =	sbarrier.arrive $0xFFFF  }
0x5c: {  	[sflag:s0] =	ssyncadd.tile.s32 @!p0 $0x1;
	_ =	shalt  }
.Lfunc_end2:
_tile_overlayer_lowered:
.L_overlay_start_2:
0x5d: {  	(tag) =	ssettag $0x2  }
0x5e: {  	s0 =	rddreg [dreg:$0x0];
	s2 =	stileid.u32  }
0x5f: {  	s1 =	rddreg [dreg:$0x1];
	p0 =	sne.s32 s2, $0x0  }
0x60: {  	s3 =	rddreg [dreg:$0x2];
	[bflag:$0x3] =	sbarrier.arrive $0xFFFF;
	s2 =	simm.s32 @!p0 $0x1C02  }
0x61: {  	[timem:s3], [sflag:s2] =	dma.local @!p0 [hbm:s0], s1  }
0x62: {  	s0 =	simm.s32 @!p0 $0x2  }
0x63: {  	_ =	swait.ge @!p0 [sflag:s0], s1  }
0x64: {  	s1 =	ssub.s32 @!p0 $0x0, s1;
	[sflag:s0] =	ssyncset.done @!p0 $0x0  }
0x65: {  	[sflag:s0] =	ssyncadd.s32 @!p0 s1  }
0x66: {  	[bflag:$0x3] =	sbarrier.arrive $0xFFFF  }
0x67: {  	_ =	shalt  }

// kernel: kernel.23.cloned.1.call-start
scs
__scs_entry_jumppad:
0x0: {  	(pc) =	sbr.rel $0x88, $3  }
0x1: {  	(tag) =	ssettag $0x0;
	lr =	simm.s32 $0x1  }
0x2: {  	[smem:$0x3F93] =	sst lr;
	_ =	strace $0xD0000000  }
0x3: {  	_ = 	snop  }
0x4: {  	_ = 	snop  }
0x5: {  	_ = 	snop  }
0x6: {  	_ = 	snop  }
0x7: {  	_ = 	snop  }
__scs_overlays_trampoline_lowered:
0x8: {  	[smem:$0x3FA2] =	sst s0  }
0x9: {  	[smem:$0x3FA3] =	sst s1  }
0xa: {  	[smem:$0x3FA4] =	sst s2  }
0xb: {  	[smem:$0x3FA5] =	sst s3  }
0xc: {  	[smem:$0x3FA6] =	sst s4  }
0xd: {  	[smem:$0x3FA7] =	sst s5  }
0xe: {  	[smem:$0x3FA8] =	sst s6  }
0xf: {  	[smem:$0x3FA9] =	sst s7  }
0x10: {  	[smem:$0x3FAA] =	sst s8  }
0x11: {  	[smem:$0x3FAB] =	sst s9;
	s0 =	simm.s32 @!p0 $0x0  }
0x12: {  	s1 =	sld [smem:$0x3F91];
	s0 =	simm.s32 @p0 $0x1  }
0x13: {  	[smem:$0x3FAC] =	sst s0;
	s0 =	simm.s32 @!p1 $0x0  }
0x14: {  	s2 =	sld [smem:$0x3F90];
	s0 =	simm.s32 @p1 $0x1  }
0x15: {  	[smem:$0x3FAD] =	sst s0;
	s0 =	simm.s32 @!p2 $0x0  }
0x16: {  	s3 =	sld [smem:$0x3FDB];
	s0 =	simm.s32 @p2 $0x1  }
0x17: {  	s4 =	simm.s32 $0x1BF5;
	[smem:$0x3FAF] =	sst s0  }
0x18: {  	s0 =	sld [smem:$0x3F92];
	_ =	swait.ge [sflag:s4], $0x0  }
0x19: {  	s7 =	sld [smem:$0x3F93]  }
0x1a: {  	s8 =	sadd.s32 $0xFFFFE003, lr  }
0x1b: {  	s9 =	sadd.s32 $0xFFFFFEF7, lr;
	s5 =	simm.s32 $0xFFFFFFFF;
	p2 =	slt.u32 s8, $0xFFFFF086  }
0x1c: {  	p1 =	slt.u32 s9, $0xF7A;
	s5 =	simm.s32 @!p2 $0x0  }
0x1d: {  	s5 =	simm.s32 @p1 $0x1;
	p0 =	seq.s32 s7, s2  }
0x1e: {  	s7 =	smul.u32 @!p0 $0xF7A, s2;
	p2 =	seq.s32 @!p0 s5, $0x0  }
0x1f: {  	s9 =	smul.u32 $0xF7A, s1;
	s8 =	simm.s32 @!p0 $0x1BF5;
	p2 =	por !p2, p0  }
0x20: {  	[sflag:s8] =	ssyncset.s32 @!p0 $0xFFFFF086;
	s6 =	sadd.s32 @!p0 s3, s7;
	s7 =	simm.s32 @!p0 $0x108  }
0x21: {  	s3 =	sadd.s32 s3, s9;
	s6 =	sadd.s32 @!p0 $0x88, s6;
	s7 =	simm.s32 @p2 $0x1082  }
0x22: {  	[simem:s7], [sflag:s8] =	dma.local @!p0 [hbm:s6], $0xF7A  }
0x23: {  	s9 =	sor.u32 $0xD0000000, s2;
	s6 =	simm.s32 $0x108;
	_ =	swait.ge @!p0 [sflag:s8], $0x0  }
0x24: {  	s3 =	sadd.s32 $0x88, s3;
	s6 =	simm.s32 @!p1 $0x1082;
	[sflag:s4] =	ssyncset.s32 $0xFFFFF086  }
0x25: {  	[simem:s6], [sflag:s4] =	dma.local [hbm:s3], $0xF7A  }
0x26: {  	[smem:$0x3F93] =	sst s1;
	(tag) =	ssettag s2;
	_ =	strace s9  }
0x27: {  	s1 =	sld [smem:$0x3FA3]  }
0x28: {  	s2 =	sld [smem:$0x3FA4]  }
0x29: {  	s4 =	sld [smem:$0x3FA6]  }
0x2a: {  	p0 =	seq.s32 s5, $0x0;
	s5 =	sld [smem:$0x3FA7]  }
0x2b: {  	s6 =	sld [smem:$0x3FA8]  }
0x2c: {  	s7 =	sld [smem:$0x3FA9]  }
0x2d: {  	s3 =	simm.s32 $0x108;
	s8 =	sld [smem:$0x3FAA]  }
0x2e: {  	s3 =	simm.s32 @!p0 $0x1082;
	s9 =	sld [smem:$0x3FAB]  }
0x2f: {  	lr =	sadd.s32 s0, s3;
	s0 =	sld [smem:$0x3FA2]  }
0x30: {  	s3 =	sld [smem:$0x3FA5]  }
0x31: {  	[smem:$0x3FAE] =	sst s10  }
0x32: {  	s10 =	sld [smem:$0x3FAC];
	_ =	sdelay $0x3  }
0x33: {  	p0 =	seq.s32 s10, $0x1;
	s10 =	sld [smem:$0x3FAE];
	_ =	sdelay $0x3  }
0x34: {  	[smem:$0x3FAE] =	sst s10  }
0x35: {  	s10 =	sld [smem:$0x3FAD];
	_ =	sdelay $0x3  }
0x36: {  	p1 =	seq.s32 s10, $0x1;
	s10 =	sld [smem:$0x3FAE];
	_ =	sdelay $0x3  }
0x37: {  	[smem:$0x3FAE] =	sst s10  }
0x38: {  	s10 =	sld [smem:$0x3FAF]  }
0x39: {  	_ = 	snop;
	(pc) =	sbr.ind lr, $3  }
0x3a: {  	_ = 	snop  }
0x3b: {  	_ = 	snop  }
0x3c: {  	p2 =	seq.s32 s10, $0x1;
	s10 =	sld [smem:$0x3FAE]  }
0x3d: {  	_ =	shalt  }
0x3e: {  	_ =	shalt  }
0x3f: {  	_ =	shalt  }
0x40: {  	_ =	shalt  }
0x41: {  	_ =	shalt  }
0x42: {  	_ =	shalt  }
0x43: {  	_ =	shalt  }
0x44: {  	_ =	shalt  }
0x45: {  	_ =	shalt  }
0x46: {  	_ =	shalt  }
0x47: {  	_ =	shalt  }
0x48: {  	_ =	shalt  }
0x49: {  	_ =	shalt  }
0x4a: {  	_ =	shalt  }
0x4b: {  	_ =	shalt  }
0x4c: {  	_ =	shalt  }
0x4d: {  	_ =	shalt  }
0x4e: {  	_ =	shalt  }
0x4f: {  	_ =	shalt  }
0x50: {  	_ =	shalt  }
0x51: {  	_ =	shalt  }
0x52: {  	_ =	shalt  }
0x53: {  	_ =	shalt  }
0x54: {  	_ =	shalt  }
0x55: {  	_ =	shalt  }
0x56: {  	_ =	shalt  }
0x57: {  	_ =	shalt  }
0x58: {  	_ =	shalt  }
0x59: {  	_ =	shalt  }
0x5a: {  	_ =	shalt  }
0x5b: {  	_ =	shalt  }
0x5c: {  	_ =	shalt  }
0x5d: {  	_ =	shalt  }
0x5e: {  	_ =	shalt  }
0x5f: {  	_ =	shalt  }
0x60: {  	_ =	shalt  }
0x61: {  	_ =	shalt  }
0x62: {  	_ =	shalt  }
0x63: {  	_ =	shalt  }
0x64: {  	_ =	shalt  }
0x65: {  	_ =	shalt  }
0x66: {  	_ =	shalt  }
0x67: {  	_ =	shalt  }
0x68: {  	_ =	shalt  }
0x69: {  	_ =	shalt  }
0x6a: {  	_ =	shalt  }
0x6b: {  	_ =	shalt  }
0x6c: {  	_ =	shalt  }
0x6d: {  	_ =	shalt  }
0x6e: {  	_ =	shalt  }
0x6f: {  	_ =	shalt  }
0x70: {  	_ =	shalt  }
0x71: {  	_ =	shalt  }
0x72: {  	_ =	shalt  }
0x73: {  	_ =	shalt  }
0x74: {  	_ =	shalt  }
0x75: {  	_ =	shalt  }
0x76: {  	_ =	shalt  }
0x77: {  	_ =	shalt  }
0x78: {  	_ =	shalt  }
0x79: {  	_ =	shalt  }
0x7a: {  	_ =	shalt  }
0x7b: {  	_ =	shalt  }
0x7c: {  	_ =	shalt  }
0x7d: {  	_ =	shalt  }
0x7e: {  	_ =	shalt  }
0x7f: {  	_ =	shalt  }
0x80: {  	_ =	shalt  }
0x81: {  	_ =	shalt  }
0x82: {  	_ =	shalt  }
0x83: {  	_ =	shalt  }
0x84: {  	_ =	shalt  }
0x85: {  	_ =	shalt  }
0x86: {  	_ =	shalt  }
0x87: {  	_ =	shalt  }
.Lfunc_end0:
.L_simem_size_0:
called_computation.4_lowered:
.L_overlay_start_0:
0x88: {  	s2 =	sld [smem:$0x3FD9]  }
0x89: {  	s3 =	sld [smem:$0x3FFE];
	_ =	sdelay $0x1  }
0x8a: {  	s1 =	srdreg.scid  }
0x8b: {  	s0 =	sand.u32 $0x1, s1  }
0x8c: {  	s16 =	sshll.u32 s0, $0xA;
	s2 =	sadd.s32 s3, s2  }
0x8d: {  	s2 =	sadd.s32 s2, s16  }
0x8e: {  	[smem:$0x3FBA] =	sst s2  }
0x8f: {  	_ = 	snop  }
0x90: {  	(tm) =	ssettm $0x1  }
0x91: {  	s17 =	sld [smem:$0x3FFB];
	_ =	sdelay $0x3  }
0x92: {  	_ =	strace s17  }
0x93: {  	s2 =	sld [smem:$0x3FFC];
	_ =	sdelay $0x3  }
0x94: {  	_ =	strace s2  }
0x95: {  	s2 =	sld [smem:$0x3FFD];
	_ =	sdelay $0x3  }
0x96: {  	_ =	strace s2  }
0x97: {  	_ =	strace $0x8FFFFFFF  }
0x98: {  	s18 =	sld [smem:$0x3FDB];
	_ =	sdelay $0x1  }
0x99: {  	s19 =	simm.s32 $_scs_section_size  }
0x9a: {  	s4 =	simm.s32 $_size__tile_overlayer_lowered;
	s5 =	simm.s32 $_tile_overlayer_lowered  }
0x9b: {  	s22 =	simm.s32 $0x1BFF;
	s21 =	sshll.u32 s5, $0x1;
	s2 =	sadd.s32 s19, s18  }
0x9c: {  	s6 =	simm.s32 $0x0;
	s20 =	sshll.u32 s4, $0x1;
	s4 =	sadd.s32 s21, s2  }
0x9d: {  	[timem:s6], [sflag:s22] =	dma.local [hbm:s4], s20  }
0x9e: {  	_ =	swait.ge [sflag:s22], s20  }
0x9f: {  	s3 =	ssub.s32 $0x0, s20;
	[sflag:s22] =	ssyncset.done $0x0  }
0xa0: {  	[sflag:s22] =	ssyncadd.s32 s3;
	_ =	sdelay $0x1  }
0xa1: {  	s23 =	simm.s32 $0x1B8B  }
0xa2: {  	_ =	swait.ge [sflag:s23], $0x1  }
0xa3: {  	[sflag:s23] =	ssyncset.done $0x0  }
0xa4: {  	s25 =	simm.s32 $0x1B8E;
	s24 =	sld [smem:$0x3FFE];
	[sflag:s23] =	ssyncadd.s32 $0xFFFFFFFF  }
0xa5: {  	s26 =	simm.s32 $execute0_lowered;
	[smem:$0x3FD2] =	sst s25  }
0xa6: {  	s4 =	sshll.u32 s26, $0x1;
	_ =	strace $0x80000052;
	[dreg:$0x1] =	wrdreg $0xFFFFFFFF  }
0xa7: {  	s28 =	simm.s32 $_size_execute0_lowered;
	s2 =	sadd.s32 s2, s4;
	[dreg:$0x0] =	wrdreg $0x0  }
0xa8: {  	s4 =	sshll.u32 s28, $0x1;
	[dreg:$0x2] =	wrdreg s2  }
0xa9: {  	[dreg:$0x3] =	wrdreg s4  }
0xaa: {  	[dreg:$0x4] =	wrdreg $0xC0  }
0xab: {  	_ =	task [dreg:s6], $0x5FFFF  }
0xac: {  	[dreg:$0x1] =	wrdreg $0xFFFFFFFF  }
0xad: {  	[dreg:$0x0] =	wrdreg $0x60  }
0xae: {  	[dreg:$0x2] =	wrdreg s24  }
0xaf: {  	[dreg:$0x3] =	wrdreg $0x0  }
0xb0: {  	[dreg:$0x4] =	wrdreg $0x9  }
0xb1: {  	_ =	task.clear_ibuf [dreg:s6], $0x5FFFF;
	_ =	strace $0x90000052  }
0xb2: {  	s29 =	simm.s32 $0x9;
	_ =	strace $0x80000054  }
0xb3: {  	_ =	swait.ge [sflag:s29], $0x1  }
0xb4: {  	[sflag:s29] =	ssyncadd.s32 $0xFFFFFFFF  }
0xb5: {  	_ =	strace $0x90000054  }
0xb6: {  	_ =	sfence  }
0xb7: {  	s30 =	sld [smem:$0x0];
	_ =	sdelay $0x2  }
0xb8: {  	s31 =	sshll.u32 s1, $0xD;
	s1 =	sshrl.u32 s1, $0x2  }
0xb9: {  	s3 =	sand.u32 $0x4000, s31;
	s1 =	sadd.s32 s1, s30  }
0xba: {  	s0 =	sor.u32 s3, s0;
	s1 =	sshll.u32 s1, $0x11  }
0xbb: {  	s0 =	sor.u32 s1, s0  }
0xbc: {  	s0 =	sadd.s32 $0x8F2B, s0  }
0xbd: {  	[sflag:s0] =	ssyncadd.remote.s32 $0x1  }
0xbe: {  	_ =	sfence.sel $0xFFFF  }
0xbf: {  	[dreg:$0x0] =	wrdreg $0xFFFFFFFF;
	(pc) =	sbr.abs _section_cstart, $3  }
0xc0: {  	[dreg:$0x1] =	wrdreg $0xFFFFFFFF  }
0xc1: {  	_ =	task.clear_ibuf [dreg:s6], $0x2FFFF;
	_ =	strace $0x9FFFFFFF  }
0xc2: {  	(tm) =	ssettm $0x7FFFFFFF  }
0xc3: {  	_ =	shalt  }
tec
execute0_lowered:
.L_overlay_start_1:
0x0: {  	(tag) =	ssettag $0x1  }
0x1: {  	s5 =	rddreg [dreg:$0x0];
	s17 =	stileid.u32  }
0x2: {  	s0 =	srdreg.scid;
	s1 =	rddreg [dreg:$0x1];
	s2 =	simm.s32 $0x0  }
0x3: {  	s11 =	simm.s32 $0x2;
	s12 =	simm.s32 $0x18900;
	s13 =	simm.s32 $0x80  }
0x4: {  	s14 =	simm.s32 $0x18880;
	s15 =	simm.s32 $0x18980;
	s16 =	simm.s32 $0x1  }
0x5: {  	s4 =	smul.u32 $0x1870, s17;
	s6 =	sand.u32 $0x1, s0;
	s0 =	rddreg [dreg:$0x2]  }
0x6: {  	[smem:$0x7FF] =	sst s2;
	s7 =	smul.u32 $0xC40, s17;
	s3 =	sadd.s32 $0x4D800, s5  }
0x7: {  	s9 =	smul.u32 $0x62000, s17;
	p0 =	sne.s32 s17, $0x0;
	s17 =	sshll.u32 s17, $0x6  }
0x8: {  	s18 =	smul.u32 $0xC400, s6;
	_ =	strace $0x80000053;
	s6 =	ssub.s32 $0x2, s6  }
0x9: {  	s17 =	sor.u32 $0x1C02, s17;
	s8 =	sadd.s32 s4, s5;
	s4 =	sadd.s32 $0x1C800, s5  }
0xa: {  	s10 =	sshrl.u32 s6, $0x1;
	s31 =	sshrl.u32 s9, $0x2;
	s9 =	sshrl.u32 @!p0 s1, $0x3  }
0xb: {  	s7 =	sadd.s32 s7, s18;
	s6 =	ssub.s32 s6, s10;
	s19 =	sadd.s32 s31, s1  }
0xc: {  	s10 =	simm.s32 $0x18800;
	s7 =	sshll.u32 s7, $0x2;
	s6 =	smax.u32 s6, $0x1  }
0xd: {  	v0 =	vmov s18;
	s18 =	sshrl.u32 s19, $0x3;
	s19 =	simm.s32 $0x0;
	s5 =	sadd.s32 s7, s5  }
0xe: {  	s7 =	sadd.s32 $0x4000, s8;
	s8 =	sadd.s32 $0x114E00, s8;
	s5 =	sadd.s32 $0xAF800, s5  }
.LBB2_1:
0xf: {  	s20 =	simm.s32 @!p0 $0x1C02  }
0x10: {  	[spmem:s9], [sflag:s20] =	dma.local @!p0 [hbm:s4], $0x31000  }
0x11: {  	s20 =	simm.s32 @!p0 $0x2  }
0x12: {  	_ =	swait.ge @!p0 [sflag:s20], $0x31000  }
0x13: {  	[sflag:s20] =	ssyncset.done @!p0 $0x0  }
0x14: {  	[sflag:s20] =	ssyncadd.s32 @!p0 $0xFFFCF000  }
0x15: {  	s30 =	sadd.s32 $0x0, s8;
	[bflag:$0x0] =	sbarrier.arrive $0xFFFF  }
0x16: {  	[tilespmem:s10], [sflag:$0x2] =	stream.linear.gather [hbm4b:s30+s2], $0x80, $0x38;
	[tilespmem:$0x19980] =	vst v63  }
0x17: {  	_ =	swait.ge [sflag:s11], $0x80  }
0x18: {  	[sflag:s11] =	ssyncset.done $0x0  }
0x19: {  	s31 =	sadd.s32 $0x0, s7;
	[sflag:s11] =	ssyncadd.s32 $0xFFFFFF80  }
0x1a: {  	[tilespmem:s12], [sflag:$0x2] =	stream.linear.gather [hbm4b:s31+s2], $0x80, $0x38;
	[tilespmem:$0x19980] =	vst v63  }
0x1b: {  	_ =	swait.ge [sflag:s11], $0x80  }
0x1c: {  	[sflag:s11] =	ssyncset.done $0x0  }
0x1d: {  	[sflag:s11] =	ssyncadd.s32 $0xFFFFFF80  }
0x1e: {  	v1 =	vld [tilespmem:$0x18870]  }
0x1f: {  	v2 =	vld [tilespmem:$0x18830]  }
0x20: {  	v3 =	vld [tilespmem:$0x18850]  }
0x21: {  	v5 =	vld [tilespmem:$0x18820]  }
0x22: {  	v4 =	vld [tilespmem:$0x18860]  }
0x23: {  	v6 =	vld [tilespmem:$0x18810];
	v1 =	vadd.s32 v0, v1  }
0x24: {  	v7 =	vld [tilespmem:$0x18840];
	v2 =	vadd.s32 v0, v2;
	[tilespmem:$0x188F0] =	vst v1  }
0x25: {  	v1 =	vld [tilespmem:$0x18800];
	[tilespmem:$0x188B0] =	vst v2;
	v2 =	vadd.s32 v0, v3  }
0x26: {  	v3 =	vadd.s32 v0, v5;
	[tilespmem:$0x188D0] =	vst v2  }
0x27: {  	v2 =	vadd.s32 v0, v4;
	[tilespmem:$0x188A0] =	vst v3  }
0x28: {  	[tilespmem:$0x188E0] =	vst v2;
	v2 =	vadd.s32 v0, v6  }
0x29: {  	[tilespmem:$0x18890] =	vst v2;
	v2 =	vadd.s32 v0, v7  }
0x2a: {  	[tilespmem:$0x188C0] =	vst v2;
	v1 =	vadd.s32 v0, v1  }
0x2b: {  	s20 =	simm.s32 $0x10;
	[tilespmem:$0x18880] =	vst v1  }
.LBB2_2:
0x2c: {  	[tilespmem:s15], [sflag:$0x1] =	stream.indirect.gather [hbm4b:s3+s13], $0x20, s14, s13, $0xb8;
	[tilespmem:$0x19980] =	vst v63  }
0x2d: {  	s21 =	smov.u32 s20  }
0x2e: {  	p1 =	sne.s32 s20, $0x1860;
	s20 =	sadd.s32 $0x10, s20;
	_ =	swait.ge [sflag:s16], $0x1000  }
0x2f: {  	[sflag:s16] =	ssyncset.done $0x0  }
0x30: {  	[sflag:s16] =	ssyncadd.s32 $0xFFFFF000  }
0x31: {  	[spmem:s1] =	stream.indirect.scatter.add.f32 [tilespmem:s15], [sflag:$0x2], $0x20, s12, s13, $0xb8;
	[tilespmem:$0x19980] =	vst v63  }
0x32: {  	_ =	swait.ge [sflag:s11], $0x1000  }
0x33: {  	[sflag:s11] =	ssyncset.done $0x0  }
0x34: {  	s22 =	sadd.s32 s21, s8;
	[sflag:s11] =	ssyncadd.s32 $0xFFFFF000  }
0x35: {  	[tilespmem:s10], [sflag:$0x2] =	stream.linear.gather [hbm4b:s22+s2], $0x80, $0x38;
	[tilespmem:$0x19980] =	vst v63  }
0x36: {  	_ =	swait.ge [sflag:s11], $0x80  }
0x37: {  	[sflag:s11] =	ssyncset.done $0x0  }
0x38: {  	s21 =	sadd.s32 s21, s7;
	[sflag:s11] =	ssyncadd.s32 $0xFFFFFF80  }
0x39: {  	[tilespmem:s12], [sflag:$0x2] =	stream.linear.gather [hbm4b:s21+s2], $0x80, $0x38;
	[tilespmem:$0x19980] =	vst v63  }
0x3a: {  	_ =	swait.ge [sflag:s11], $0x80  }
0x3b: {  	[sflag:s11] =	ssyncset.done $0x0  }
0x3c: {  	[sflag:s11] =	ssyncadd.s32 $0xFFFFFF80  }
0x3d: {  	v1 =	vld [tilespmem:$0x18870]  }
0x3e: {  	v2 =	vld [tilespmem:$0x18830]  }
0x3f: {  	v3 =	vld [tilespmem:$0x18850]  }
0x40: {  	v4 =	vld [tilespmem:$0x18860]  }
0x41: {  	v5 =	vld [tilespmem:$0x18820]  }
0x42: {  	v6 =	vld [tilespmem:$0x18810];
	v1 =	vadd.s32 v0, v1  }
0x43: {  	v2 =	vadd.s32 v0, v2;
	v7 =	vld [tilespmem:$0x18840];
	[tilespmem:$0x188F0] =	vst v1  }
0x44: {  	v1 =	vld [tilespmem:$0x18800];
	[tilespmem:$0x188B0] =	vst v2;
	v2 =	vadd.s32 v0, v3  }
0x45: {  	[tilespmem:$0x188D0] =	vst v2;
	v2 =	vadd.s32 v0, v4  }
.Ltmp0:
0x46: {  	v3 =	vadd.s32 v0, v5;
	[tilespmem:$0x188E0] =	vst v2;
	(pc) =	sbr.rel @p1 .LBB2_2-.Ltmp0, $4  }
0x47: {  	v2 =	vadd.s32 v0, v6;
	[tilespmem:$0x188A0] =	vst v3  }
0x48: {  	[tilespmem:$0x18890] =	vst v2;
	v2 =	vadd.s32 v0, v7  }
0x49: {  	v1 =	vadd.s32 v0, v1;
	[tilespmem:$0x188C0] =	vst v2  }
0x4a: {  	[tilespmem:$0x18880] =	vst v1  }
0x4b: {  	[tilespmem:s15], [sflag:$0x1] =	stream.indirect.gather [hbm4b:s3+s13], $0x20, s14, s13, $0xb8;
	[tilespmem:$0x19980] =	vst v63  }
0x4c: {  	_ =	swait.ge [sflag:s16], $0x1000  }
0x4d: {  	[sflag:s16] =	ssyncset.done $0x0  }
0x4e: {  	[sflag:s16] =	ssyncadd.s32 $0xFFFFF000  }
0x4f: {  	[spmem:s1] =	stream.indirect.scatter.add.f32 [tilespmem:s15], [sflag:$0x2], $0x20, s12, s13, $0xb8;
	[tilespmem:$0x19980] =	vst v63  }
0x50: {  	_ =	swait.ge [sflag:s11], $0x1000  }
0x51: {  	s19 =	sadd.s32 $0x1, s19;
	[sflag:s11] =	ssyncset.done $0x0  }
0x52: {  	p1 =	sne.s32 s19, s6;
	[sflag:s11] =	ssyncadd.s32 $0xFFFFF000  }
.Ltmp1:
0x53: {  	[bflag:$0x0] =	sbarrier.arrive $0xFFFF;
	(pc) =	sbr.rel @p1 .LBB2_1-.Ltmp1, $4  }
0x54: {  	[hbm:s5], [sflag:s17] =	dma.local [spmem:s18], $0x3100  }
0x55: {  	_ =	swait.ge [sflag:s11], $0x3100  }
0x56: {  	[sflag:s11] =	ssyncset.done $0x0  }
0x57: {  	[sflag:s11] =	ssyncadd.s32 $0xFFFFCF00  }
0x58: {  	_ =	sfence.sel $0x180000  }
0x59: {  	[bflag:$0x0] =	sbarrier.arrive $0xFFFF  }
0x5a: {  	_ =	strace $0x90000053  }
0x5b: {  	s0 =	sadd.s32 @!p0 $0x100000, s0;
	[bflag:$0x2] =	sbarrier.arrive $0xFFFF  }
0x5c: {  	[sflag:s0] =	ssyncadd.tile.s32 @!p0 $0x1;
	_ =	shalt  }
.Lfunc_end2:
_tile_overlayer_lowered:
.L_overlay_start_2:
0x5d: {  	(tag) =	ssettag $0x2  }
0x5e: {  	s0 =	rddreg [dreg:$0x0];
	s2 =	stileid.u32  }
0x5f: {  	s1 =	rddreg [dreg:$0x1];
	p0 =	sne.s32 s2, $0x0  }
0x60: {  	s3 =	rddreg [dreg:$0x2];
	[bflag:$0x3] =	sbarrier.arrive $0xFFFF;
	s2 =	simm.s32 @!p0 $0x1C02  }
0x61: {  	[timem:s3], [sflag:s2] =	dma.local @!p0 [hbm:s0], s1  }
0x62: {  	s0 =	simm.s32 @!p0 $0x2  }
0x63: {  	_ =	swait.ge @!p0 [sflag:s0], s1  }
0x64: {  	s1 =	ssub.s32 @!p0 $0x0, s1;
	[sflag:s0] =	ssyncset.done @!p0 $0x0  }
0x65: {  	[sflag:s0] =	ssyncadd.s32 @!p0 s1  }
0x66: {  	[bflag:$0x3] =	sbarrier.arrive $0xFFFF  }
0x67: {  	_ =	shalt  }

</sc_bundles>
